<compile_context>
chip_gen: v7x
topology: tpu7x:2x2x1
jax: 0.10.2.dev20260603
libtpu: 0.0.44.dev20260713+nightly
codegen_flags: <defaults>
</compile_context>

<pallas_src>
import functools

import jax
import jax.numpy as jnp
from jax import lax
from jax.experimental import pallas as pl
from jax.experimental.pallas import tpu as pltpu
from jax.experimental.pallas import tpu_sc as plsc

_N = 10000
_E = 320000
_D = 128
_H = 64
_NC = 2
_NS = 16
_NW = _NC * _NS
_K = 128
_TB = 2560
_EP = _TB * _K
_NB0 = 128
_NB1 = 32
_NBMAX = max(_NB0, _NB1)
_NP = _N + 16


def _dense1_body(x_ref, wlf_ref, wlb_ref, wrf_ref, wrb_ref, blf_ref, blb_ref,
                 yf_ref, yb_ref, xr_ref):
    x = x_ref[...]
    z16 = jnp.zeros((16, _H), jnp.bfloat16)
    yf_ref[pl.ds(0, _N), :] = jnp.dot(
        x, wlf_ref[...],
        preferred_element_type=jnp.float32).astype(jnp.bfloat16)
    yf_ref[pl.ds(_N, 16), :] = z16
    yb_ref[pl.ds(0, _N), :] = jnp.dot(
        x, wlb_ref[...],
        preferred_element_type=jnp.float32).astype(jnp.bfloat16)
    yb_ref[pl.ds(_N, 16), :] = z16
    wr = wrf_ref[...] + wrb_ref[...]
    xr_ref[...] = (jnp.dot(x, wr, preferred_element_type=jnp.float32)
                   + blf_ref[...] + blb_ref[...])


def _dense1(x, wlf, wlb, wrf, wrb, blf, blb):
    f32 = jnp.float32
    return pl.pallas_call(
        _dense1_body,
        out_shape=[jax.ShapeDtypeStruct((_NP, _H), jnp.bfloat16),
                   jax.ShapeDtypeStruct((_NP, _H), jnp.bfloat16),
                   jax.ShapeDtypeStruct((_N, _H), f32)],
    )(x, wlf, wlb, wrf, wrb, blf.reshape(1, _H), blb.reshape(1, _H))


def _sc_agg_body(with_counts, yf_h, yb_h, src_h, dst_h, zrows_h, *refs):
    if with_counts:
        (zcnt_h, accf_o, accb_o, cnt_o, srcs_v, dsts_v, rows0, rows1,
         ones_v, acc_sh, cnt_sh, sem0, sem1) = refs
    else:
        (accf_o, accb_o, srcs_v, dsts_v, rows0, rows1,
         acc_sh, sem0, sem1) = refs
    cid = lax.axis_index("c")
    sid = lax.axis_index("s")
    base = jnp.where(cid == 0, sid * _NB0, _NS * _NB0 + sid * _NB1)
    nb = jnp.where(cid == 0, _NB0, _NB1)
    nbh = jnp.where(cid == 0, _NB0 // 2, _NB1 // 2)

    if with_counts:
        for j in range(_K // 16):
            ones_v[pl.ds(j * 16, 16)] = jnp.ones((16,), jnp.float32)

    pltpu.sync_copy(src_h.at[pl.ds(base, _NBMAX), :], srcs_v)
    pltpu.sync_copy(dst_h.at[pl.ds(base, _NBMAX), :], dsts_v)

    for phase in range(2):
        tbl_h = yf_h if phase == 0 else yb_h
        gat_v, sct_v = (srcs_v, dsts_v) if phase == 0 else (dsts_v, srcs_v)
        acc_o = accf_o if phase == 0 else accb_o

        @pl.when(sid < 10)
        def _zero():
            pltpu.sync_copy(zrows_h, acc_sh.at[pl.ds(sid * 1000, 1000), :])
            if with_counts:
                pltpu.sync_copy(zcnt_h, cnt_sh.at[pl.ds(sid * 1000, 1000)])
        plsc.subcore_barrier()

        pltpu.async_copy(tbl_h.at[gat_v.at[0]], rows0, sem0)

        def step(p, _):
            b = 2 * p
            pltpu.async_copy(tbl_h.at[gat_v.at[b + 1]], rows1, sem1)
            pltpu.make_async_copy(tbl_h.at[gat_v.at[b]], rows0, sem0).wait()
            pltpu.sync_copy(rows0, acc_sh.at[sct_v.at[b]], add=True)
            if with_counts:
                pltpu.sync_copy(ones_v, cnt_sh.at[sct_v.at[b]], add=True)

            @pl.when(b + 2 < nb)
            def _issue_next():
                pltpu.async_copy(tbl_h.at[gat_v.at[b + 2]], rows0, sem0)
            pltpu.make_async_copy(tbl_h.at[gat_v.at[b + 1]], rows1,
                                  sem1).wait()
            pltpu.sync_copy(rows1, acc_sh.at[sct_v.at[b + 1]], add=True)
            if with_counts:
                pltpu.sync_copy(ones_v, cnt_sh.at[sct_v.at[b + 1]],
                                add=True)
            return 0
        lax.fori_loop(0, nbh, step, 0)
        plsc.subcore_barrier()

        @pl.when(sid < 10)
        def _acc_out():
            pltpu.sync_copy(acc_sh.at[pl.ds(sid * 1000, 1000), :],
                            acc_o.at[cid, pl.ds(sid * 1000, 1000), :])
            if with_counts:
                pltpu.sync_copy(
                    cnt_sh.at[pl.ds(sid * 1000, 1000)],
                    cnt_o.at[pl.ds((cid * 2 + phase) * _N + sid * 1000,
                                   1000)])


def _sc_agg(yf, yb, src, dst, with_counts):
    f32 = jnp.float32
    mesh = plsc.VectorSubcoreMesh(core_axis_name="c", subcore_axis_name="s",
                                  num_cores=_NC, num_subcores=_NS)
    bf16 = jnp.bfloat16
    out_type = [jax.ShapeDtypeStruct((_NC, _N, _H), bf16),
                jax.ShapeDtypeStruct((_NC, _N, _H), bf16)]
    scratch = [
        pltpu.VMEM((_NBMAX, _K), jnp.int32),
        pltpu.VMEM((_NBMAX, _K), jnp.int32),
        pltpu.VMEM((_K, _H), bf16),
        pltpu.VMEM((_K, _H), bf16),
    ]
    if with_counts:
        out_type.append(jax.ShapeDtypeStruct((_NC * 2 * _N,), f32))
        scratch.append(pltpu.VMEM((_K,), f32))
    scratch.append(pltpu.VMEM_SHARED((_NP, _H), bf16))
    if with_counts:
        scratch.append(pltpu.VMEM_SHARED((_NP,), f32))
    scratch += [pltpu.SemaphoreType.DMA] * 2
    kern = pl.kernel(
        functools.partial(_sc_agg_body, with_counts),
        out_type=out_type,
        mesh=mesh,
        scratch_types=scratch,
        compiler_params=pltpu.CompilerParams(use_tc_tiling_on_sc=False),
    )
    zrows = jnp.zeros((1000, _H), bf16)
    if with_counts:
        return kern(yf, yb, src, dst, zrows, jnp.zeros((1000,), f32))
    return kern(yf, yb, src, dst, zrows)


def _combine1_body(accf_ref, accb_ref, cnt_ref, xr_ref, g_ref, be_ref,
                   wlf_ref, wlb_ref, wrf_ref, wrb_ref, blf_ref, blb_ref,
                   yf_ref, yb_ref, xr2_ref, cd_ref, cs_ref):
    sf = (accf_ref[0].astype(jnp.float32) + accf_ref[1].astype(jnp.float32))
    sb = (accb_ref[0].astype(jnp.float32) + accb_ref[1].astype(jnp.float32))
    cd = jnp.maximum(cnt_ref[0, 0] + cnt_ref[1, 0], 1.0)
    cs = jnp.maximum(cnt_ref[0, 1] + cnt_ref[1, 1], 1.0)
    cd_ref[...] = cd
    cs_ref[...] = cs
    pre = sf * (1.0 / cd)[:, None] + sb * (1.0 / cs)[:, None] + xr_ref[...]
    m = jnp.mean(pre, axis=0, keepdims=True)
    c = pre - m
    v = jnp.mean(c * c, axis=0, keepdims=True)
    h = jnp.maximum(c * jax.lax.rsqrt(v + 1e-5) * g_ref[...] + be_ref[...],
                    0.0)
    z16 = jnp.zeros((16, _H), jnp.bfloat16)
    yf_ref[pl.ds(0, _N), :] = jnp.dot(
        h, wlf_ref[...],
        preferred_element_type=jnp.float32).astype(jnp.bfloat16)
    yf_ref[pl.ds(_N, 16), :] = z16
    yb_ref[pl.ds(0, _N), :] = jnp.dot(
        h, wlb_ref[...],
        preferred_element_type=jnp.float32).astype(jnp.bfloat16)
    yb_ref[pl.ds(_N, 16), :] = z16
    wr = wrf_ref[...] + wrb_ref[...]
    xr2_ref[...] = (jnp.dot(h, wr, preferred_element_type=jnp.float32)
                    + blf_ref[...] + blb_ref[...])


def _combine1(accf, accb, cnt, xr, g, be, wlf, wlb, wrf, wrb, blf, blb):
    f32 = jnp.float32
    return pl.pallas_call(
        _combine1_body,
        out_shape=[jax.ShapeDtypeStruct((_NP, _H), jnp.bfloat16),
                   jax.ShapeDtypeStruct((_NP, _H), jnp.bfloat16),
                   jax.ShapeDtypeStruct((_N, _H), f32),
                   jax.ShapeDtypeStruct((_N,), f32),
                   jax.ShapeDtypeStruct((_N,), f32)],
    )(accf, accb, cnt, xr, g.reshape(1, _H), be.reshape(1, _H),
      wlf, wlb, wrf, wrb, blf.reshape(1, _H), blb.reshape(1, _H))


def _combine2_body(accf_ref, accb_ref, cd_ref, cs_ref, xr_ref, g_ref, be_ref,
                   out_ref):
    sf = (accf_ref[0].astype(jnp.float32) + accf_ref[1].astype(jnp.float32))
    sb = (accb_ref[0].astype(jnp.float32) + accb_ref[1].astype(jnp.float32))
    pre = (sf * (1.0 / cd_ref[...])[:, None]
           + sb * (1.0 / cs_ref[...])[:, None] + xr_ref[...])
    m = jnp.mean(pre, axis=0, keepdims=True)
    c = pre - m
    v = jnp.mean(c * c, axis=0, keepdims=True)
    h = jnp.maximum(c * jax.lax.rsqrt(v + 1e-5) * g_ref[...] + be_ref[...],
                    0.0)
    out_ref[...] = jnp.max(h, axis=0, keepdims=True)


def _combine2(accf, accb, cd, cs, xr, g, be):
    f32 = jnp.float32
    out = pl.pallas_call(
        _combine2_body,
        out_shape=jax.ShapeDtypeStruct((1, _H), f32),
    )(accf, accb, cd, cs, xr, g.reshape(1, _H), be.reshape(1, _H))
    return out.reshape(_H)


def kernel(x, edge_index, Wl_f1, bl_f1, Wr_f1, Wl_b1, bl_b1, Wr_b1,
           Wl_f2, bl_f2, Wr_f2, Wl_b2, bl_b2, Wr_b2, g1, be1, g2, be2):
    pad = jnp.full(((_TB + 64) * _K - _E,), _N, jnp.int32)
    src = jnp.concatenate([edge_index[0], pad]).reshape(_TB + 64, _K)
    dst = jnp.concatenate([edge_index[1], pad]).reshape(_TB + 64, _K)
    yf1, yb1, xr1 = _dense1(x, Wl_f1, Wl_b1, Wr_f1, Wr_b1, bl_f1, bl_b1)
    accf1, accb1, cnt_flat = _sc_agg(yf1, yb1, src, dst, with_counts=True)
    cnt = cnt_flat.reshape(_NC, 2, _N)
    yf2, yb2, xr2, cd, cs = _combine1(accf1, accb1, cnt, xr1, g1, be1,
                                      Wl_f2, Wl_b2, Wr_f2, Wr_b2,
                                      bl_f2, bl_b2)
    accf2, accb2 = _sc_agg(yf2, yb2, src, dst, with_counts=False)
    return _combine2(accf2, accb2, cd, cs, xr2, g2, be2)

# --- scband reference (transcript-rebuilt; emitter-appended) ---
"""Pipeline reference for scband-task-dagencoder-16690242912871 (READ-ONLY COPY).

The authoritative reference and input builder live on the scoring server;
editing this copy changes nothing except your own understanding.
"""

import jax, jax.numpy as jnp
import numpy as np

N = 10000
E = 320000
D = 128
H = 64


def setup_inputs(seed: int = 0) -> dict:
    key = jax.random.key(seed)
    ks = jax.random.split(key, 20)
    inp = {}
    inp["x"] = jax.random.normal(ks[0], (N, D), dtype=jnp.float32)
    inp["edge_index"] = jax.random.randint(ks[1], (2, E), 0, N, dtype=jnp.int32)
    def mkw(k, fan_in, fan_out):
        return jax.random.normal(k, (fan_in, fan_out), dtype=jnp.float32) / np.sqrt(fan_in)
    # conv_fwd1 / conv_bwd1: in=D, out=H
    inp["Wl_f1"] = mkw(ks[2], D, H); inp["bl_f1"] = jnp.zeros((H,), jnp.float32); inp["Wr_f1"] = mkw(ks[3], D, H)
    inp["Wl_b1"] = mkw(ks[4], D, H); inp["bl_b1"] = jnp.zeros((H,), jnp.float32); inp["Wr_b1"] = mkw(ks[5], D, H)
    # conv_fwd2 / conv_bwd2: in=H, out=H
    inp["Wl_f2"] = mkw(ks[6], H, H); inp["bl_f2"] = jnp.zeros((H,), jnp.float32); inp["Wr_f2"] = mkw(ks[7], H, H)
    inp["Wl_b2"] = mkw(ks[8], H, H); inp["bl_b2"] = jnp.zeros((H,), jnp.float32); inp["Wr_b2"] = mkw(ks[9], H, H)
    # batchnorm affine params
    inp["g1"] = jnp.ones((H,), jnp.float32); inp["be1"] = jnp.zeros((H,), jnp.float32)
    inp["g2"] = jnp.ones((H,), jnp.float32); inp["be2"] = jnp.zeros((H,), jnp.float32)
    return inp


def _sage(x, src, dst, Wl, bl, Wr):
    # PyG SAGEConv with mean aggregation: lin_l(mean_j x_j) + lin_r(x)
    msgs = jnp.take(x, src, axis=0)
    s = jax.ops.segment_sum(msgs, dst, num_segments=N)
    cnt = jax.ops.segment_sum(jnp.ones((src.shape[0],), x.dtype), dst, num_segments=N)
    mean = s / jnp.maximum(cnt, 1.0)[:, None]
    return mean @ Wl + bl + x @ Wr


def _bn(h, g, b):
    m = jnp.mean(h, axis=0)
    v = jnp.var(h, axis=0)
    return (h - m) / jnp.sqrt(v + 1e-5) * g + b


def reference(x, edge_index, Wl_f1, bl_f1, Wr_f1, Wl_b1, bl_b1, Wr_b1, Wl_f2, bl_f2, Wr_f2, Wl_b2, bl_b2, Wr_b2, g1, be1, g2, be2):
    src = edge_index[0]
    dst = edge_index[1]
    # edge_index_rev = edge_index.flip(0) -> swap src/dst
    h_fwd = _sage(x, src, dst, Wl_f1, bl_f1, Wr_f1)
    h_bwd = _sage(x, dst, src, Wl_b1, bl_b1, Wr_b1)
    h = jax.nn.relu(_bn(h_fwd + h_bwd, g1, be1))
    h_fwd2 = _sage(h, src, dst, Wl_f2, bl_f2, Wr_f2)
    h_bwd2 = _sage(h, dst, src, Wl_b2, bl_b2, Wr_b2)
    h2 = jax.nn.relu(_bn(h_fwd2 + h_bwd2, g2, be2))
    return jnp.max(h2, axis=0)

if __name__ == "__main__":
    import jax
    _d = setup_inputs()
    print(jax.jit(kernel)(*tuple(_d.values())))

</pallas_src>

<mosaic_0001>
#map = affine_map<(d0, d1) -> (0, 0)>
#map1 = affine_map<(d0, d1) -> (0, 0, 0)>
module attributes {stable_mosaic.version = 14 : i64} {
  func.func @_sc_agg_body(%arg0: i32, %arg1: i32, %arg2: memref<10016x64xbf16, #tpu.memory_space<hbm>>, %arg3: memref<10016x64xbf16, #tpu.memory_space<hbm>>, %arg4: memref<2624x128xi32, #tpu.memory_space<hbm>>, %arg5: memref<2624x128xi32, #tpu.memory_space<hbm>>, %arg6: memref<1000x64xbf16, #tpu.memory_space<hbm>>, %arg7: memref<2x10000x64xbf16, #tpu.memory_space<hbm>>, %arg8: memref<2x10000x64xbf16, #tpu.memory_space<hbm>>, %arg9: memref<128x128xi32, #tpu.memory_space<vmem>>, %arg10: memref<128x128xi32, #tpu.memory_space<vmem>>, %arg11: memref<128x64xbf16, #tpu.memory_space<vmem>>, %arg12: memref<128x64xbf16, #tpu.memory_space<vmem>>, %arg13: memref<10016x64xbf16, #tpu.memory_space<vmem_shared>>, %arg14: memref<!tpu.dma_semaphore, #tpu.memory_space<semaphore_mem>>, %arg15: memref<!tpu.dma_semaphore, #tpu.memory_space<semaphore_mem>>) attributes {dimension_semantics = [#tpu.dimension_semantics<core_parallel>, #tpu.dimension_semantics<subcore_parallel>], iteration_bounds = array<i64: 2, 16>, scalar_prefetch = 0 : i64, scratch_operands = 7 : i64, tpu.core_type = #tpu.core_type<sc_vector_subcore>, window_params = [{transform_indices = #map}, {transform_indices = #map}, {transform_indices = #map}, {transform_indices = #map}, {transform_indices = #map}, {transform_indices = #map1}, {transform_indices = #map1}]} {
    %eq3A = arith.constant 0 : i32
    %eq3A_0 = arith.cmpi eq, %arg0, %eq3A : i32
    %mul3A = arith.constant 128 : i32
    %mul3A_1 = arith.muli %arg1, %mul3A : i32
    %mul3A_2 = arith.constant 32 : i32
    %mul3A_3 = arith.muli %arg1, %mul3A_2 : i32
    %add3A = arith.constant 2048 : i32
    %add3A_4 = arith.addi %add3A, %mul3A_3 : i32
    %select_n3A = arith.select %eq3A_0, %mul3A_1, %add3A_4 : i32
    %eq3A_5 = arith.constant 0 : i32
    %eq3A_6 = arith.cmpi eq, %arg0, %eq3A_5 : i32
    %jit3A = arith.constant 128 : i32
    %jit3A_7 = arith.constant 32 : i32
    %select_n3A_8 = arith.select %eq3A_6, %jit3A, %jit3A_7 : i32
    %eq3A_9 = arith.constant 0 : i32
    %eq3A_10 = arith.cmpi eq, %arg0, %eq3A_9 : i32
    %jit3A_11 = arith.constant 64 : i32
    %jit3A_12 = arith.constant 16 : i32
    %select_n3A_13 = arith.select %eq3A_10, %jit3A_11, %jit3A_12 : i32
    "tpu.region"() ({
      %run_scoped3A = tpu.sem_alloc : memref<!tpu.dma_semaphore, #tpu.memory_space<semaphore_mem>>
      %dma_start3A_70 = arith.constant 0 : i32
      %dma_start3A_71 = tpu.memref_slice %arg4[%select_n3A, %dma_start3A_70] : memref<2624x128xi32, #tpu.memory_space<hbm>> -> memref<128x128xi32, #tpu.memory_space<hbm>>
      %dma_start3A_72 = arith.constant 0 : i32
      %dma_start3A_73 = tpu.memref_slice %arg4[%select_n3A, %dma_start3A_72] : memref<2624x128xi32, #tpu.memory_space<hbm>> -> memref<128x128xi32, #tpu.memory_space<hbm>>
      tpu.enqueue_dma source(%dma_start3A_73 : memref<128x128xi32, #tpu.memory_space<hbm>>) target(%arg9 : memref<128x128xi32, #tpu.memory_space<vmem>>) target_semaphore(%run_scoped3A : memref<!tpu.dma_semaphore, #tpu.memory_space<semaphore_mem>>)
      %dma_wait3A = arith.constant 0 : i32
      %dma_wait3A_74 = tpu.memref_slice %arg4[%select_n3A, %dma_wait3A] : memref<2624x128xi32, #tpu.memory_space<hbm>> -> memref<128x128xi32, #tpu.memory_space<hbm>>
      %dma_wait3A_75 = arith.constant 0 : i32
      %dma_wait3A_76 = tpu.memref_slice %arg4[%select_n3A, %dma_wait3A_75] : memref<2624x128xi32, #tpu.memory_space<hbm>> -> memref<128x128xi32, #tpu.memory_space<hbm>>
      tpu.wait_dma2 semaphore(%run_scoped3A : memref<!tpu.dma_semaphore, #tpu.memory_space<semaphore_mem>>) src(%dma_wait3A_76 : memref<128x128xi32, #tpu.memory_space<hbm>>) dst(%arg9 : memref<128x128xi32, #tpu.memory_space<vmem>>)
      tpu.yield
    }) : () -> ()
    "tpu.region"() ({
      %run_scoped3A = tpu.sem_alloc : memref<!tpu.dma_semaphore, #tpu.memory_space<semaphore_mem>>
      %dma_start3A_70 = arith.constant 0 : i32
      %dma_start3A_71 = tpu.memref_slice %arg5[%select_n3A, %dma_start3A_70] : memref<2624x128xi32, #tpu.memory_space<hbm>> -> memref<128x128xi32, #tpu.memory_space<hbm>>
      %dma_start3A_72 = arith.constant 0 : i32
      %dma_start3A_73 = tpu.memref_slice %arg5[%select_n3A, %dma_start3A_72] : memref<2624x128xi32, #tpu.memory_space<hbm>> -> memref<128x128xi32, #tpu.memory_space<hbm>>
      tpu.enqueue_dma source(%dma_start3A_73 : memref<128x128xi32, #tpu.memory_space<hbm>>) target(%arg10 : memref<128x128xi32, #tpu.memory_space<vmem>>) target_semaphore(%run_scoped3A : memref<!tpu.dma_semaphore, #tpu.memory_space<semaphore_mem>>)
      %dma_wait3A = arith.constant 0 : i32
      %dma_wait3A_74 = tpu.memref_slice %arg5[%select_n3A, %dma_wait3A] : memref<2624x128xi32, #tpu.memory_space<hbm>> -> memref<128x128xi32, #tpu.memory_space<hbm>>
      %dma_wait3A_75 = arith.constant 0 : i32
      %dma_wait3A_76 = tpu.memref_slice %arg5[%select_n3A, %dma_wait3A_75] : memref<2624x128xi32, #tpu.memory_space<hbm>> -> memref<128x128xi32, #tpu.memory_space<hbm>>
      tpu.wait_dma2 semaphore(%run_scoped3A : memref<!tpu.dma_semaphore, #tpu.memory_space<semaphore_mem>>) src(%dma_wait3A_76 : memref<128x128xi32, #tpu.memory_space<hbm>>) dst(%arg10 : memref<128x128xi32, #tpu.memory_space<vmem>>)
      tpu.yield
    }) : () -> ()
    %lt3A = arith.constant 10 : i32
    %lt3A_14 = arith.cmpi slt, %arg1, %lt3A : i32
    %convert_element_type3A = arith.extui %lt3A_14 : i1 to i32
    %cond3A = arith.constant 0 : i32
    %cond3A_15 = arith.cmpi ne, %convert_element_type3A, %cond3A : i32
    scf.if %cond3A_15 {
      %mul3A_70 = arith.constant 1000 : i32
      %mul3A_71 = arith.muli %arg1, %mul3A_70 : i32
      "tpu.region"() ({
        %run_scoped3A = tpu.sem_alloc : memref<!tpu.dma_semaphore, #tpu.memory_space<semaphore_mem>>
        %dma_start3A_72 = arith.constant 0 : i32
        %dma_start3A_73 = tpu.memref_slice %arg13[%mul3A_71, %dma_start3A_72] : memref<10016x64xbf16, #tpu.memory_space<vmem_shared>> -> memref<1000x64xbf16, #tpu.memory_space<vmem_shared>>
        tpu.enqueue_dma source(%arg6 : memref<1000x64xbf16, #tpu.memory_space<hbm>>) target(%dma_start3A_73 : memref<1000x64xbf16, #tpu.memory_space<vmem_shared>>) target_semaphore(%run_scoped3A : memref<!tpu.dma_semaphore, #tpu.memory_space<semaphore_mem>>)
        %dma_wait3A = arith.constant 0 : i32
        %dma_wait3A_74 = tpu.memref_slice %arg13[%mul3A_71, %dma_wait3A] : memref<10016x64xbf16, #tpu.memory_space<vmem_shared>> -> memref<1000x64xbf16, #tpu.memory_space<vmem_shared>>
        tpu.wait_dma2 semaphore(%run_scoped3A : memref<!tpu.dma_semaphore, #tpu.memory_space<semaphore_mem>>) src(%arg6 : memref<1000x64xbf16, #tpu.memory_space<hbm>>) dst(%dma_wait3A_74 : memref<1000x64xbf16, #tpu.memory_space<vmem_shared>>)
        tpu.yield
      }) : () -> ()
    } else {
    }
    %barrier3A = arith.constant 0 : index
    tpu.barrier barrier_id(%barrier3A)
    %dma_start3A = arith.constant 0 : i32
    %dma_start3A_16 = arith.constant 0 : i32
    %dma_start3A_17 = tpu.memref_slice %arg9[%dma_start3A, %dma_start3A_16] : memref<128x128xi32, #tpu.memory_space<vmem>> -> memref<1x128xi32, #tpu.memory_space<vmem>>
    %dma_start3A_18 = tpu.memref_squeeze %dma_start3A_17 : memref<1x128xi32, #tpu.memory_space<vmem>> -> memref<128xi32, #tpu.memory_space<vmem>>
    %dma_start3A_19 = arith.constant 0 : i32
    %dma_start3A_20 = arith.constant 0 : i32
    %dma_start3A_21 = tpu.memref_slice %arg2[%dma_start3A_19, %dma_start3A_20] : memref<10016x64xbf16, #tpu.memory_space<hbm>> -> memref<10016x64xbf16, #tpu.memory_space<hbm>>
    tpu.enqueue_indirect_dma source(%dma_start3A_21 : memref<10016x64xbf16, #tpu.memory_space<hbm>>) target(%arg11 : memref<128x64xbf16, #tpu.memory_space<vmem>>) offsets(%dma_start3A_18 : memref<128xi32, #tpu.memory_space<vmem>>) semaphore(%arg14 : memref<!tpu.dma_semaphore, #tpu.memory_space<semaphore_mem>>)
    %while3A = arith.constant 0 : i32
    %while3A_22 = arith.constant 0 : i32
    %while3A_23 = arith.subi %select_n3A_13, %while3A : i32
    %while3A_24 = arith.addi %while3A, %while3A_23 : i32
    %while3A_25 = arith.constant 1 : i32
    %while3A_26 = arith.divsi %while3A_23, %while3A_25 : i32
    %while3A_27 = arith.muli %while3A_26, %while3A_25 : i32
    %while3A_28 = arith.addi %while3A, %while3A_27 : i32
    %while3A_29 = arith.constant 1 : i32
    %while3A_30 = scf.for %while3A_70 = %while3A to %while3A_28 step %while3A_29 iter_args(%while3A_71 = %while3A_22) -> (i32)  : i32 {
      %mul3A_72 = arith.constant 2 : i32
      %mul3A_73 = arith.muli %mul3A_72, %while3A_70 : i32
      %add3A_74 = arith.constant 1 : i32
      %add3A_75 = arith.addi %mul3A_73, %add3A_74 : i32
      %dma_start3A_76 = arith.constant 0 : i32
      %dma_start3A_77 = tpu.memref_slice %arg9[%add3A_75, %dma_start3A_76] : memref<128x128xi32, #tpu.memory_space<vmem>> -> memref<1x128xi32, #tpu.memory_space<vmem>>
      %dma_start3A_78 = tpu.memref_squeeze %dma_start3A_77 : memref<1x128xi32, #tpu.memory_space<vmem>> -> memref<128xi32, #tpu.memory_space<vmem>>
      %dma_start3A_79 = arith.constant 0 : i32
      %dma_start3A_80 = arith.constant 0 : i32
      %dma_start3A_81 = tpu.memref_slice %arg2[%dma_start3A_79, %dma_start3A_80] : memref<10016x64xbf16, #tpu.memory_space<hbm>> -> memref<10016x64xbf16, #tpu.memory_space<hbm>>
      tpu.enqueue_indirect_dma source(%dma_start3A_81 : memref<10016x64xbf16, #tpu.memory_space<hbm>>) target(%arg12 : memref<128x64xbf16, #tpu.memory_space<vmem>>) offsets(%dma_start3A_78 : memref<128xi32, #tpu.memory_space<vmem>>) semaphore(%arg15 : memref<!tpu.dma_semaphore, #tpu.memory_space<semaphore_mem>>)
      %dma_wait3A = arith.constant 0 : i32
      %dma_wait3A_82 = tpu.memref_slice %arg9[%mul3A_73, %dma_wait3A] : memref<128x128xi32, #tpu.memory_space<vmem>> -> memref<1x128xi32, #tpu.memory_space<vmem>>
      %dma_wait3A_83 = tpu.memref_squeeze %dma_wait3A_82 : memref<1x128xi32, #tpu.memory_space<vmem>> -> memref<128xi32, #tpu.memory_space<vmem>>
      %dma_wait3A_84 = arith.constant 0 : i32
      %dma_wait3A_85 = arith.constant 0 : i32
      %dma_wait3A_86 = tpu.memref_slice %arg2[%dma_wait3A_84, %dma_wait3A_85] : memref<10016x64xbf16, #tpu.memory_space<hbm>> -> memref<10016x64xbf16, #tpu.memory_space<hbm>>
      tpu.wait_indirect_dma semaphore(%arg14 : memref<!tpu.dma_semaphore, #tpu.memory_space<semaphore_mem>>) src(%dma_wait3A_86 : memref<10016x64xbf16, #tpu.memory_space<hbm>>) dst(%arg11 : memref<128x64xbf16, #tpu.memory_space<vmem>>)
      "tpu.region"() ({
        %run_scoped3A = tpu.sem_alloc : memref<!tpu.dma_semaphore, #tpu.memory_space<semaphore_mem>>
        %dma_start3A_104 = arith.constant 0 : i32
        %dma_start3A_105 = tpu.memref_slice %arg10[%mul3A_73, %dma_start3A_104] : memref<128x128xi32, #tpu.memory_space<vmem>> -> memref<1x128xi32, #tpu.memory_space<vmem>>
        %dma_start3A_106 = tpu.memref_squeeze %dma_start3A_105 : memref<1x128xi32, #tpu.memory_space<vmem>> -> memref<128xi32, #tpu.memory_space<vmem>>
        %dma_start3A_107 = arith.constant 0 : i32
        %dma_start3A_108 = arith.constant 0 : i32
        %dma_start3A_109 = tpu.memref_slice %arg13[%dma_start3A_107, %dma_start3A_108] : memref<10016x64xbf16, #tpu.memory_space<vmem_shared>> -> memref<10016x64xbf16, #tpu.memory_space<vmem_shared>>
        tpu.enqueue_indirect_dma source(%arg11 : memref<128x64xbf16, #tpu.memory_space<vmem>>) target(%dma_start3A_109 : memref<10016x64xbf16, #tpu.memory_space<vmem_shared>>) offsets(%dma_start3A_106 : memref<128xi32, #tpu.memory_space<vmem>>) semaphore(%run_scoped3A : memref<!tpu.dma_semaphore, #tpu.memory_space<semaphore_mem>>) {add = true}
        %dma_wait3A_110 = arith.constant 0 : i32
        %dma_wait3A_111 = tpu.memref_slice %arg10[%mul3A_73, %dma_wait3A_110] : memref<128x128xi32, #tpu.memory_space<vmem>> -> memref<1x128xi32, #tpu.memory_space<vmem>>
        %dma_wait3A_112 = tpu.memref_squeeze %dma_wait3A_111 : memref<1x128xi32, #tpu.memory_space<vmem>> -> memref<128xi32, #tpu.memory_space<vmem>>
        %dma_wait3A_113 = arith.constant 0 : i32
        %dma_wait3A_114 = arith.constant 0 : i32
        %dma_wait3A_115 = tpu.memref_slice %arg13[%dma_wait3A_113, %dma_wait3A_114] : memref<10016x64xbf16, #tpu.memory_space<vmem_shared>> -> memref<10016x64xbf16, #tpu.memory_space<vmem_shared>>
        tpu.wait_indirect_dma semaphore(%run_scoped3A : memref<!tpu.dma_semaphore, #tpu.memory_space<semaphore_mem>>) src(%arg11 : memref<128x64xbf16, #tpu.memory_space<vmem>>) dst(%dma_wait3A_115 : memref<10016x64xbf16, #tpu.memory_space<vmem_shared>>)
        tpu.yield
      }) : () -> ()
      %add3A_87 = arith.constant 2 : i32
      %add3A_88 = arith.addi %mul3A_73, %add3A_87 : i32
      %lt3A_89 = arith.cmpi slt, %add3A_88, %select_n3A_8 : i32
      %convert_element_type3A_90 = arith.extui %lt3A_89 : i1 to i32
      %cond3A_91 = arith.constant 0 : i32
      %cond3A_92 = arith.cmpi ne, %convert_element_type3A_90, %cond3A_91 : i32
      scf.if %cond3A_92 {
        %add3A_104 = arith.constant 2 : i32
        %add3A_105 = arith.addi %mul3A_73, %add3A_104 : i32
        %dma_start3A_106 = arith.constant 0 : i32
        %dma_start3A_107 = tpu.memref_slice %arg9[%add3A_105, %dma_start3A_106] : memref<128x128xi32, #tpu.memory_space<vmem>> -> memref<1x128xi32, #tpu.memory_space<vmem>>
        %dma_start3A_108 = tpu.memref_squeeze %dma_start3A_107 : memref<1x128xi32, #tpu.memory_space<vmem>> -> memref<128xi32, #tpu.memory_space<vmem>>
        %dma_start3A_109 = arith.constant 0 : i32
        %dma_start3A_110 = arith.constant 0 : i32
        %dma_start3A_111 = tpu.memref_slice %arg2[%dma_start3A_109, %dma_start3A_110] : memref<10016x64xbf16, #tpu.memory_space<hbm>> -> memref<10016x64xbf16, #tpu.memory_space<hbm>>
        tpu.enqueue_indirect_dma source(%dma_start3A_111 : memref<10016x64xbf16, #tpu.memory_space<hbm>>) target(%arg11 : memref<128x64xbf16, #tpu.memory_space<vmem>>) offsets(%dma_start3A_108 : memref<128xi32, #tpu.memory_space<vmem>>) semaphore(%arg14 : memref<!tpu.dma_semaphore, #tpu.memory_space<semaphore_mem>>)
      } else {
      }
      %add3A_93 = arith.constant 1 : i32
      %add3A_94 = arith.addi %mul3A_73, %add3A_93 : i32
      %dma_wait3A_95 = arith.constant 0 : i32
      %dma_wait3A_96 = tpu.memref_slice %arg9[%add3A_94, %dma_wait3A_95] : memref<128x128xi32, #tpu.memory_space<vmem>> -> memref<1x128xi32, #tpu.memory_space<vmem>>
      %dma_wait3A_97 = tpu.memref_squeeze %dma_wait3A_96 : memref<1x128xi32, #tpu.memory_space<vmem>> -> memref<128xi32, #tpu.memory_space<vmem>>
      %dma_wait3A_98 = arith.constant 0 : i32
      %dma_wait3A_99 = arith.constant 0 : i32
      %dma_wait3A_100 = tpu.memref_slice %arg2[%dma_wait3A_98, %dma_wait3A_99] : memref<10016x64xbf16, #tpu.memory_space<hbm>> -> memref<10016x64xbf16, #tpu.memory_space<hbm>>
      tpu.wait_indirect_dma semaphore(%arg15 : memref<!tpu.dma_semaphore, #tpu.memory_space<semaphore_mem>>) src(%dma_wait3A_100 : memref<10016x64xbf16, #tpu.memory_space<hbm>>) dst(%arg12 : memref<128x64xbf16, #tpu.memory_space<vmem>>)
      %add3A_101 = arith.constant 1 : i32
      %add3A_102 = arith.addi %mul3A_73, %add3A_101 : i32
      "tpu.region"() ({
        %run_scoped3A = tpu.sem_alloc : memref<!tpu.dma_semaphore, #tpu.memory_space<semaphore_mem>>
        %dma_start3A_104 = arith.constant 0 : i32
        %dma_start3A_105 = tpu.memref_slice %arg10[%add3A_102, %dma_start3A_104] : memref<128x128xi32, #tpu.memory_space<vmem>> -> memref<1x128xi32, #tpu.memory_space<vmem>>
        %dma_start3A_106 = tpu.memref_squeeze %dma_start3A_105 : memref<1x128xi32, #tpu.memory_space<vmem>> -> memref<128xi32, #tpu.memory_space<vmem>>
        %dma_start3A_107 = arith.constant 0 : i32
        %dma_start3A_108 = arith.constant 0 : i32
        %dma_start3A_109 = tpu.memref_slice %arg13[%dma_start3A_107, %dma_start3A_108] : memref<10016x64xbf16, #tpu.memory_space<vmem_shared>> -> memref<10016x64xbf16, #tpu.memory_space<vmem_shared>>
        tpu.enqueue_indirect_dma source(%arg12 : memref<128x64xbf16, #tpu.memory_space<vmem>>) target(%dma_start3A_109 : memref<10016x64xbf16, #tpu.memory_space<vmem_shared>>) offsets(%dma_start3A_106 : memref<128xi32, #tpu.memory_space<vmem>>) semaphore(%run_scoped3A : memref<!tpu.dma_semaphore, #tpu.memory_space<semaphore_mem>>) {add = true}
        %dma_wait3A_110 = arith.constant 0 : i32
        %dma_wait3A_111 = tpu.memref_slice %arg10[%add3A_102, %dma_wait3A_110] : memref<128x128xi32, #tpu.memory_space<vmem>> -> memref<1x128xi32, #tpu.memory_space<vmem>>
        %dma_wait3A_112 = tpu.memref_squeeze %dma_wait3A_111 : memref<1x128xi32, #tpu.memory_space<vmem>> -> memref<128xi32, #tpu.memory_space<vmem>>
        %dma_wait3A_113 = arith.constant 0 : i32
        %dma_wait3A_114 = arith.constant 0 : i32
        %dma_wait3A_115 = tpu.memref_slice %arg13[%dma_wait3A_113, %dma_wait3A_114] : memref<10016x64xbf16, #tpu.memory_space<vmem_shared>> -> memref<10016x64xbf16, #tpu.memory_space<vmem_shared>>
        tpu.wait_indirect_dma semaphore(%run_scoped3A : memref<!tpu.dma_semaphore, #tpu.memory_space<semaphore_mem>>) src(%arg12 : memref<128x64xbf16, #tpu.memory_space<vmem>>) dst(%dma_wait3A_115 : memref<10016x64xbf16, #tpu.memory_space<vmem_shared>>)
        tpu.yield
      }) : () -> ()
      %while3A_103 = arith.constant 0 : i32
      scf.yield %while3A_103 : i32
    }
    %while3A_31 = arith.constant 1 : i32
    %while3A_32 = scf.for %while3A_70 = %while3A_28 to %while3A_24 step %while3A_31 iter_args(%while3A_71 = %while3A_30) -> (i32)  : i32 {
      %mul3A_72 = arith.constant 2 : i32
      %mul3A_73 = arith.muli %mul3A_72, %while3A_70 : i32
      %add3A_74 = arith.constant 1 : i32
      %add3A_75 = arith.addi %mul3A_73, %add3A_74 : i32
      %dma_start3A_76 = arith.constant 0 : i32
      %dma_start3A_77 = tpu.memref_slice %arg9[%add3A_75, %dma_start3A_76] : memref<128x128xi32, #tpu.memory_space<vmem>> -> memref<1x128xi32, #tpu.memory_space<vmem>>
      %dma_start3A_78 = tpu.memref_squeeze %dma_start3A_77 : memref<1x128xi32, #tpu.memory_space<vmem>> -> memref<128xi32, #tpu.memory_space<vmem>>
      %dma_start3A_79 = arith.constant 0 : i32
      %dma_start3A_80 = arith.constant 0 : i32
      %dma_start3A_81 = tpu.memref_slice %arg2[%dma_start3A_79, %dma_start3A_80] : memref<10016x64xbf16, #tpu.memory_space<hbm>> -> memref<10016x64xbf16, #tpu.memory_space<hbm>>
      tpu.enqueue_indirect_dma source(%dma_start3A_81 : memref<10016x64xbf16, #tpu.memory_space<hbm>>) target(%arg12 : memref<128x64xbf16, #tpu.memory_space<vmem>>) offsets(%dma_start3A_78 : memref<128xi32, #tpu.memory_space<vmem>>) semaphore(%arg15 : memref<!tpu.dma_semaphore, #tpu.memory_space<semaphore_mem>>)
      %dma_wait3A = arith.constant 0 : i32
      %dma_wait3A_82 = tpu.memref_slice %arg9[%mul3A_73, %dma_wait3A] : memref<128x128xi32, #tpu.memory_space<vmem>> -> memref<1x128xi32, #tpu.memory_space<vmem>>
      %dma_wait3A_83 = tpu.memref_squeeze %dma_wait3A_82 : memref<1x128xi32, #tpu.memory_space<vmem>> -> memref<128xi32, #tpu.memory_space<vmem>>
      %dma_wait3A_84 = arith.constant 0 : i32
      %dma_wait3A_85 = arith.constant 0 : i32
      %dma_wait3A_86 = tpu.memref_slice %arg2[%dma_wait3A_84, %dma_wait3A_85] : memref<10016x64xbf16, #tpu.memory_space<hbm>> -> memref<10016x64xbf16, #tpu.memory_space<hbm>>
      tpu.wait_indirect_dma semaphore(%arg14 : memref<!tpu.dma_semaphore, #tpu.memory_space<semaphore_mem>>) src(%dma_wait3A_86 : memref<10016x64xbf16, #tpu.memory_space<hbm>>) dst(%arg11 : memref<128x64xbf16, #tpu.memory_space<vmem>>)
      "tpu.region"() ({
        %run_scoped3A = tpu.sem_alloc : memref<!tpu.dma_semaphore, #tpu.memory_space<semaphore_mem>>
        %dma_start3A_104 = arith.constant 0 : i32
        %dma_start3A_105 = tpu.memref_slice %arg10[%mul3A_73, %dma_start3A_104] : memref<128x128xi32, #tpu.memory_space<vmem>> -> memref<1x128xi32, #tpu.memory_space<vmem>>
        %dma_start3A_106 = tpu.memref_squeeze %dma_start3A_105 : memref<1x128xi32, #tpu.memory_space<vmem>> -> memref<128xi32, #tpu.memory_space<vmem>>
        %dma_start3A_107 = arith.constant 0 : i32
        %dma_start3A_108 = arith.constant 0 : i32
        %dma_start3A_109 = tpu.memref_slice %arg13[%dma_start3A_107, %dma_start3A_108] : memref<10016x64xbf16, #tpu.memory_space<vmem_shared>> -> memref<10016x64xbf16, #tpu.memory_space<vmem_shared>>
        tpu.enqueue_indirect_dma source(%arg11 : memref<128x64xbf16, #tpu.memory_space<vmem>>) target(%dma_start3A_109 : memref<10016x64xbf16, #tpu.memory_space<vmem_shared>>) offsets(%dma_start3A_106 : memref<128xi32, #tpu.memory_space<vmem>>) semaphore(%run_scoped3A : memref<!tpu.dma_semaphore, #tpu.memory_space<semaphore_mem>>) {add = true}
        %dma_wait3A_110 = arith.constant 0 : i32
        %dma_wait3A_111 = tpu.memref_slice %arg10[%mul3A_73, %dma_wait3A_110] : memref<128x128xi32, #tpu.memory_space<vmem>> -> memref<1x128xi32, #tpu.memory_space<vmem>>
        %dma_wait3A_112 = tpu.memref_squeeze %dma_wait3A_111 : memref<1x128xi32, #tpu.memory_space<vmem>> -> memref<128xi32, #tpu.memory_space<vmem>>
        %dma_wait3A_113 = arith.constant 0 : i32
        %dma_wait3A_114 = arith.constant 0 : i32
        %dma_wait3A_115 = tpu.memref_slice %arg13[%dma_wait3A_113, %dma_wait3A_114] : memref<10016x64xbf16, #tpu.memory_space<vmem_shared>> -> memref<10016x64xbf16, #tpu.memory_space<vmem_shared>>
        tpu.wait_indirect_dma semaphore(%run_scoped3A : memref<!tpu.dma_semaphore, #tpu.memory_space<semaphore_mem>>) src(%arg11 : memref<128x64xbf16, #tpu.memory_space<vmem>>) dst(%dma_wait3A_115 : memref<10016x64xbf16, #tpu.memory_space<vmem_shared>>)
        tpu.yield
      }) : () -> ()
      %add3A_87 = arith.constant 2 : i32
      %add3A_88 = arith.addi %mul3A_73, %add3A_87 : i32
      %lt3A_89 = arith.cmpi slt, %add3A_88, %select_n3A_8 : i32
      %convert_element_type3A_90 = arith.extui %lt3A_89 : i1 to i32
      %cond3A_91 = arith.constant 0 : i32
      %cond3A_92 = arith.cmpi ne, %convert_element_type3A_90, %cond3A_91 : i32
      scf.if %cond3A_92 {
        %add3A_104 = arith.constant 2 : i32
        %add3A_105 = arith.addi %mul3A_73, %add3A_104 : i32
        %dma_start3A_106 = arith.constant 0 : i32
        %dma_start3A_107 = tpu.memref_slice %arg9[%add3A_105, %dma_start3A_106] : memref<128x128xi32, #tpu.memory_space<vmem>> -> memref<1x128xi32, #tpu.memory_space<vmem>>
        %dma_start3A_108 = tpu.memref_squeeze %dma_start3A_107 : memref<1x128xi32, #tpu.memory_space<vmem>> -> memref<128xi32, #tpu.memory_space<vmem>>
        %dma_start3A_109 = arith.constant 0 : i32
        %dma_start3A_110 = arith.constant 0 : i32
        %dma_start3A_111 = tpu.memref_slice %arg2[%dma_start3A_109, %dma_start3A_110] : memref<10016x64xbf16, #tpu.memory_space<hbm>> -> memref<10016x64xbf16, #tpu.memory_space<hbm>>
        tpu.enqueue_indirect_dma source(%dma_start3A_111 : memref<10016x64xbf16, #tpu.memory_space<hbm>>) target(%arg11 : memref<128x64xbf16, #tpu.memory_space<vmem>>) offsets(%dma_start3A_108 : memref<128xi32, #tpu.memory_space<vmem>>) semaphore(%arg14 : memref<!tpu.dma_semaphore, #tpu.memory_space<semaphore_mem>>)
      } else {
      }
      %add3A_93 = arith.constant 1 : i32
      %add3A_94 = arith.addi %mul3A_73, %add3A_93 : i32
      %dma_wait3A_95 = arith.constant 0 : i32
      %dma_wait3A_96 = tpu.memref_slice %arg9[%add3A_94, %dma_wait3A_95] : memref<128x128xi32, #tpu.memory_space<vmem>> -> memref<1x128xi32, #tpu.memory_space<vmem>>
      %dma_wait3A_97 = tpu.memref_squeeze %dma_wait3A_96 : memref<1x128xi32, #tpu.memory_space<vmem>> -> memref<128xi32, #tpu.memory_space<vmem>>
      %dma_wait3A_98 = arith.constant 0 : i32
      %dma_wait3A_99 = arith.constant 0 : i32
      %dma_wait3A_100 = tpu.memref_slice %arg2[%dma_wait3A_98, %dma_wait3A_99] : memref<10016x64xbf16, #tpu.memory_space<hbm>> -> memref<10016x64xbf16, #tpu.memory_space<hbm>>
      tpu.wait_indirect_dma semaphore(%arg15 : memref<!tpu.dma_semaphore, #tpu.memory_space<semaphore_mem>>) src(%dma_wait3A_100 : memref<10016x64xbf16, #tpu.memory_space<hbm>>) dst(%arg12 : memref<128x64xbf16, #tpu.memory_space<vmem>>)
      %add3A_101 = arith.constant 1 : i32
      %add3A_102 = arith.addi %mul3A_73, %add3A_101 : i32
      "tpu.region"() ({
        %run_scoped3A = tpu.sem_alloc : memref<!tpu.dma_semaphore, #tpu.memory_space<semaphore_mem>>
        %dma_start3A_104 = arith.constant 0 : i32
        %dma_start3A_105 = tpu.memref_slice %arg10[%add3A_102, %dma_start3A_104] : memref<128x128xi32, #tpu.memory_space<vmem>> -> memref<1x128xi32, #tpu.memory_space<vmem>>
        %dma_start3A_106 = tpu.memref_squeeze %dma_start3A_105 : memref<1x128xi32, #tpu.memory_space<vmem>> -> memref<128xi32, #tpu.memory_space<vmem>>
        %dma_start3A_107 = arith.constant 0 : i32
        %dma_start3A_108 = arith.constant 0 : i32
        %dma_start3A_109 = tpu.memref_slice %arg13[%dma_start3A_107, %dma_start3A_108] : memref<10016x64xbf16, #tpu.memory_space<vmem_shared>> -> memref<10016x64xbf16, #tpu.memory_space<vmem_shared>>
        tpu.enqueue_indirect_dma source(%arg12 : memref<128x64xbf16, #tpu.memory_space<vmem>>) target(%dma_start3A_109 : memref<10016x64xbf16, #tpu.memory_space<vmem_shared>>) offsets(%dma_start3A_106 : memref<128xi32, #tpu.memory_space<vmem>>) semaphore(%run_scoped3A : memref<!tpu.dma_semaphore, #tpu.memory_space<semaphore_mem>>) {add = true}
        %dma_wait3A_110 = arith.constant 0 : i32
        %dma_wait3A_111 = tpu.memref_slice %arg10[%add3A_102, %dma_wait3A_110] : memref<128x128xi32, #tpu.memory_space<vmem>> -> memref<1x128xi32, #tpu.memory_space<vmem>>
        %dma_wait3A_112 = tpu.memref_squeeze %dma_wait3A_111 : memref<1x128xi32, #tpu.memory_space<vmem>> -> memref<128xi32, #tpu.memory_space<vmem>>
        %dma_wait3A_113 = arith.constant 0 : i32
        %dma_wait3A_114 = arith.constant 0 : i32
        %dma_wait3A_115 = tpu.memref_slice %arg13[%dma_wait3A_113, %dma_wait3A_114] : memref<10016x64xbf16, #tpu.memory_space<vmem_shared>> -> memref<10016x64xbf16, #tpu.memory_space<vmem_shared>>
        tpu.wait_indirect_dma semaphore(%run_scoped3A : memref<!tpu.dma_semaphore, #tpu.memory_space<semaphore_mem>>) src(%arg12 : memref<128x64xbf16, #tpu.memory_space<vmem>>) dst(%dma_wait3A_115 : memref<10016x64xbf16, #tpu.memory_space<vmem_shared>>)
        tpu.yield
      }) : () -> ()
      %while3A_103 = arith.constant 0 : i32
      scf.yield %while3A_103 : i32
    }
    %barrier3A_33 = arith.constant 0 : index
    tpu.barrier barrier_id(%barrier3A_33)
    %lt3A_34 = arith.constant 10 : i32
    %lt3A_35 = arith.cmpi slt, %arg1, %lt3A_34 : i32
    %convert_element_type3A_36 = arith.extui %lt3A_35 : i1 to i32
    %cond3A_37 = arith.constant 0 : i32
    %cond3A_38 = arith.cmpi ne, %convert_element_type3A_36, %cond3A_37 : i32
    scf.if %cond3A_38 {
      %mul3A_70 = arith.constant 1000 : i32
      %mul3A_71 = arith.muli %arg1, %mul3A_70 : i32
      %mul3A_72 = arith.constant 1000 : i32
      %mul3A_73 = arith.muli %arg1, %mul3A_72 : i32
      "tpu.region"() ({
        %run_scoped3A = tpu.sem_alloc : memref<!tpu.dma_semaphore, #tpu.memory_space<semaphore_mem>>
        %dma_start3A_74 = arith.constant 0 : i32
        %dma_start3A_75 = tpu.memref_slice %arg7[%arg0, %mul3A_73, %dma_start3A_74] : memref<2x10000x64xbf16, #tpu.memory_space<hbm>> -> memref<1x1000x64xbf16, #tpu.memory_space<hbm>>
        %dma_start3A_76 = tpu.memref_squeeze %dma_start3A_75 : memref<1x1000x64xbf16, #tpu.memory_space<hbm>> -> memref<1000x64xbf16, #tpu.memory_space<hbm>>
        %dma_start3A_77 = arith.constant 0 : i32
        %dma_start3A_78 = tpu.memref_slice %arg13[%mul3A_71, %dma_start3A_77] : memref<10016x64xbf16, #tpu.memory_space<vmem_shared>> -> memref<1000x64xbf16, #tpu.memory_space<vmem_shared>>
        tpu.enqueue_dma source(%dma_start3A_78 : memref<1000x64xbf16, #tpu.memory_space<vmem_shared>>) target(%dma_start3A_76 : memref<1000x64xbf16, #tpu.memory_space<hbm>>) target_semaphore(%run_scoped3A : memref<!tpu.dma_semaphore, #tpu.memory_space<semaphore_mem>>)
        %dma_wait3A = arith.constant 0 : i32
        %dma_wait3A_79 = tpu.memref_slice %arg7[%arg0, %mul3A_73, %dma_wait3A] : memref<2x10000x64xbf16, #tpu.memory_space<hbm>> -> memref<1x1000x64xbf16, #tpu.memory_space<hbm>>
        %dma_wait3A_80 = tpu.memref_squeeze %dma_wait3A_79 : memref<1x1000x64xbf16, #tpu.memory_space<hbm>> -> memref<1000x64xbf16, #tpu.memory_space<hbm>>
        %dma_wait3A_81 = arith.constant 0 : i32
        %dma_wait3A_82 = tpu.memref_slice %arg13[%mul3A_71, %dma_wait3A_81] : memref<10016x64xbf16, #tpu.memory_space<vmem_shared>> -> memref<1000x64xbf16, #tpu.memory_space<vmem_shared>>
        tpu.wait_dma2 semaphore(%run_scoped3A : memref<!tpu.dma_semaphore, #tpu.memory_space<semaphore_mem>>) src(%dma_wait3A_82 : memref<1000x64xbf16, #tpu.memory_space<vmem_shared>>) dst(%dma_wait3A_80 : memref<1000x64xbf16, #tpu.memory_space<hbm>>)
        tpu.yield
      }) : () -> ()
    } else {
    }
    %lt3A_39 = arith.constant 10 : i32
    %lt3A_40 = arith.cmpi slt, %arg1, %lt3A_39 : i32
    %convert_element_type3A_41 = arith.extui %lt3A_40 : i1 to i32
    %cond3A_42 = arith.constant 0 : i32
    %cond3A_43 = arith.cmpi ne, %convert_element_type3A_41, %cond3A_42 : i32
    scf.if %cond3A_43 {
      %mul3A_70 = arith.constant 1000 : i32
      %mul3A_71 = arith.muli %arg1, %mul3A_70 : i32
      "tpu.region"() ({
        %run_scoped3A = tpu.sem_alloc : memref<!tpu.dma_semaphore, #tpu.memory_space<semaphore_mem>>
        %dma_start3A_72 = arith.constant 0 : i32
        %dma_start3A_73 = tpu.memref_slice %arg13[%mul3A_71, %dma_start3A_72] : memref<10016x64xbf16, #tpu.memory_space<vmem_shared>> -> memref<1000x64xbf16, #tpu.memory_space<vmem_shared>>
        tpu.enqueue_dma source(%arg6 : memref<1000x64xbf16, #tpu.memory_space<hbm>>) target(%dma_start3A_73 : memref<1000x64xbf16, #tpu.memory_space<vmem_shared>>) target_semaphore(%run_scoped3A : memref<!tpu.dma_semaphore, #tpu.memory_space<semaphore_mem>>)
        %dma_wait3A = arith.constant 0 : i32
        %dma_wait3A_74 = tpu.memref_slice %arg13[%mul3A_71, %dma_wait3A] : memref<10016x64xbf16, #tpu.memory_space<vmem_shared>> -> memref<1000x64xbf16, #tpu.memory_space<vmem_shared>>
        tpu.wait_dma2 semaphore(%run_scoped3A : memref<!tpu.dma_semaphore, #tpu.memory_space<semaphore_mem>>) src(%arg6 : memref<1000x64xbf16, #tpu.memory_space<hbm>>) dst(%dma_wait3A_74 : memref<1000x64xbf16, #tpu.memory_space<vmem_shared>>)
        tpu.yield
      }) : () -> ()
    } else {
    }
    %barrier3A_44 = arith.constant 0 : index
    tpu.barrier barrier_id(%barrier3A_44)
    %dma_start3A_45 = arith.constant 0 : i32
    %dma_start3A_46 = arith.constant 0 : i32
    %dma_start3A_47 = tpu.memref_slice %arg10[%dma_start3A_45, %dma_start3A_46] : memref<128x128xi32, #tpu.memory_space<vmem>> -> memref<1x128xi32, #tpu.memory_space<vmem>>
    %dma_start3A_48 = tpu.memref_squeeze %dma_start3A_47 : memref<1x128xi32, #tpu.memory_space<vmem>> -> memref<128xi32, #tpu.memory_space<vmem>>
    %dma_start3A_49 = arith.constant 0 : i32
    %dma_start3A_50 = arith.constant 0 : i32
    %dma_start3A_51 = tpu.memref_slice %arg3[%dma_start3A_49, %dma_start3A_50] : memref<10016x64xbf16, #tpu.memory_space<hbm>> -> memref<10016x64xbf16, #tpu.memory_space<hbm>>
    tpu.enqueue_indirect_dma source(%dma_start3A_51 : memref<10016x64xbf16, #tpu.memory_space<hbm>>) target(%arg11 : memref<128x64xbf16, #tpu.memory_space<vmem>>) offsets(%dma_start3A_48 : memref<128xi32, #tpu.memory_space<vmem>>) semaphore(%arg14 : memref<!tpu.dma_semaphore, #tpu.memory_space<semaphore_mem>>)
    %while3A_52 = arith.constant 0 : i32
    %while3A_53 = arith.constant 0 : i32
    %while3A_54 = arith.subi %select_n3A_13, %while3A_52 : i32
    %while3A_55 = arith.addi %while3A_52, %while3A_54 : i32
    %while3A_56 = arith.constant 1 : i32
    %while3A_57 = arith.divsi %while3A_54, %while3A_56 : i32
    %while3A_58 = arith.muli %while3A_57, %while3A_56 : i32
    %while3A_59 = arith.addi %while3A_52, %while3A_58 : i32
    %while3A_60 = arith.constant 1 : i32
    %while3A_61 = scf.for %while3A_70 = %while3A_52 to %while3A_59 step %while3A_60 iter_args(%while3A_71 = %while3A_53) -> (i32)  : i32 {
      %mul3A_72 = arith.constant 2 : i32
      %mul3A_73 = arith.muli %mul3A_72, %while3A_70 : i32
      %add3A_74 = arith.constant 1 : i32
      %add3A_75 = arith.addi %mul3A_73, %add3A_74 : i32
      %dma_start3A_76 = arith.constant 0 : i32
      %dma_start3A_77 = tpu.memref_slice %arg10[%add3A_75, %dma_start3A_76] : memref<128x128xi32, #tpu.memory_space<vmem>> -> memref<1x128xi32, #tpu.memory_space<vmem>>
      %dma_start3A_78 = tpu.memref_squeeze %dma_start3A_77 : memref<1x128xi32, #tpu.memory_space<vmem>> -> memref<128xi32, #tpu.memory_space<vmem>>
      %dma_start3A_79 = arith.constant 0 : i32
      %dma_start3A_80 = arith.constant 0 : i32
      %dma_start3A_81 = tpu.memref_slice %arg3[%dma_start3A_79, %dma_start3A_80] : memref<10016x64xbf16, #tpu.memory_space<hbm>> -> memref<10016x64xbf16, #tpu.memory_space<hbm>>
      tpu.enqueue_indirect_dma source(%dma_start3A_81 : memref<10016x64xbf16, #tpu.memory_space<hbm>>) target(%arg12 : memref<128x64xbf16, #tpu.memory_space<vmem>>) offsets(%dma_start3A_78 : memref<128xi32, #tpu.memory_space<vmem>>) semaphore(%arg15 : memref<!tpu.dma_semaphore, #tpu.memory_space<semaphore_mem>>)
      %dma_wait3A = arith.constant 0 : i32
      %dma_wait3A_82 = tpu.memref_slice %arg10[%mul3A_73, %dma_wait3A] : memref<128x128xi32, #tpu.memory_space<vmem>> -> memref<1x128xi32, #tpu.memory_space<vmem>>
      %dma_wait3A_83 = tpu.memref_squeeze %dma_wait3A_82 : memref<1x128xi32, #tpu.memory_space<vmem>> -> memref<128xi32, #tpu.memory_space<vmem>>
      %dma_wait3A_84 = arith.constant 0 : i32
      %dma_wait3A_85 = arith.constant 0 : i32
      %dma_wait3A_86 = tpu.memref_slice %arg3[%dma_wait3A_84, %dma_wait3A_85] : memref<10016x64xbf16, #tpu.memory_space<hbm>> -> memref<10016x64xbf16, #tpu.memory_space<hbm>>
      tpu.wait_indirect_dma semaphore(%arg14 : memref<!tpu.dma_semaphore, #tpu.memory_space<semaphore_mem>>) src(%dma_wait3A_86 : memref<10016x64xbf16, #tpu.memory_space<hbm>>) dst(%arg11 : memref<128x64xbf16, #tpu.memory_space<vmem>>)
      "tpu.region"() ({
        %run_scoped3A = tpu.sem_alloc : memref<!tpu.dma_semaphore, #tpu.memory_space<semaphore_mem>>
        %dma_start3A_104 = arith.constant 0 : i32
        %dma_start3A_105 = tpu.memref_slice %arg9[%mul3A_73, %dma_start3A_104] : memref<128x128xi32, #tpu.memory_space<vmem>> -> memref<1x128xi32, #tpu.memory_space<vmem>>
        %dma_start3A_106 = tpu.memref_squeeze %dma_start3A_105 : memref<1x128xi32, #tpu.memory_space<vmem>> -> memref<128xi32, #tpu.memory_space<vmem>>
        %dma_start3A_107 = arith.constant 0 : i32
        %dma_start3A_108 = arith.constant 0 : i32
        %dma_start3A_109 = tpu.memref_slice %arg13[%dma_start3A_107, %dma_start3A_108] : memref<10016x64xbf16, #tpu.memory_space<vmem_shared>> -> memref<10016x64xbf16, #tpu.memory_space<vmem_shared>>
        tpu.enqueue_indirect_dma source(%arg11 : memref<128x64xbf16, #tpu.memory_space<vmem>>) target(%dma_start3A_109 : memref<10016x64xbf16, #tpu.memory_space<vmem_shared>>) offsets(%dma_start3A_106 : memref<128xi32, #tpu.memory_space<vmem>>) semaphore(%run_scoped3A : memref<!tpu.dma_semaphore, #tpu.memory_space<semaphore_mem>>) {add = true}
        %dma_wait3A_110 = arith.constant 0 : i32
        %dma_wait3A_111 = tpu.memref_slice %arg9[%mul3A_73, %dma_wait3A_110] : memref<128x128xi32, #tpu.memory_space<vmem>> -> memref<1x128xi32, #tpu.memory_space<vmem>>
        %dma_wait3A_112 = tpu.memref_squeeze %dma_wait3A_111 : memref<1x128xi32, #tpu.memory_space<vmem>> -> memref<128xi32, #tpu.memory_space<vmem>>
        %dma_wait3A_113 = arith.constant 0 : i32
        %dma_wait3A_114 = arith.constant 0 : i32
        %dma_wait3A_115 = tpu.memref_slice %arg13[%dma_wait3A_113, %dma_wait3A_114] : memref<10016x64xbf16, #tpu.memory_space<vmem_shared>> -> memref<10016x64xbf16, #tpu.memory_space<vmem_shared>>
        tpu.wait_indirect_dma semaphore(%run_scoped3A : memref<!tpu.dma_semaphore, #tpu.memory_space<semaphore_mem>>) src(%arg11 : memref<128x64xbf16, #tpu.memory_space<vmem>>) dst(%dma_wait3A_115 : memref<10016x64xbf16, #tpu.memory_space<vmem_shared>>)
        tpu.yield
      }) : () -> ()
      %add3A_87 = arith.constant 2 : i32
      %add3A_88 = arith.addi %mul3A_73, %add3A_87 : i32
      %lt3A_89 = arith.cmpi slt, %add3A_88, %select_n3A_8 : i32
      %convert_element_type3A_90 = arith.extui %lt3A_89 : i1 to i32
      %cond3A_91 = arith.constant 0 : i32
      %cond3A_92 = arith.cmpi ne, %convert_element_type3A_90, %cond3A_91 : i32
      scf.if %cond3A_92 {
        %add3A_104 = arith.constant 2 : i32
        %add3A_105 = arith.addi %mul3A_73, %add3A_104 : i32
        %dma_start3A_106 = arith.constant 0 : i32
        %dma_start3A_107 = tpu.memref_slice %arg10[%add3A_105, %dma_start3A_106] : memref<128x128xi32, #tpu.memory_space<vmem>> -> memref<1x128xi32, #tpu.memory_space<vmem>>
        %dma_start3A_108 = tpu.memref_squeeze %dma_start3A_107 : memref<1x128xi32, #tpu.memory_space<vmem>> -> memref<128xi32, #tpu.memory_space<vmem>>
        %dma_start3A_109 = arith.constant 0 : i32
        %dma_start3A_110 = arith.constant 0 : i32
        %dma_start3A_111 = tpu.memref_slice %arg3[%dma_start3A_109, %dma_start3A_110] : memref<10016x64xbf16, #tpu.memory_space<hbm>> -> memref<10016x64xbf16, #tpu.memory_space<hbm>>
        tpu.enqueue_indirect_dma source(%dma_start3A_111 : memref<10016x64xbf16, #tpu.memory_space<hbm>>) target(%arg11 : memref<128x64xbf16, #tpu.memory_space<vmem>>) offsets(%dma_start3A_108 : memref<128xi32, #tpu.memory_space<vmem>>) semaphore(%arg14 : memref<!tpu.dma_semaphore, #tpu.memory_space<semaphore_mem>>)
      } else {
      }
      %add3A_93 = arith.constant 1 : i32
      %add3A_94 = arith.addi %mul3A_73, %add3A_93 : i32
      %dma_wait3A_95 = arith.constant 0 : i32
      %dma_wait3A_96 = tpu.memref_slice %arg10[%add3A_94, %dma_wait3A_95] : memref<128x128xi32, #tpu.memory_space<vmem>> -> memref<1x128xi32, #tpu.memory_space<vmem>>
      %dma_wait3A_97 = tpu.memref_squeeze %dma_wait3A_96 : memref<1x128xi32, #tpu.memory_space<vmem>> -> memref<128xi32, #tpu.memory_space<vmem>>
      %dma_wait3A_98 = arith.constant 0 : i32
      %dma_wait3A_99 = arith.constant 0 : i32
      %dma_wait3A_100 = tpu.memref_slice %arg3[%dma_wait3A_98, %dma_wait3A_99] : memref<10016x64xbf16, #tpu.memory_space<hbm>> -> memref<10016x64xbf16, #tpu.memory_space<hbm>>
      tpu.wait_indirect_dma semaphore(%arg15 : memref<!tpu.dma_semaphore, #tpu.memory_space<semaphore_mem>>) src(%dma_wait3A_100 : memref<10016x64xbf16, #tpu.memory_space<hbm>>) dst(%arg12 : memref<128x64xbf16, #tpu.memory_space<vmem>>)
      %add3A_101 = arith.constant 1 : i32
      %add3A_102 = arith.addi %mul3A_73, %add3A_101 : i32
      "tpu.region"() ({
        %run_scoped3A = tpu.sem_alloc : memref<!tpu.dma_semaphore, #tpu.memory_space<semaphore_mem>>
        %dma_start3A_104 = arith.constant 0 : i32
        %dma_start3A_105 = tpu.memref_slice %arg9[%add3A_102, %dma_start3A_104] : memref<128x128xi32, #tpu.memory_space<vmem>> -> memref<1x128xi32, #tpu.memory_space<vmem>>
        %dma_start3A_106 = tpu.memref_squeeze %dma_start3A_105 : memref<1x128xi32, #tpu.memory_space<vmem>> -> memref<128xi32, #tpu.memory_space<vmem>>
        %dma_start3A_107 = arith.constant 0 : i32
        %dma_start3A_108 = arith.constant 0 : i32
        %dma_start3A_109 = tpu.memref_slice %arg13[%dma_start3A_107, %dma_start3A_108] : memref<10016x64xbf16, #tpu.memory_space<vmem_shared>> -> memref<10016x64xbf16, #tpu.memory_space<vmem_shared>>
        tpu.enqueue_indirect_dma source(%arg12 : memref<128x64xbf16, #tpu.memory_space<vmem>>) target(%dma_start3A_109 : memref<10016x64xbf16, #tpu.memory_space<vmem_shared>>) offsets(%dma_start3A_106 : memref<128xi32, #tpu.memory_space<vmem>>) semaphore(%run_scoped3A : memref<!tpu.dma_semaphore, #tpu.memory_space<semaphore_mem>>) {add = true}
        %dma_wait3A_110 = arith.constant 0 : i32
        %dma_wait3A_111 = tpu.memref_slice %arg9[%add3A_102, %dma_wait3A_110] : memref<128x128xi32, #tpu.memory_space<vmem>> -> memref<1x128xi32, #tpu.memory_space<vmem>>
        %dma_wait3A_112 = tpu.memref_squeeze %dma_wait3A_111 : memref<1x128xi32, #tpu.memory_space<vmem>> -> memref<128xi32, #tpu.memory_space<vmem>>
        %dma_wait3A_113 = arith.constant 0 : i32
        %dma_wait3A_114 = arith.constant 0 : i32
        %dma_wait3A_115 = tpu.memref_slice %arg13[%dma_wait3A_113, %dma_wait3A_114] : memref<10016x64xbf16, #tpu.memory_space<vmem_shared>> -> memref<10016x64xbf16, #tpu.memory_space<vmem_shared>>
        tpu.wait_indirect_dma semaphore(%run_scoped3A : memref<!tpu.dma_semaphore, #tpu.memory_space<semaphore_mem>>) src(%arg12 : memref<128x64xbf16, #tpu.memory_space<vmem>>) dst(%dma_wait3A_115 : memref<10016x64xbf16, #tpu.memory_space<vmem_shared>>)
        tpu.yield
      }) : () -> ()
      %while3A_103 = arith.constant 0 : i32
      scf.yield %while3A_103 : i32
    }
    %while3A_62 = arith.constant 1 : i32
    %while3A_63 = scf.for %while3A_70 = %while3A_59 to %while3A_55 step %while3A_62 iter_args(%while3A_71 = %while3A_61) -> (i32)  : i32 {
      %mul3A_72 = arith.constant 2 : i32
      %mul3A_73 = arith.muli %mul3A_72, %while3A_70 : i32
      %add3A_74 = arith.constant 1 : i32
      %add3A_75 = arith.addi %mul3A_73, %add3A_74 : i32
      %dma_start3A_76 = arith.constant 0 : i32
      %dma_start3A_77 = tpu.memref_slice %arg10[%add3A_75, %dma_start3A_76] : memref<128x128xi32, #tpu.memory_space<vmem>> -> memref<1x128xi32, #tpu.memory_space<vmem>>
      %dma_start3A_78 = tpu.memref_squeeze %dma_start3A_77 : memref<1x128xi32, #tpu.memory_space<vmem>> -> memref<128xi32, #tpu.memory_space<vmem>>
      %dma_start3A_79 = arith.constant 0 : i32
      %dma_start3A_80 = arith.constant 0 : i32
      %dma_start3A_81 = tpu.memref_slice %arg3[%dma_start3A_79, %dma_start3A_80] : memref<10016x64xbf16, #tpu.memory_space<hbm>> -> memref<10016x64xbf16, #tpu.memory_space<hbm>>
      tpu.enqueue_indirect_dma source(%dma_start3A_81 : memref<10016x64xbf16, #tpu.memory_space<hbm>>) target(%arg12 : memref<128x64xbf16, #tpu.memory_space<vmem>>) offsets(%dma_start3A_78 : memref<128xi32, #tpu.memory_space<vmem>>) semaphore(%arg15 : memref<!tpu.dma_semaphore, #tpu.memory_space<semaphore_mem>>)
      %dma_wait3A = arith.constant 0 : i32
      %dma_wait3A_82 = tpu.memref_slice %arg10[%mul3A_73, %dma_wait3A] : memref<128x128xi32, #tpu.memory_space<vmem>> -> memref<1x128xi32, #tpu.memory_space<vmem>>
      %dma_wait3A_83 = tpu.memref_squeeze %dma_wait3A_82 : memref<1x128xi32, #tpu.memory_space<vmem>> -> memref<128xi32, #tpu.memory_space<vmem>>
      %dma_wait3A_84 = arith.constant 0 : i32
      %dma_wait3A_85 = arith.constant 0 : i32
      %dma_wait3A_86 = tpu.memref_slice %arg3[%dma_wait3A_84, %dma_wait3A_85] : memref<10016x64xbf16, #tpu.memory_space<hbm>> -> memref<10016x64xbf16, #tpu.memory_space<hbm>>
      tpu.wait_indirect_dma semaphore(%arg14 : memref<!tpu.dma_semaphore, #tpu.memory_space<semaphore_mem>>) src(%dma_wait3A_86 : memref<10016x64xbf16, #tpu.memory_space<hbm>>) dst(%arg11 : memref<128x64xbf16, #tpu.memory_space<vmem>>)
      "tpu.region"() ({
        %run_scoped3A = tpu.sem_alloc : memref<!tpu.dma_semaphore, #tpu.memory_space<semaphore_mem>>
        %dma_start3A_104 = arith.constant 0 : i32
        %dma_start3A_105 = tpu.memref_slice %arg9[%mul3A_73, %dma_start3A_104] : memref<128x128xi32, #tpu.memory_space<vmem>> -> memref<1x128xi32, #tpu.memory_space<vmem>>
        %dma_start3A_106 = tpu.memref_squeeze %dma_start3A_105 : memref<1x128xi32, #tpu.memory_space<vmem>> -> memref<128xi32, #tpu.memory_space<vmem>>
        %dma_start3A_107 = arith.constant 0 : i32
        %dma_start3A_108 = arith.constant 0 : i32
        %dma_start3A_109 = tpu.memref_slice %arg13[%dma_start3A_107, %dma_start3A_108] : memref<10016x64xbf16, #tpu.memory_space<vmem_shared>> -> memref<10016x64xbf16, #tpu.memory_space<vmem_shared>>
        tpu.enqueue_indirect_dma source(%arg11 : memref<128x64xbf16, #tpu.memory_space<vmem>>) target(%dma_start3A_109 : memref<10016x64xbf16, #tpu.memory_space<vmem_shared>>) offsets(%dma_start3A_106 : memref<128xi32, #tpu.memory_space<vmem>>) semaphore(%run_scoped3A : memref<!tpu.dma_semaphore, #tpu.memory_space<semaphore_mem>>) {add = true}
        %dma_wait3A_110 = arith.constant 0 : i32
        %dma_wait3A_111 = tpu.memref_slice %arg9[%mul3A_73, %dma_wait3A_110] : memref<128x128xi32, #tpu.memory_space<vmem>> -> memref<1x128xi32, #tpu.memory_space<vmem>>
        %dma_wait3A_112 = tpu.memref_squeeze %dma_wait3A_111 : memref<1x128xi32, #tpu.memory_space<vmem>> -> memref<128xi32, #tpu.memory_space<vmem>>
        %dma_wait3A_113 = arith.constant 0 : i32
        %dma_wait3A_114 = arith.constant 0 : i32
        %dma_wait3A_115 = tpu.memref_slice %arg13[%dma_wait3A_113, %dma_wait3A_114] : memref<10016x64xbf16, #tpu.memory_space<vmem_shared>> -> memref<10016x64xbf16, #tpu.memory_space<vmem_shared>>
        tpu.wait_indirect_dma semaphore(%run_scoped3A : memref<!tpu.dma_semaphore, #tpu.memory_space<semaphore_mem>>) src(%arg11 : memref<128x64xbf16, #tpu.memory_space<vmem>>) dst(%dma_wait3A_115 : memref<10016x64xbf16, #tpu.memory_space<vmem_shared>>)
        tpu.yield
      }) : () -> ()
      %add3A_87 = arith.constant 2 : i32
      %add3A_88 = arith.addi %mul3A_73, %add3A_87 : i32
      %lt3A_89 = arith.cmpi slt, %add3A_88, %select_n3A_8 : i32
      %convert_element_type3A_90 = arith.extui %lt3A_89 : i1 to i32
      %cond3A_91 = arith.constant 0 : i32
      %cond3A_92 = arith.cmpi ne, %convert_element_type3A_90, %cond3A_91 : i32
      scf.if %cond3A_92 {
        %add3A_104 = arith.constant 2 : i32
        %add3A_105 = arith.addi %mul3A_73, %add3A_104 : i32
        %dma_start3A_106 = arith.constant 0 : i32
        %dma_start3A_107 = tpu.memref_slice %arg10[%add3A_105, %dma_start3A_106] : memref<128x128xi32, #tpu.memory_space<vmem>> -> memref<1x128xi32, #tpu.memory_space<vmem>>
        %dma_start3A_108 = tpu.memref_squeeze %dma_start3A_107 : memref<1x128xi32, #tpu.memory_space<vmem>> -> memref<128xi32, #tpu.memory_space<vmem>>
        %dma_start3A_109 = arith.constant 0 : i32
        %dma_start3A_110 = arith.constant 0 : i32
        %dma_start3A_111 = tpu.memref_slice %arg3[%dma_start3A_109, %dma_start3A_110] : memref<10016x64xbf16, #tpu.memory_space<hbm>> -> memref<10016x64xbf16, #tpu.memory_space<hbm>>
        tpu.enqueue_indirect_dma source(%dma_start3A_111 : memref<10016x64xbf16, #tpu.memory_space<hbm>>) target(%arg11 : memref<128x64xbf16, #tpu.memory_space<vmem>>) offsets(%dma_start3A_108 : memref<128xi32, #tpu.memory_space<vmem>>) semaphore(%arg14 : memref<!tpu.dma_semaphore, #tpu.memory_space<semaphore_mem>>)
      } else {
      }
      %add3A_93 = arith.constant 1 : i32
      %add3A_94 = arith.addi %mul3A_73, %add3A_93 : i32
      %dma_wait3A_95 = arith.constant 0 : i32
      %dma_wait3A_96 = tpu.memref_slice %arg10[%add3A_94, %dma_wait3A_95] : memref<128x128xi32, #tpu.memory_space<vmem>> -> memref<1x128xi32, #tpu.memory_space<vmem>>
      %dma_wait3A_97 = tpu.memref_squeeze %dma_wait3A_96 : memref<1x128xi32, #tpu.memory_space<vmem>> -> memref<128xi32, #tpu.memory_space<vmem>>
      %dma_wait3A_98 = arith.constant 0 : i32
      %dma_wait3A_99 = arith.constant 0 : i32
      %dma_wait3A_100 = tpu.memref_slice %arg3[%dma_wait3A_98, %dma_wait3A_99] : memref<10016x64xbf16, #tpu.memory_space<hbm>> -> memref<10016x64xbf16, #tpu.memory_space<hbm>>
      tpu.wait_indirect_dma semaphore(%arg15 : memref<!tpu.dma_semaphore, #tpu.memory_space<semaphore_mem>>) src(%dma_wait3A_100 : memref<10016x64xbf16, #tpu.memory_space<hbm>>) dst(%arg12 : memref<128x64xbf16, #tpu.memory_space<vmem>>)
      %add3A_101 = arith.constant 1 : i32
      %add3A_102 = arith.addi %mul3A_73, %add3A_101 : i32
      "tpu.region"() ({
        %run_scoped3A = tpu.sem_alloc : memref<!tpu.dma_semaphore, #tpu.memory_space<semaphore_mem>>
        %dma_start3A_104 = arith.constant 0 : i32
        %dma_start3A_105 = tpu.memref_slice %arg9[%add3A_102, %dma_start3A_104] : memref<128x128xi32, #tpu.memory_space<vmem>> -> memref<1x128xi32, #tpu.memory_space<vmem>>
        %dma_start3A_106 = tpu.memref_squeeze %dma_start3A_105 : memref<1x128xi32, #tpu.memory_space<vmem>> -> memref<128xi32, #tpu.memory_space<vmem>>
        %dma_start3A_107 = arith.constant 0 : i32
        %dma_start3A_108 = arith.constant 0 : i32
        %dma_start3A_109 = tpu.memref_slice %arg13[%dma_start3A_107, %dma_start3A_108] : memref<10016x64xbf16, #tpu.memory_space<vmem_shared>> -> memref<10016x64xbf16, #tpu.memory_space<vmem_shared>>
        tpu.enqueue_indirect_dma source(%arg12 : memref<128x64xbf16, #tpu.memory_space<vmem>>) target(%dma_start3A_109 : memref<10016x64xbf16, #tpu.memory_space<vmem_shared>>) offsets(%dma_start3A_106 : memref<128xi32, #tpu.memory_space<vmem>>) semaphore(%run_scoped3A : memref<!tpu.dma_semaphore, #tpu.memory_space<semaphore_mem>>) {add = true}
        %dma_wait3A_110 = arith.constant 0 : i32
        %dma_wait3A_111 = tpu.memref_slice %arg9[%add3A_102, %dma_wait3A_110] : memref<128x128xi32, #tpu.memory_space<vmem>> -> memref<1x128xi32, #tpu.memory_space<vmem>>
        %dma_wait3A_112 = tpu.memref_squeeze %dma_wait3A_111 : memref<1x128xi32, #tpu.memory_space<vmem>> -> memref<128xi32, #tpu.memory_space<vmem>>
        %dma_wait3A_113 = arith.constant 0 : i32
        %dma_wait3A_114 = arith.constant 0 : i32
        %dma_wait3A_115 = tpu.memref_slice %arg13[%dma_wait3A_113, %dma_wait3A_114] : memref<10016x64xbf16, #tpu.memory_space<vmem_shared>> -> memref<10016x64xbf16, #tpu.memory_space<vmem_shared>>
        tpu.wait_indirect_dma semaphore(%run_scoped3A : memref<!tpu.dma_semaphore, #tpu.memory_space<semaphore_mem>>) src(%arg12 : memref<128x64xbf16, #tpu.memory_space<vmem>>) dst(%dma_wait3A_115 : memref<10016x64xbf16, #tpu.memory_space<vmem_shared>>)
        tpu.yield
      }) : () -> ()
      %while3A_103 = arith.constant 0 : i32
      scf.yield %while3A_103 : i32
    }
    %barrier3A_64 = arith.constant 0 : index
    tpu.barrier barrier_id(%barrier3A_64)
    %lt3A_65 = arith.constant 10 : i32
    %lt3A_66 = arith.cmpi slt, %arg1, %lt3A_65 : i32
    %convert_element_type3A_67 = arith.extui %lt3A_66 : i1 to i32
    %cond3A_68 = arith.constant 0 : i32
    %cond3A_69 = arith.cmpi ne, %convert_element_type3A_67, %cond3A_68 : i32
    scf.if %cond3A_69 {
      %mul3A_70 = arith.constant 1000 : i32
      %mul3A_71 = arith.muli %arg1, %mul3A_70 : i32
      %mul3A_72 = arith.constant 1000 : i32
      %mul3A_73 = arith.muli %arg1, %mul3A_72 : i32
      "tpu.region"() ({
        %run_scoped3A = tpu.sem_alloc : memref<!tpu.dma_semaphore, #tpu.memory_space<semaphore_mem>>
        %dma_start3A_74 = arith.constant 0 : i32
        %dma_start3A_75 = tpu.memref_slice %arg8[%arg0, %mul3A_73, %dma_start3A_74] : memref<2x10000x64xbf16, #tpu.memory_space<hbm>> -> memref<1x1000x64xbf16, #tpu.memory_space<hbm>>
        %dma_start3A_76 = tpu.memref_squeeze %dma_start3A_75 : memref<1x1000x64xbf16, #tpu.memory_space<hbm>> -> memref<1000x64xbf16, #tpu.memory_space<hbm>>
        %dma_start3A_77 = arith.constant 0 : i32
        %dma_start3A_78 = tpu.memref_slice %arg13[%mul3A_71, %dma_start3A_77] : memref<10016x64xbf16, #tpu.memory_space<vmem_shared>> -> memref<1000x64xbf16, #tpu.memory_space<vmem_shared>>
        tpu.enqueue_dma source(%dma_start3A_78 : memref<1000x64xbf16, #tpu.memory_space<vmem_shared>>) target(%dma_start3A_76 : memref<1000x64xbf16, #tpu.memory_space<hbm>>) target_semaphore(%run_scoped3A : memref<!tpu.dma_semaphore, #tpu.memory_space<semaphore_mem>>)
        %dma_wait3A = arith.constant 0 : i32
        %dma_wait3A_79 = tpu.memref_slice %arg8[%arg0, %mul3A_73, %dma_wait3A] : memref<2x10000x64xbf16, #tpu.memory_space<hbm>> -> memref<1x1000x64xbf16, #tpu.memory_space<hbm>>
        %dma_wait3A_80 = tpu.memref_squeeze %dma_wait3A_79 : memref<1x1000x64xbf16, #tpu.memory_space<hbm>> -> memref<1000x64xbf16, #tpu.memory_space<hbm>>
        %dma_wait3A_81 = arith.constant 0 : i32
        %dma_wait3A_82 = tpu.memref_slice %arg13[%mul3A_71, %dma_wait3A_81] : memref<10016x64xbf16, #tpu.memory_space<vmem_shared>> -> memref<1000x64xbf16, #tpu.memory_space<vmem_shared>>
        tpu.wait_dma2 semaphore(%run_scoped3A : memref<!tpu.dma_semaphore, #tpu.memory_space<semaphore_mem>>) src(%dma_wait3A_82 : memref<1000x64xbf16, #tpu.memory_space<vmem_shared>>) dst(%dma_wait3A_80 : memref<1000x64xbf16, #tpu.memory_space<hbm>>)
        tpu.yield
      }) : () -> ()
    } else {
    }
    return
  }
}

#map = affine_map<(d0, d1) -> (0, 0)>
#map1 = affine_map<(d0, d1) -> (0)>
#map2 = affine_map<(d0, d1) -> (0, 0, 0)>
module attributes {stable_mosaic.version = 14 : i64} {
  func.func @_sc_agg_body(%arg0: i32, %arg1: i32, %arg2: memref<10016x64xbf16, #tpu.memory_space<hbm>>, %arg3: memref<10016x64xbf16, #tpu.memory_space<hbm>>, %arg4: memref<2624x128xi32, #tpu.memory_space<hbm>>, %arg5: memref<2624x128xi32, #tpu.memory_space<hbm>>, %arg6: memref<1000x64xbf16, #tpu.memory_space<hbm>>, %arg7: memref<1000xf32, #tpu.memory_space<hbm>>, %arg8: memref<2x10000x64xbf16, #tpu.memory_space<hbm>>, %arg9: memref<2x10000x64xbf16, #tpu.memory_space<hbm>>, %arg10: memref<40000xf32, #tpu.memory_space<hbm>>, %arg11: memref<128x128xi32, #tpu.memory_space<vmem>>, %arg12: memref<128x128xi32, #tpu.memory_space<vmem>>, %arg13: memref<128x64xbf16, #tpu.memory_space<vmem>>, %arg14: memref<128x64xbf16, #tpu.memory_space<vmem>>, %arg15: memref<128xf32, #tpu.memory_space<vmem>>, %arg16: memref<10016x64xbf16, #tpu.memory_space<vmem_shared>>, %arg17: memref<10016xf32, #tpu.memory_space<vmem_shared>>, %arg18: memref<!tpu.dma_semaphore, #tpu.memory_space<semaphore_mem>>, %arg19: memref<!tpu.dma_semaphore, #tpu.memory_space<semaphore_mem>>) attributes {dimension_semantics = [#tpu.dimension_semantics<core_parallel>, #tpu.dimension_semantics<subcore_parallel>], iteration_bounds = array<i64: 2, 16>, scalar_prefetch = 0 : i64, scratch_operands = 9 : i64, tpu.core_type = #tpu.core_type<sc_vector_subcore>, window_params = [{transform_indices = #map}, {transform_indices = #map}, {transform_indices = #map}, {transform_indices = #map}, {transform_indices = #map}, {transform_indices = #map1}, {transform_indices = #map2}, {transform_indices = #map2}, {transform_indices = #map1}]} {
    %eq3A = arith.constant 0 : i32
    %eq3A_0 = arith.cmpi eq, %arg0, %eq3A : i32
    %mul3A = arith.constant 128 : i32
    %mul3A_1 = arith.muli %arg1, %mul3A : i32
    %mul3A_2 = arith.constant 32 : i32
    %mul3A_3 = arith.muli %arg1, %mul3A_2 : i32
    %add3A = arith.constant 2048 : i32
    %add3A_4 = arith.addi %add3A, %mul3A_3 : i32
    %select_n3A = arith.select %eq3A_0, %mul3A_1, %add3A_4 : i32
    %eq3A_5 = arith.constant 0 : i32
    %eq3A_6 = arith.cmpi eq, %arg0, %eq3A_5 : i32
    %jit3A = arith.constant 128 : i32
    %jit3A_7 = arith.constant 32 : i32
    %select_n3A_8 = arith.select %eq3A_6, %jit3A, %jit3A_7 : i32
    %eq3A_9 = arith.constant 0 : i32
    %eq3A_10 = arith.cmpi eq, %arg0, %eq3A_9 : i32
    %jit3A_11 = arith.constant 64 : i32
    %jit3A_12 = arith.constant 16 : i32
    %select_n3A_13 = arith.select %eq3A_10, %jit3A_11, %jit3A_12 : i32
    %broadcast_in_dim3A = arith.constant 1.000000e+00 : f32
    %broadcast_in_dim3A_14 = vector.broadcast %broadcast_in_dim3A : f32 to vector<16xf32>
    %swap3A = arith.constant 0 : index
    %swap3A_15 = tpu.vector_load %arg15[%swap3A] {strides = array<i32>} : memref<128xf32, #tpu.memory_space<vmem>>, vector<16xf32>,
    %swap3A_16 = vector.shape_cast %swap3A_15 : vector<16xf32> to vector<16xf32>
    %swap3A_17 = vector.shape_cast %broadcast_in_dim3A_14 : vector<16xf32> to vector<16xf32>
    tpu.vector_store %arg15[%swap3A], %swap3A_17 {strides = array<i32>} : memref<128xf32, #tpu.memory_space<vmem>>, vector<16xf32>,
    %broadcast_in_dim3A_18 = arith.constant 1.000000e+00 : f32
    %broadcast_in_dim3A_19 = vector.broadcast %broadcast_in_dim3A_18 : f32 to vector<16xf32>
    %swap3A_20 = arith.constant 16 : index
    %swap3A_21 = tpu.vector_load %arg15[%swap3A_20] {strides = array<i32>} : memref<128xf32, #tpu.memory_space<vmem>>, vector<16xf32>,
    %swap3A_22 = vector.shape_cast %swap3A_21 : vector<16xf32> to vector<16xf32>
    %swap3A_23 = vector.shape_cast %broadcast_in_dim3A_19 : vector<16xf32> to vector<16xf32>
    tpu.vector_store %arg15[%swap3A_20], %swap3A_23 {strides = array<i32>} : memref<128xf32, #tpu.memory_space<vmem>>, vector<16xf32>,
    %broadcast_in_dim3A_24 = arith.constant 1.000000e+00 : f32
    %broadcast_in_dim3A_25 = vector.broadcast %broadcast_in_dim3A_24 : f32 to vector<16xf32>
    %swap3A_26 = arith.constant 32 : index
    %swap3A_27 = tpu.vector_load %arg15[%swap3A_26] {strides = array<i32>} : memref<128xf32, #tpu.memory_space<vmem>>, vector<16xf32>,
    %swap3A_28 = vector.shape_cast %swap3A_27 : vector<16xf32> to vector<16xf32>
    %swap3A_29 = vector.shape_cast %broadcast_in_dim3A_25 : vector<16xf32> to vector<16xf32>
    tpu.vector_store %arg15[%swap3A_26], %swap3A_29 {strides = array<i32>} : memref<128xf32, #tpu.memory_space<vmem>>, vector<16xf32>,
    %broadcast_in_dim3A_30 = arith.constant 1.000000e+00 : f32
    %broadcast_in_dim3A_31 = vector.broadcast %broadcast_in_dim3A_30 : f32 to vector<16xf32>
    %swap3A_32 = arith.constant 48 : index
    %swap3A_33 = tpu.vector_load %arg15[%swap3A_32] {strides = array<i32>} : memref<128xf32, #tpu.memory_space<vmem>>, vector<16xf32>,
    %swap3A_34 = vector.shape_cast %swap3A_33 : vector<16xf32> to vector<16xf32>
    %swap3A_35 = vector.shape_cast %broadcast_in_dim3A_31 : vector<16xf32> to vector<16xf32>
    tpu.vector_store %arg15[%swap3A_32], %swap3A_35 {strides = array<i32>} : memref<128xf32, #tpu.memory_space<vmem>>, vector<16xf32>,
    %broadcast_in_dim3A_36 = arith.constant 1.000000e+00 : f32
    %broadcast_in_dim3A_37 = vector.broadcast %broadcast_in_dim3A_36 : f32 to vector<16xf32>
    %swap3A_38 = arith.constant 64 : index
    %swap3A_39 = tpu.vector_load %arg15[%swap3A_38] {strides = array<i32>} : memref<128xf32, #tpu.memory_space<vmem>>, vector<16xf32>,
    %swap3A_40 = vector.shape_cast %swap3A_39 : vector<16xf32> to vector<16xf32>
    %swap3A_41 = vector.shape_cast %broadcast_in_dim3A_37 : vector<16xf32> to vector<16xf32>
    tpu.vector_store %arg15[%swap3A_38], %swap3A_41 {strides = array<i32>} : memref<128xf32, #tpu.memory_space<vmem>>, vector<16xf32>,
    %broadcast_in_dim3A_42 = arith.constant 1.000000e+00 : f32
    %broadcast_in_dim3A_43 = vector.broadcast %broadcast_in_dim3A_42 : f32 to vector<16xf32>
    %swap3A_44 = arith.constant 80 : index
    %swap3A_45 = tpu.vector_load %arg15[%swap3A_44] {strides = array<i32>} : memref<128xf32, #tpu.memory_space<vmem>>, vector<16xf32>,
    %swap3A_46 = vector.shape_cast %swap3A_45 : vector<16xf32> to vector<16xf32>
    %swap3A_47 = vector.shape_cast %broadcast_in_dim3A_43 : vector<16xf32> to vector<16xf32>
    tpu.vector_store %arg15[%swap3A_44], %swap3A_47 {strides = array<i32>} : memref<128xf32, #tpu.memory_space<vmem>>, vector<16xf32>,
    %broadcast_in_dim3A_48 = arith.constant 1.000000e+00 : f32
    %broadcast_in_dim3A_49 = vector.broadcast %broadcast_in_dim3A_48 : f32 to vector<16xf32>
    %swap3A_50 = arith.constant 96 : index
    %swap3A_51 = tpu.vector_load %arg15[%swap3A_50] {strides = array<i32>} : memref<128xf32, #tpu.memory_space<vmem>>, vector<16xf32>,
    %swap3A_52 = vector.shape_cast %swap3A_51 : vector<16xf32> to vector<16xf32>
    %swap3A_53 = vector.shape_cast %broadcast_in_dim3A_49 : vector<16xf32> to vector<16xf32>
    tpu.vector_store %arg15[%swap3A_50], %swap3A_53 {strides = array<i32>} : memref<128xf32, #tpu.memory_space<vmem>>, vector<16xf32>,
    %broadcast_in_dim3A_54 = arith.constant 1.000000e+00 : f32
    %broadcast_in_dim3A_55 = vector.broadcast %broadcast_in_dim3A_54 : f32 to vector<16xf32>
    %swap3A_56 = arith.constant 112 : index
    %swap3A_57 = tpu.vector_load %arg15[%swap3A_56] {strides = array<i32>} : memref<128xf32, #tpu.memory_space<vmem>>, vector<16xf32>,
    %swap3A_58 = vector.shape_cast %swap3A_57 : vector<16xf32> to vector<16xf32>
    %swap3A_59 = vector.shape_cast %broadcast_in_dim3A_55 : vector<16xf32> to vector<16xf32>
    tpu.vector_store %arg15[%swap3A_56], %swap3A_59 {strides = array<i32>} : memref<128xf32, #tpu.memory_space<vmem>>, vector<16xf32>,
    "tpu.region"() ({
      %run_scoped3A = tpu.sem_alloc : memref<!tpu.dma_semaphore, #tpu.memory_space<semaphore_mem>>
      %dma_start3A_116 = arith.constant 0 : i32
      %dma_start3A_117 = tpu.memref_slice %arg4[%select_n3A, %dma_start3A_116] : memref<2624x128xi32, #tpu.memory_space<hbm>> -> memref<128x128xi32, #tpu.memory_space<hbm>>
      %dma_start3A_118 = arith.constant 0 : i32
      %dma_start3A_119 = tpu.memref_slice %arg4[%select_n3A, %dma_start3A_118] : memref<2624x128xi32, #tpu.memory_space<hbm>> -> memref<128x128xi32, #tpu.memory_space<hbm>>
      tpu.enqueue_dma source(%dma_start3A_119 : memref<128x128xi32, #tpu.memory_space<hbm>>) target(%arg11 : memref<128x128xi32, #tpu.memory_space<vmem>>) target_semaphore(%run_scoped3A : memref<!tpu.dma_semaphore, #tpu.memory_space<semaphore_mem>>)
      %dma_wait3A = arith.constant 0 : i32
      %dma_wait3A_120 = tpu.memref_slice %arg4[%select_n3A, %dma_wait3A] : memref<2624x128xi32, #tpu.memory_space<hbm>> -> memref<128x128xi32, #tpu.memory_space<hbm>>
      %dma_wait3A_121 = arith.constant 0 : i32
      %dma_wait3A_122 = tpu.memref_slice %arg4[%select_n3A, %dma_wait3A_121] : memref<2624x128xi32, #tpu.memory_space<hbm>> -> memref<128x128xi32, #tpu.memory_space<hbm>>
      tpu.wait_dma2 semaphore(%run_scoped3A : memref<!tpu.dma_semaphore, #tpu.memory_space<semaphore_mem>>) src(%dma_wait3A_122 : memref<128x128xi32, #tpu.memory_space<hbm>>) dst(%arg11 : memref<128x128xi32, #tpu.memory_space<vmem>>)
      tpu.yield
    }) : () -> ()
    "tpu.region"() ({
      %run_scoped3A = tpu.sem_alloc : memref<!tpu.dma_semaphore, #tpu.memory_space<semaphore_mem>>
      %dma_start3A_116 = arith.constant 0 : i32
      %dma_start3A_117 = tpu.memref_slice %arg5[%select_n3A, %dma_start3A_116] : memref<2624x128xi32, #tpu.memory_space<hbm>> -> memref<128x128xi32, #tpu.memory_space<hbm>>
      %dma_start3A_118 = arith.constant 0 : i32
      %dma_start3A_119 = tpu.memref_slice %arg5[%select_n3A, %dma_start3A_118] : memref<2624x128xi32, #tpu.memory_space<hbm>> -> memref<128x128xi32, #tpu.memory_space<hbm>>
      tpu.enqueue_dma source(%dma_start3A_119 : memref<128x128xi32, #tpu.memory_space<hbm>>) target(%arg12 : memref<128x128xi32, #tpu.memory_space<vmem>>) target_semaphore(%run_scoped3A : memref<!tpu.dma_semaphore, #tpu.memory_space<semaphore_mem>>)
      %dma_wait3A = arith.constant 0 : i32
      %dma_wait3A_120 = tpu.memref_slice %arg5[%select_n3A, %dma_wait3A] : memref<2624x128xi32, #tpu.memory_space<hbm>> -> memref<128x128xi32, #tpu.memory_space<hbm>>
      %dma_wait3A_121 = arith.constant 0 : i32
      %dma_wait3A_122 = tpu.memref_slice %arg5[%select_n3A, %dma_wait3A_121] : memref<2624x128xi32, #tpu.memory_space<hbm>> -> memref<128x128xi32, #tpu.memory_space<hbm>>
      tpu.wait_dma2 semaphore(%run_scoped3A : memref<!tpu.dma_semaphore, #tpu.memory_space<semaphore_mem>>) src(%dma_wait3A_122 : memref<128x128xi32, #tpu.memory_space<hbm>>) dst(%arg12 : memref<128x128xi32, #tpu.memory_space<vmem>>)
      tpu.yield
    }) : () -> ()
    %lt3A = arith.constant 10 : i32
    %lt3A_60 = arith.cmpi slt, %arg1, %lt3A : i32
    %convert_element_type3A = arith.extui %lt3A_60 : i1 to i32
    %cond3A = arith.constant 0 : i32
    %cond3A_61 = arith.cmpi ne, %convert_element_type3A, %cond3A : i32
    scf.if %cond3A_61 {
      %mul3A_116 = arith.constant 1000 : i32
      %mul3A_117 = arith.muli %arg1, %mul3A_116 : i32
      "tpu.region"() ({
        %run_scoped3A = tpu.sem_alloc : memref<!tpu.dma_semaphore, #tpu.memory_space<semaphore_mem>>
        %dma_start3A_120 = arith.constant 0 : i32
        %dma_start3A_121 = tpu.memref_slice %arg16[%mul3A_117, %dma_start3A_120] : memref<10016x64xbf16, #tpu.memory_space<vmem_shared>> -> memref<1000x64xbf16, #tpu.memory_space<vmem_shared>>
        tpu.enqueue_dma source(%arg6 : memref<1000x64xbf16, #tpu.memory_space<hbm>>) target(%dma_start3A_121 : memref<1000x64xbf16, #tpu.memory_space<vmem_shared>>) target_semaphore(%run_scoped3A : memref<!tpu.dma_semaphore, #tpu.memory_space<semaphore_mem>>)
        %dma_wait3A = arith.constant 0 : i32
        %dma_wait3A_122 = tpu.memref_slice %arg16[%mul3A_117, %dma_wait3A] : memref<10016x64xbf16, #tpu.memory_space<vmem_shared>> -> memref<1000x64xbf16, #tpu.memory_space<vmem_shared>>
        tpu.wait_dma2 semaphore(%run_scoped3A : memref<!tpu.dma_semaphore, #tpu.memory_space<semaphore_mem>>) src(%arg6 : memref<1000x64xbf16, #tpu.memory_space<hbm>>) dst(%dma_wait3A_122 : memref<1000x64xbf16, #tpu.memory_space<vmem_shared>>)
        tpu.yield
      }) : () -> ()
      %mul3A_118 = arith.constant 1000 : i32
      %mul3A_119 = arith.muli %arg1, %mul3A_118 : i32
      "tpu.region"() ({
        %run_scoped3A = tpu.sem_alloc : memref<!tpu.dma_semaphore, #tpu.memory_space<semaphore_mem>>
        %dma_start3A_120 = tpu.memref_slice %arg17[%mul3A_119] : memref<10016xf32, #tpu.memory_space<vmem_shared>> -> memref<1000xf32, #tpu.memory_space<vmem_shared>>
        tpu.enqueue_dma source(%arg7 : memref<1000xf32, #tpu.memory_space<hbm>>) target(%dma_start3A_120 : memref<1000xf32, #tpu.memory_space<vmem_shared>>) target_semaphore(%run_scoped3A : memref<!tpu.dma_semaphore, #tpu.memory_space<semaphore_mem>>)
        %dma_wait3A = tpu.memref_slice %arg17[%mul3A_119] : memref<10016xf32, #tpu.memory_space<vmem_shared>> -> memref<1000xf32, #tpu.memory_space<vmem_shared>>
        tpu.wait_dma2 semaphore(%run_scoped3A : memref<!tpu.dma_semaphore, #tpu.memory_space<semaphore_mem>>) src(%arg7 : memref<1000xf32, #tpu.memory_space<hbm>>) dst(%dma_wait3A : memref<1000xf32, #tpu.memory_space<vmem_shared>>)
        tpu.yield
      }) : () -> ()
    } else {
    }
    %barrier3A = arith.constant 0 : index
    tpu.barrier barrier_id(%barrier3A)
    %dma_start3A = arith.constant 0 : i32
    %dma_start3A_62 = arith.constant 0 : i32
    %dma_start3A_63 = tpu.memref_slice %arg11[%dma_start3A, %dma_start3A_62] : memref<128x128xi32, #tpu.memory_space<vmem>> -> memref<1x128xi32, #tpu.memory_space<vmem>>
    %dma_start3A_64 = tpu.memref_squeeze %dma_start3A_63 : memref<1x128xi32, #tpu.memory_space<vmem>> -> memref<128xi32, #tpu.memory_space<vmem>>
    %dma_start3A_65 = arith.constant 0 : i32
    %dma_start3A_66 = arith.constant 0 : i32
    %dma_start3A_67 = tpu.memref_slice %arg2[%dma_start3A_65, %dma_start3A_66] : memref<10016x64xbf16, #tpu.memory_space<hbm>> -> memref<10016x64xbf16, #tpu.memory_space<hbm>>
    tpu.enqueue_indirect_dma source(%dma_start3A_67 : memref<10016x64xbf16, #tpu.memory_space<hbm>>) target(%arg13 : memref<128x64xbf16, #tpu.memory_space<vmem>>) offsets(%dma_start3A_64 : memref<128xi32, #tpu.memory_space<vmem>>) semaphore(%arg18 : memref<!tpu.dma_semaphore, #tpu.memory_space<semaphore_mem>>)
    %while3A = arith.constant 0 : i32
    %while3A_68 = arith.constant 0 : i32
    %while3A_69 = arith.subi %select_n3A_13, %while3A : i32
    %while3A_70 = arith.addi %while3A, %while3A_69 : i32
    %while3A_71 = arith.constant 1 : i32
    %while3A_72 = arith.divsi %while3A_69, %while3A_71 : i32
    %while3A_73 = arith.muli %while3A_72, %while3A_71 : i32
    %while3A_74 = arith.addi %while3A, %while3A_73 : i32
    %while3A_75 = arith.constant 1 : i32
    %while3A_76 = scf.for %while3A_116 = %while3A to %while3A_74 step %while3A_75 iter_args(%while3A_117 = %while3A_68) -> (i32)  : i32 {
      %mul3A_118 = arith.constant 2 : i32
      %mul3A_119 = arith.muli %mul3A_118, %while3A_116 : i32
      %add3A_120 = arith.constant 1 : i32
      %add3A_121 = arith.addi %mul3A_119, %add3A_120 : i32
      %dma_start3A_122 = arith.constant 0 : i32
      %dma_start3A_123 = tpu.memref_slice %arg11[%add3A_121, %dma_start3A_122] : memref<128x128xi32, #tpu.memory_space<vmem>> -> memref<1x128xi32, #tpu.memory_space<vmem>>
      %dma_start3A_124 = tpu.memref_squeeze %dma_start3A_123 : memref<1x128xi32, #tpu.memory_space<vmem>> -> memref<128xi32, #tpu.memory_space<vmem>>
      %dma_start3A_125 = arith.constant 0 : i32
      %dma_start3A_126 = arith.constant 0 : i32
      %dma_start3A_127 = tpu.memref_slice %arg2[%dma_start3A_125, %dma_start3A_126] : memref<10016x64xbf16, #tpu.memory_space<hbm>> -> memref<10016x64xbf16, #tpu.memory_space<hbm>>
      tpu.enqueue_indirect_dma source(%dma_start3A_127 : memref<10016x64xbf16, #tpu.memory_space<hbm>>) target(%arg14 : memref<128x64xbf16, #tpu.memory_space<vmem>>) offsets(%dma_start3A_124 : memref<128xi32, #tpu.memory_space<vmem>>) semaphore(%arg19 : memref<!tpu.dma_semaphore, #tpu.memory_space<semaphore_mem>>)
      %dma_wait3A = arith.constant 0 : i32
      %dma_wait3A_128 = tpu.memref_slice %arg11[%mul3A_119, %dma_wait3A] : memref<128x128xi32, #tpu.memory_space<vmem>> -> memref<1x128xi32, #tpu.memory_space<vmem>>
      %dma_wait3A_129 = tpu.memref_squeeze %dma_wait3A_128 : memref<1x128xi32, #tpu.memory_space<vmem>> -> memref<128xi32, #tpu.memory_space<vmem>>
      %dma_wait3A_130 = arith.constant 0 : i32
      %dma_wait3A_131 = arith.constant 0 : i32
      %dma_wait3A_132 = tpu.memref_slice %arg2[%dma_wait3A_130, %dma_wait3A_131] : memref<10016x64xbf16, #tpu.memory_space<hbm>> -> memref<10016x64xbf16, #tpu.memory_space<hbm>>
      tpu.wait_indirect_dma semaphore(%arg18 : memref<!tpu.dma_semaphore, #tpu.memory_space<semaphore_mem>>) src(%dma_wait3A_132 : memref<10016x64xbf16, #tpu.memory_space<hbm>>) dst(%arg13 : memref<128x64xbf16, #tpu.memory_space<vmem>>)
      "tpu.region"() ({
        %run_scoped3A = tpu.sem_alloc : memref<!tpu.dma_semaphore, #tpu.memory_space<semaphore_mem>>
        %dma_start3A_152 = arith.constant 0 : i32
        %dma_start3A_153 = tpu.memref_slice %arg12[%mul3A_119, %dma_start3A_152] : memref<128x128xi32, #tpu.memory_space<vmem>> -> memref<1x128xi32, #tpu.memory_space<vmem>>
        %dma_start3A_154 = tpu.memref_squeeze %dma_start3A_153 : memref<1x128xi32, #tpu.memory_space<vmem>> -> memref<128xi32, #tpu.memory_space<vmem>>
        %dma_start3A_155 = arith.constant 0 : i32
        %dma_start3A_156 = arith.constant 0 : i32
        %dma_start3A_157 = tpu.memref_slice %arg16[%dma_start3A_155, %dma_start3A_156] : memref<10016x64xbf16, #tpu.memory_space<vmem_shared>> -> memref<10016x64xbf16, #tpu.memory_space<vmem_shared>>
        tpu.enqueue_indirect_dma source(%arg13 : memref<128x64xbf16, #tpu.memory_space<vmem>>) target(%dma_start3A_157 : memref<10016x64xbf16, #tpu.memory_space<vmem_shared>>) offsets(%dma_start3A_154 : memref<128xi32, #tpu.memory_space<vmem>>) semaphore(%run_scoped3A : memref<!tpu.dma_semaphore, #tpu.memory_space<semaphore_mem>>) {add = true}
        %dma_wait3A_158 = arith.constant 0 : i32
        %dma_wait3A_159 = tpu.memref_slice %arg12[%mul3A_119, %dma_wait3A_158] : memref<128x128xi32, #tpu.memory_space<vmem>> -> memref<1x128xi32, #tpu.memory_space<vmem>>
        %dma_wait3A_160 = tpu.memref_squeeze %dma_wait3A_159 : memref<1x128xi32, #tpu.memory_space<vmem>> -> memref<128xi32, #tpu.memory_space<vmem>>
        %dma_wait3A_161 = arith.constant 0 : i32
        %dma_wait3A_162 = arith.constant 0 : i32
        %dma_wait3A_163 = tpu.memref_slice %arg16[%dma_wait3A_161, %dma_wait3A_162] : memref<10016x64xbf16, #tpu.memory_space<vmem_shared>> -> memref<10016x64xbf16, #tpu.memory_space<vmem_shared>>
        tpu.wait_indirect_dma semaphore(%run_scoped3A : memref<!tpu.dma_semaphore, #tpu.memory_space<semaphore_mem>>) src(%arg13 : memref<128x64xbf16, #tpu.memory_space<vmem>>) dst(%dma_wait3A_163 : memref<10016x64xbf16, #tpu.memory_space<vmem_shared>>)
        tpu.yield
      }) : () -> ()
      "tpu.region"() ({
        %run_scoped3A = tpu.sem_alloc : memref<!tpu.dma_semaphore, #tpu.memory_space<semaphore_mem>>
        %dma_start3A_152 = arith.constant 0 : i32
        %dma_start3A_153 = tpu.memref_slice %arg12[%mul3A_119, %dma_start3A_152] : memref<128x128xi32, #tpu.memory_space<vmem>> -> memref<1x128xi32, #tpu.memory_space<vmem>>
        %dma_start3A_154 = tpu.memref_squeeze %dma_start3A_153 : memref<1x128xi32, #tpu.memory_space<vmem>> -> memref<128xi32, #tpu.memory_space<vmem>>
        %dma_start3A_155 = arith.constant 0 : i32
        %dma_start3A_156 = tpu.memref_slice %arg17[%dma_start3A_155] : memref<10016xf32, #tpu.memory_space<vmem_shared>> -> memref<10016xf32, #tpu.memory_space<vmem_shared>>
        tpu.enqueue_indirect_dma source(%arg15 : memref<128xf32, #tpu.memory_space<vmem>>) target(%dma_start3A_156 : memref<10016xf32, #tpu.memory_space<vmem_shared>>) offsets(%dma_start3A_154 : memref<128xi32, #tpu.memory_space<vmem>>) semaphore(%run_scoped3A : memref<!tpu.dma_semaphore, #tpu.memory_space<semaphore_mem>>) {add = true}
        %dma_wait3A_157 = arith.constant 0 : i32
        %dma_wait3A_158 = tpu.memref_slice %arg12[%mul3A_119, %dma_wait3A_157] : memref<128x128xi32, #tpu.memory_space<vmem>> -> memref<1x128xi32, #tpu.memory_space<vmem>>
        %dma_wait3A_159 = tpu.memref_squeeze %dma_wait3A_158 : memref<1x128xi32, #tpu.memory_space<vmem>> -> memref<128xi32, #tpu.memory_space<vmem>>
        %dma_wait3A_160 = arith.constant 0 : i32
        %dma_wait3A_161 = tpu.memref_slice %arg17[%dma_wait3A_160] : memref<10016xf32, #tpu.memory_space<vmem_shared>> -> memref<10016xf32, #tpu.memory_space<vmem_shared>>
        tpu.wait_indirect_dma semaphore(%run_scoped3A : memref<!tpu.dma_semaphore, #tpu.memory_space<semaphore_mem>>) src(%arg15 : memref<128xf32, #tpu.memory_space<vmem>>) dst(%dma_wait3A_161 : memref<10016xf32, #tpu.memory_space<vmem_shared>>)
        tpu.yield
      }) : () -> ()
      %add3A_133 = arith.constant 2 : i32
      %add3A_134 = arith.addi %mul3A_119, %add3A_133 : i32
      %lt3A_135 = arith.cmpi slt, %add3A_134, %select_n3A_8 : i32
      %convert_element_type3A_136 = arith.extui %lt3A_135 : i1 to i32
      %cond3A_137 = arith.constant 0 : i32
      %cond3A_138 = arith.cmpi ne, %convert_element_type3A_136, %cond3A_137 : i32
      scf.if %cond3A_138 {
        %add3A_152 = arith.constant 2 : i32
        %add3A_153 = arith.addi %mul3A_119, %add3A_152 : i32
        %dma_start3A_154 = arith.constant 0 : i32
        %dma_start3A_155 = tpu.memref_slice %arg11[%add3A_153, %dma_start3A_154] : memref<128x128xi32, #tpu.memory_space<vmem>> -> memref<1x128xi32, #tpu.memory_space<vmem>>
        %dma_start3A_156 = tpu.memref_squeeze %dma_start3A_155 : memref<1x128xi32, #tpu.memory_space<vmem>> -> memref<128xi32, #tpu.memory_space<vmem>>
        %dma_start3A_157 = arith.constant 0 : i32
        %dma_start3A_158 = arith.constant 0 : i32
        %dma_start3A_159 = tpu.memref_slice %arg2[%dma_start3A_157, %dma_start3A_158] : memref<10016x64xbf16, #tpu.memory_space<hbm>> -> memref<10016x64xbf16, #tpu.memory_space<hbm>>
        tpu.enqueue_indirect_dma source(%dma_start3A_159 : memref<10016x64xbf16, #tpu.memory_space<hbm>>) target(%arg13 : memref<128x64xbf16, #tpu.memory_space<vmem>>) offsets(%dma_start3A_156 : memref<128xi32, #tpu.memory_space<vmem>>) semaphore(%arg18 : memref<!tpu.dma_semaphore, #tpu.memory_space<semaphore_mem>>)
      } else {
      }
      %add3A_139 = arith.constant 1 : i32
      %add3A_140 = arith.addi %mul3A_119, %add3A_139 : i32
      %dma_wait3A_141 = arith.constant 0 : i32
      %dma_wait3A_142 = tpu.memref_slice %arg11[%add3A_140, %dma_wait3A_141] : memref<128x128xi32, #tpu.memory_space<vmem>> -> memref<1x128xi32, #tpu.memory_space<vmem>>
      %dma_wait3A_143 = tpu.memref_squeeze %dma_wait3A_142 : memref<1x128xi32, #tpu.memory_space<vmem>> -> memref<128xi32, #tpu.memory_space<vmem>>
      %dma_wait3A_144 = arith.constant 0 : i32
      %dma_wait3A_145 = arith.constant 0 : i32
      %dma_wait3A_146 = tpu.memref_slice %arg2[%dma_wait3A_144, %dma_wait3A_145] : memref<10016x64xbf16, #tpu.memory_space<hbm>> -> memref<10016x64xbf16, #tpu.memory_space<hbm>>
      tpu.wait_indirect_dma semaphore(%arg19 : memref<!tpu.dma_semaphore, #tpu.memory_space<semaphore_mem>>) src(%dma_wait3A_146 : memref<10016x64xbf16, #tpu.memory_space<hbm>>) dst(%arg14 : memref<128x64xbf16, #tpu.memory_space<vmem>>)
      %add3A_147 = arith.constant 1 : i32
      %add3A_148 = arith.addi %mul3A_119, %add3A_147 : i32
      "tpu.region"() ({
        %run_scoped3A = tpu.sem_alloc : memref<!tpu.dma_semaphore, #tpu.memory_space<semaphore_mem>>
        %dma_start3A_152 = arith.constant 0 : i32
        %dma_start3A_153 = tpu.memref_slice %arg12[%add3A_148, %dma_start3A_152] : memref<128x128xi32, #tpu.memory_space<vmem>> -> memref<1x128xi32, #tpu.memory_space<vmem>>
        %dma_start3A_154 = tpu.memref_squeeze %dma_start3A_153 : memref<1x128xi32, #tpu.memory_space<vmem>> -> memref<128xi32, #tpu.memory_space<vmem>>
        %dma_start3A_155 = arith.constant 0 : i32
        %dma_start3A_156 = arith.constant 0 : i32
        %dma_start3A_157 = tpu.memref_slice %arg16[%dma_start3A_155, %dma_start3A_156] : memref<10016x64xbf16, #tpu.memory_space<vmem_shared>> -> memref<10016x64xbf16, #tpu.memory_space<vmem_shared>>
        tpu.enqueue_indirect_dma source(%arg14 : memref<128x64xbf16, #tpu.memory_space<vmem>>) target(%dma_start3A_157 : memref<10016x64xbf16, #tpu.memory_space<vmem_shared>>) offsets(%dma_start3A_154 : memref<128xi32, #tpu.memory_space<vmem>>) semaphore(%run_scoped3A : memref<!tpu.dma_semaphore, #tpu.memory_space<semaphore_mem>>) {add = true}
        %dma_wait3A_158 = arith.constant 0 : i32
        %dma_wait3A_159 = tpu.memref_slice %arg12[%add3A_148, %dma_wait3A_158] : memref<128x128xi32, #tpu.memory_space<vmem>> -> memref<1x128xi32, #tpu.memory_space<vmem>>
        %dma_wait3A_160 = tpu.memref_squeeze %dma_wait3A_159 : memref<1x128xi32, #tpu.memory_space<vmem>> -> memref<128xi32, #tpu.memory_space<vmem>>
        %dma_wait3A_161 = arith.constant 0 : i32
        %dma_wait3A_162 = arith.constant 0 : i32
        %dma_wait3A_163 = tpu.memref_slice %arg16[%dma_wait3A_161, %dma_wait3A_162] : memref<10016x64xbf16, #tpu.memory_space<vmem_shared>> -> memref<10016x64xbf16, #tpu.memory_space<vmem_shared>>
        tpu.wait_indirect_dma semaphore(%run_scoped3A : memref<!tpu.dma_semaphore, #tpu.memory_space<semaphore_mem>>) src(%arg14 : memref<128x64xbf16, #tpu.memory_space<vmem>>) dst(%dma_wait3A_163 : memref<10016x64xbf16, #tpu.memory_space<vmem_shared>>)
        tpu.yield
      }) : () -> ()
      %add3A_149 = arith.constant 1 : i32
      %add3A_150 = arith.addi %mul3A_119, %add3A_149 : i32
      "tpu.region"() ({
        %run_scoped3A = tpu.sem_alloc : memref<!tpu.dma_semaphore, #tpu.memory_space<semaphore_mem>>
        %dma_start3A_152 = arith.constant 0 : i32
        %dma_start3A_153 = tpu.memref_slice %arg12[%add3A_150, %dma_start3A_152] : memref<128x128xi32, #tpu.memory_space<vmem>> -> memref<1x128xi32, #tpu.memory_space<vmem>>
        %dma_start3A_154 = tpu.memref_squeeze %dma_start3A_153 : memref<1x128xi32, #tpu.memory_space<vmem>> -> memref<128xi32, #tpu.memory_space<vmem>>
        %dma_start3A_155 = arith.constant 0 : i32
        %dma_start3A_156 = tpu.memref_slice %arg17[%dma_start3A_155] : memref<10016xf32, #tpu.memory_space<vmem_shared>> -> memref<10016xf32, #tpu.memory_space<vmem_shared>>
        tpu.enqueue_indirect_dma source(%arg15 : memref<128xf32, #tpu.memory_space<vmem>>) target(%dma_start3A_156 : memref<10016xf32, #tpu.memory_space<vmem_shared>>) offsets(%dma_start3A_154 : memref<128xi32, #tpu.memory_space<vmem>>) semaphore(%run_scoped3A : memref<!tpu.dma_semaphore, #tpu.memory_space<semaphore_mem>>) {add = true}
        %dma_wait3A_157 = arith.constant 0 : i32
        %dma_wait3A_158 = tpu.memref_slice %arg12[%add3A_150, %dma_wait3A_157] : memref<128x128xi32, #tpu.memory_space<vmem>> -> memref<1x128xi32, #tpu.memory_space<vmem>>
        %dma_wait3A_159 = tpu.memref_squeeze %dma_wait3A_158 : memref<1x128xi32, #tpu.memory_space<vmem>> -> memref<128xi32, #tpu.memory_space<vmem>>
        %dma_wait3A_160 = arith.constant 0 : i32
        %dma_wait3A_161 = tpu.memref_slice %arg17[%dma_wait3A_160] : memref<10016xf32, #tpu.memory_space<vmem_shared>> -> memref<10016xf32, #tpu.memory_space<vmem_shared>>
        tpu.wait_indirect_dma semaphore(%run_scoped3A : memref<!tpu.dma_semaphore, #tpu.memory_space<semaphore_mem>>) src(%arg15 : memref<128xf32, #tpu.memory_space<vmem>>) dst(%dma_wait3A_161 : memref<10016xf32, #tpu.memory_space<vmem_shared>>)
        tpu.yield
      }) : () -> ()
      %while3A_151 = arith.constant 0 : i32
      scf.yield %while3A_151 : i32
    }
    %while3A_77 = arith.constant 1 : i32
    %while3A_78 = scf.for %while3A_116 = %while3A_74 to %while3A_70 step %while3A_77 iter_args(%while3A_117 = %while3A_76) -> (i32)  : i32 {
      %mul3A_118 = arith.constant 2 : i32
      %mul3A_119 = arith.muli %mul3A_118, %while3A_116 : i32
      %add3A_120 = arith.constant 1 : i32
      %add3A_121 = arith.addi %mul3A_119, %add3A_120 : i32
      %dma_start3A_122 = arith.constant 0 : i32
      %dma_start3A_123 = tpu.memref_slice %arg11[%add3A_121, %dma_start3A_122] : memref<128x128xi32, #tpu.memory_space<vmem>> -> memref<1x128xi32, #tpu.memory_space<vmem>>
      %dma_start3A_124 = tpu.memref_squeeze %dma_start3A_123 : memref<1x128xi32, #tpu.memory_space<vmem>> -> memref<128xi32, #tpu.memory_space<vmem>>
      %dma_start3A_125 = arith.constant 0 : i32
      %dma_start3A_126 = arith.constant 0 : i32
      %dma_start3A_127 = tpu.memref_slice %arg2[%dma_start3A_125, %dma_start3A_126] : memref<10016x64xbf16, #tpu.memory_space<hbm>> -> memref<10016x64xbf16, #tpu.memory_space<hbm>>
      tpu.enqueue_indirect_dma source(%dma_start3A_127 : memref<10016x64xbf16, #tpu.memory_space<hbm>>) target(%arg14 : memref<128x64xbf16, #tpu.memory_space<vmem>>) offsets(%dma_start3A_124 : memref<128xi32, #tpu.memory_space<vmem>>) semaphore(%arg19 : memref<!tpu.dma_semaphore, #tpu.memory_space<semaphore_mem>>)
      %dma_wait3A = arith.constant 0 : i32
      %dma_wait3A_128 = tpu.memref_slice %arg11[%mul3A_119, %dma_wait3A] : memref<128x128xi32, #tpu.memory_space<vmem>> -> memref<1x128xi32, #tpu.memory_space<vmem>>
      %dma_wait3A_129 = tpu.memref_squeeze %dma_wait3A_128 : memref<1x128xi32, #tpu.memory_space<vmem>> -> memref<128xi32, #tpu.memory_space<vmem>>
      %dma_wait3A_130 = arith.constant 0 : i32
      %dma_wait3A_131 = arith.constant 0 : i32
      %dma_wait3A_132 = tpu.memref_slice %arg2[%dma_wait3A_130, %dma_wait3A_131] : memref<10016x64xbf16, #tpu.memory_space<hbm>> -> memref<10016x64xbf16, #tpu.memory_space<hbm>>
      tpu.wait_indirect_dma semaphore(%arg18 : memref<!tpu.dma_semaphore, #tpu.memory_space<semaphore_mem>>) src(%dma_wait3A_132 : memref<10016x64xbf16, #tpu.memory_space<hbm>>) dst(%arg13 : memref<128x64xbf16, #tpu.memory_space<vmem>>)
      "tpu.region"() ({
        %run_scoped3A = tpu.sem_alloc : memref<!tpu.dma_semaphore, #tpu.memory_space<semaphore_mem>>
        %dma_start3A_152 = arith.constant 0 : i32
        %dma_start3A_153 = tpu.memref_slice %arg12[%mul3A_119, %dma_start3A_152] : memref<128x128xi32, #tpu.memory_space<vmem>> -> memref<1x128xi32, #tpu.memory_space<vmem>>
        %dma_start3A_154 = tpu.memref_squeeze %dma_start3A_153 : memref<1x128xi32, #tpu.memory_space<vmem>> -> memref<128xi32, #tpu.memory_space<vmem>>
        %dma_start3A_155 = arith.constant 0 : i32
        %dma_start3A_156 = arith.constant 0 : i32
        %dma_start3A_157 = tpu.memref_slice %arg16[%dma_start3A_155, %dma_start3A_156] : memref<10016x64xbf16, #tpu.memory_space<vmem_shared>> -> memref<10016x64xbf16, #tpu.memory_space<vmem_shared>>
        tpu.enqueue_indirect_dma source(%arg13 : memref<128x64xbf16, #tpu.memory_space<vmem>>) target(%dma_start3A_157 : memref<10016x64xbf16, #tpu.memory_space<vmem_shared>>) offsets(%dma_start3A_154 : memref<128xi32, #tpu.memory_space<vmem>>) semaphore(%run_scoped3A : memref<!tpu.dma_semaphore, #tpu.memory_space<semaphore_mem>>) {add = true}
        %dma_wait3A_158 = arith.constant 0 : i32
        %dma_wait3A_159 = tpu.memref_slice %arg12[%mul3A_119, %dma_wait3A_158] : memref<128x128xi32, #tpu.memory_space<vmem>> -> memref<1x128xi32, #tpu.memory_space<vmem>>
        %dma_wait3A_160 = tpu.memref_squeeze %dma_wait3A_159 : memref<1x128xi32, #tpu.memory_space<vmem>> -> memref<128xi32, #tpu.memory_space<vmem>>
        %dma_wait3A_161 = arith.constant 0 : i32
        %dma_wait3A_162 = arith.constant 0 : i32
        %dma_wait3A_163 = tpu.memref_slice %arg16[%dma_wait3A_161, %dma_wait3A_162] : memref<10016x64xbf16, #tpu.memory_space<vmem_shared>> -> memref<10016x64xbf16, #tpu.memory_space<vmem_shared>>
        tpu.wait_indirect_dma semaphore(%run_scoped3A : memref<!tpu.dma_semaphore, #tpu.memory_space<semaphore_mem>>) src(%arg13 : memref<128x64xbf16, #tpu.memory_space<vmem>>) dst(%dma_wait3A_163 : memref<10016x64xbf16, #tpu.memory_space<vmem_shared>>)
        tpu.yield
      }) : () -> ()
      "tpu.region"() ({
        %run_scoped3A = tpu.sem_alloc : memref<!tpu.dma_semaphore, #tpu.memory_space<semaphore_mem>>
        %dma_start3A_152 = arith.constant 0 : i32
        %dma_start3A_153 = tpu.memref_slice %arg12[%mul3A_119, %dma_start3A_152] : memref<128x128xi32, #tpu.memory_space<vmem>> -> memref<1x128xi32, #tpu.memory_space<vmem>>
        %dma_start3A_154 = tpu.memref_squeeze %dma_start3A_153 : memref<1x128xi32, #tpu.memory_space<vmem>> -> memref<128xi32, #tpu.memory_space<vmem>>
        %dma_start3A_155 = arith.constant 0 : i32
        %dma_start3A_156 = tpu.memref_slice %arg17[%dma_start3A_155] : memref<10016xf32, #tpu.memory_space<vmem_shared>> -> memref<10016xf32, #tpu.memory_space<vmem_shared>>
        tpu.enqueue_indirect_dma source(%arg15 : memref<128xf32, #tpu.memory_space<vmem>>) target(%dma_start3A_156 : memref<10016xf32, #tpu.memory_space<vmem_shared>>) offsets(%dma_start3A_154 : memref<128xi32, #tpu.memory_space<vmem>>) semaphore(%run_scoped3A : memref<!tpu.dma_semaphore, #tpu.memory_space<semaphore_mem>>) {add = true}
        %dma_wait3A_157 = arith.constant 0 : i32
        %dma_wait3A_158 = tpu.memref_slice %arg12[%mul3A_119, %dma_wait3A_157] : memref<128x128xi32, #tpu.memory_space<vmem>> -> memref<1x128xi32, #tpu.memory_space<vmem>>
        %dma_wait3A_159 = tpu.memref_squeeze %dma_wait3A_158 : memref<1x128xi32, #tpu.memory_space<vmem>> -> memref<128xi32, #tpu.memory_space<vmem>>
        %dma_wait3A_160 = arith.constant 0 : i32
        %dma_wait3A_161 = tpu.memref_slice %arg17[%dma_wait3A_160] : memref<10016xf32, #tpu.memory_space<vmem_shared>> -> memref<10016xf32, #tpu.memory_space<vmem_shared>>
        tpu.wait_indirect_dma semaphore(%run_scoped3A : memref<!tpu.dma_semaphore, #tpu.memory_space<semaphore_mem>>) src(%arg15 : memref<128xf32, #tpu.memory_space<vmem>>) dst(%dma_wait3A_161 : memref<10016xf32, #tpu.memory_space<vmem_shared>>)
        tpu.yield
      }) : () -> ()
      %add3A_133 = arith.constant 2 : i32
      %add3A_134 = arith.addi %mul3A_119, %add3A_133 : i32
      %lt3A_135 = arith.cmpi slt, %add3A_134, %select_n3A_8 : i32
      %convert_element_type3A_136 = arith.extui %lt3A_135 : i1 to i32
      %cond3A_137 = arith.constant 0 : i32
      %cond3A_138 = arith.cmpi ne, %convert_element_type3A_136, %cond3A_137 : i32
      scf.if %cond3A_138 {
        %add3A_152 = arith.constant 2 : i32
        %add3A_153 = arith.addi %mul3A_119, %add3A_152 : i32
        %dma_start3A_154 = arith.constant 0 : i32
        %dma_start3A_155 = tpu.memref_slice %arg11[%add3A_153, %dma_start3A_154] : memref<128x128xi32, #tpu.memory_space<vmem>> -> memref<1x128xi32, #tpu.memory_space<vmem>>
        %dma_start3A_156 = tpu.memref_squeeze %dma_start3A_155 : memref<1x128xi32, #tpu.memory_space<vmem>> -> memref<128xi32, #tpu.memory_space<vmem>>
        %dma_start3A_157 = arith.constant 0 : i32
        %dma_start3A_158 = arith.constant 0 : i32
        %dma_start3A_159 = tpu.memref_slice %arg2[%dma_start3A_157, %dma_start3A_158] : memref<10016x64xbf16, #tpu.memory_space<hbm>> -> memref<10016x64xbf16, #tpu.memory_space<hbm>>
        tpu.enqueue_indirect_dma source(%dma_start3A_159 : memref<10016x64xbf16, #tpu.memory_space<hbm>>) target(%arg13 : memref<128x64xbf16, #tpu.memory_space<vmem>>) offsets(%dma_start3A_156 : memref<128xi32, #tpu.memory_space<vmem>>) semaphore(%arg18 : memref<!tpu.dma_semaphore, #tpu.memory_space<semaphore_mem>>)
      } else {
      }
      %add3A_139 = arith.constant 1 : i32
      %add3A_140 = arith.addi %mul3A_119, %add3A_139 : i32
      %dma_wait3A_141 = arith.constant 0 : i32
      %dma_wait3A_142 = tpu.memref_slice %arg11[%add3A_140, %dma_wait3A_141] : memref<128x128xi32, #tpu.memory_space<vmem>> -> memref<1x128xi32, #tpu.memory_space<vmem>>
      %dma_wait3A_143 = tpu.memref_squeeze %dma_wait3A_142 : memref<1x128xi32, #tpu.memory_space<vmem>> -> memref<128xi32, #tpu.memory_space<vmem>>
      %dma_wait3A_144 = arith.constant 0 : i32
      %dma_wait3A_145 = arith.constant 0 : i32
      %dma_wait3A_146 = tpu.memref_slice %arg2[%dma_wait3A_144, %dma_wait3A_145] : memref<10016x64xbf16, #tpu.memory_space<hbm>> -> memref<10016x64xbf16, #tpu.memory_space<hbm>>
      tpu.wait_indirect_dma semaphore(%arg19 : memref<!tpu.dma_semaphore, #tpu.memory_space<semaphore_mem>>) src(%dma_wait3A_146 : memref<10016x64xbf16, #tpu.memory_space<hbm>>) dst(%arg14 : memref<128x64xbf16, #tpu.memory_space<vmem>>)
      %add3A_147 = arith.constant 1 : i32
      %add3A_148 = arith.addi %mul3A_119, %add3A_147 : i32
      "tpu.region"() ({
        %run_scoped3A = tpu.sem_alloc : memref<!tpu.dma_semaphore, #tpu.memory_space<semaphore_mem>>
        %dma_start3A_152 = arith.constant 0 : i32
        %dma_start3A_153 = tpu.memref_slice %arg12[%add3A_148, %dma_start3A_152] : memref<128x128xi32, #tpu.memory_space<vmem>> -> memref<1x128xi32, #tpu.memory_space<vmem>>
        %dma_start3A_154 = tpu.memref_squeeze %dma_start3A_153 : memref<1x128xi32, #tpu.memory_space<vmem>> -> memref<128xi32, #tpu.memory_space<vmem>>
        %dma_start3A_155 = arith.constant 0 : i32
        %dma_start3A_156 = arith.constant 0 : i32
        %dma_start3A_157 = tpu.memref_slice %arg16[%dma_start3A_155, %dma_start3A_156] : memref<10016x64xbf16, #tpu.memory_space<vmem_shared>> -> memref<10016x64xbf16, #tpu.memory_space<vmem_shared>>
        tpu.enqueue_indirect_dma source(%arg14 : memref<128x64xbf16, #tpu.memory_space<vmem>>) target(%dma_start3A_157 : memref<10016x64xbf16, #tpu.memory_space<vmem_shared>>) offsets(%dma_start3A_154 : memref<128xi32, #tpu.memory_space<vmem>>) semaphore(%run_scoped3A : memref<!tpu.dma_semaphore, #tpu.memory_space<semaphore_mem>>) {add = true}
        %dma_wait3A_158 = arith.constant 0 : i32
        %dma_wait3A_159 = tpu.memref_slice %arg12[%add3A_148, %dma_wait3A_158] : memref<128x128xi32, #tpu.memory_space<vmem>> -> memref<1x128xi32, #tpu.memory_space<vmem>>
        %dma_wait3A_160 = tpu.memref_squeeze %dma_wait3A_159 : memref<1x128xi32, #tpu.memory_space<vmem>> -> memref<128xi32, #tpu.memory_space<vmem>>
        %dma_wait3A_161 = arith.constant 0 : i32
        %dma_wait3A_162 = arith.constant 0 : i32
        %dma_wait3A_163 = tpu.memref_slice %arg16[%dma_wait3A_161, %dma_wait3A_162] : memref<10016x64xbf16, #tpu.memory_space<vmem_shared>> -> memref<10016x64xbf16, #tpu.memory_space<vmem_shared>>
        tpu.wait_indirect_dma semaphore(%run_scoped3A : memref<!tpu.dma_semaphore, #tpu.memory_space<semaphore_mem>>) src(%arg14 : memref<128x64xbf16, #tpu.memory_space<vmem>>) dst(%dma_wait3A_163 : memref<10016x64xbf16, #tpu.memory_space<vmem_shared>>)
        tpu.yield
      }) : () -> ()
      %add3A_149 = arith.constant 1 : i32
      %add3A_150 = arith.addi %mul3A_119, %add3A_149 : i32
      "tpu.region"() ({
        %run_scoped3A = tpu.sem_alloc : memref<!tpu.dma_semaphore, #tpu.memory_space<semaphore_mem>>
        %dma_start3A_152 = arith.constant 0 : i32
        %dma_start3A_153 = tpu.memref_slice %arg12[%add3A_150, %dma_start3A_152] : memref<128x128xi32, #tpu.memory_space<vmem>> -> memref<1x128xi32, #tpu.memory_space<vmem>>
        %dma_start3A_154 = tpu.memref_squeeze %dma_start3A_153 : memref<1x128xi32, #tpu.memory_space<vmem>> -> memref<128xi32, #tpu.memory_space<vmem>>
        %dma_start3A_155 = arith.constant 0 : i32
        %dma_start3A_156 = tpu.memref_slice %arg17[%dma_start3A_155] : memref<10016xf32, #tpu.memory_space<vmem_shared>> -> memref<10016xf32, #tpu.memory_space<vmem_shared>>
        tpu.enqueue_indirect_dma source(%arg15 : memref<128xf32, #tpu.memory_space<vmem>>) target(%dma_start3A_156 : memref<10016xf32, #tpu.memory_space<vmem_shared>>) offsets(%dma_start3A_154 : memref<128xi32, #tpu.memory_space<vmem>>) semaphore(%run_scoped3A : memref<!tpu.dma_semaphore, #tpu.memory_space<semaphore_mem>>) {add = true}
        %dma_wait3A_157 = arith.constant 0 : i32
        %dma_wait3A_158 = tpu.memref_slice %arg12[%add3A_150, %dma_wait3A_157] : memref<128x128xi32, #tpu.memory_space<vmem>> -> memref<1x128xi32, #tpu.memory_space<vmem>>
        %dma_wait3A_159 = tpu.memref_squeeze %dma_wait3A_158 : memref<1x128xi32, #tpu.memory_space<vmem>> -> memref<128xi32, #tpu.memory_space<vmem>>
        %dma_wait3A_160 = arith.constant 0 : i32
        %dma_wait3A_161 = tpu.memref_slice %arg17[%dma_wait3A_160] : memref<10016xf32, #tpu.memory_space<vmem_shared>> -> memref<10016xf32, #tpu.memory_space<vmem_shared>>
        tpu.wait_indirect_dma semaphore(%run_scoped3A : memref<!tpu.dma_semaphore, #tpu.memory_space<semaphore_mem>>) src(%arg15 : memref<128xf32, #tpu.memory_space<vmem>>) dst(%dma_wait3A_161 : memref<10016xf32, #tpu.memory_space<vmem_shared>>)
        tpu.yield
      }) : () -> ()
      %while3A_151 = arith.constant 0 : i32
      scf.yield %while3A_151 : i32
    }
    %barrier3A_79 = arith.constant 0 : index
    tpu.barrier barrier_id(%barrier3A_79)
    %lt3A_80 = arith.constant 10 : i32
    %lt3A_81 = arith.cmpi slt, %arg1, %lt3A_80 : i32
    %convert_element_type3A_82 = arith.extui %lt3A_81 : i1 to i32
    %cond3A_83 = arith.constant 0 : i32
    %cond3A_84 = arith.cmpi ne, %convert_element_type3A_82, %cond3A_83 : i32
    scf.if %cond3A_84 {
      %mul3A_116 = arith.constant 1000 : i32
      %mul3A_117 = arith.muli %arg1, %mul3A_116 : i32
      %mul3A_118 = arith.constant 1000 : i32
      %mul3A_119 = arith.muli %arg1, %mul3A_118 : i32
      "tpu.region"() ({
        %run_scoped3A = tpu.sem_alloc : memref<!tpu.dma_semaphore, #tpu.memory_space<semaphore_mem>>
        %dma_start3A_131 = arith.constant 0 : i32
        %dma_start3A_132 = tpu.memref_slice %arg8[%arg0, %mul3A_119, %dma_start3A_131] : memref<2x10000x64xbf16, #tpu.memory_space<hbm>> -> memref<1x1000x64xbf16, #tpu.memory_space<hbm>>
        %dma_start3A_133 = tpu.memref_squeeze %dma_start3A_132 : memref<1x1000x64xbf16, #tpu.memory_space<hbm>> -> memref<1000x64xbf16, #tpu.memory_space<hbm>>
        %dma_start3A_134 = arith.constant 0 : i32
        %dma_start3A_135 = tpu.memref_slice %arg16[%mul3A_117, %dma_start3A_134] : memref<10016x64xbf16, #tpu.memory_space<vmem_shared>> -> memref<1000x64xbf16, #tpu.memory_space<vmem_shared>>
        tpu.enqueue_dma source(%dma_start3A_135 : memref<1000x64xbf16, #tpu.memory_space<vmem_shared>>) target(%dma_start3A_133 : memref<1000x64xbf16, #tpu.memory_space<hbm>>) target_semaphore(%run_scoped3A : memref<!tpu.dma_semaphore, #tpu.memory_space<semaphore_mem>>)
        %dma_wait3A = arith.constant 0 : i32
        %dma_wait3A_136 = tpu.memref_slice %arg8[%arg0, %mul3A_119, %dma_wait3A] : memref<2x10000x64xbf16, #tpu.memory_space<hbm>> -> memref<1x1000x64xbf16, #tpu.memory_space<hbm>>
        %dma_wait3A_137 = tpu.memref_squeeze %dma_wait3A_136 : memref<1x1000x64xbf16, #tpu.memory_space<hbm>> -> memref<1000x64xbf16, #tpu.memory_space<hbm>>
        %dma_wait3A_138 = arith.constant 0 : i32
        %dma_wait3A_139 = tpu.memref_slice %arg16[%mul3A_117, %dma_wait3A_138] : memref<10016x64xbf16, #tpu.memory_space<vmem_shared>> -> memref<1000x64xbf16, #tpu.memory_space<vmem_shared>>
        tpu.wait_dma2 semaphore(%run_scoped3A : memref<!tpu.dma_semaphore, #tpu.memory_space<semaphore_mem>>) src(%dma_wait3A_139 : memref<1000x64xbf16, #tpu.memory_space<vmem_shared>>) dst(%dma_wait3A_137 : memref<1000x64xbf16, #tpu.memory_space<hbm>>)
        tpu.yield
      }) : () -> ()
      %mul3A_120 = arith.constant 1000 : i32
      %mul3A_121 = arith.muli %arg1, %mul3A_120 : i32
      %mul3A_122 = arith.constant 2 : i32
      %mul3A_123 = arith.muli %arg0, %mul3A_122 : i32
      %add3A_124 = arith.constant 0 : i32
      %add3A_125 = arith.addi %mul3A_123, %add3A_124 : i32
      %mul3A_126 = arith.constant 10000 : i32
      %mul3A_127 = arith.muli %add3A_125, %mul3A_126 : i32
      %mul3A_128 = arith.constant 1000 : i32
      %mul3A_129 = arith.muli %arg1, %mul3A_128 : i32
      %add3A_130 = arith.addi %mul3A_127, %mul3A_129 : i32
      "tpu.region"() ({
        %run_scoped3A = tpu.sem_alloc : memref<!tpu.dma_semaphore, #tpu.memory_space<semaphore_mem>>
        %dma_start3A_131 = tpu.memref_slice %arg10[%add3A_130] : memref<40000xf32, #tpu.memory_space<hbm>> -> memref<1000xf32, #tpu.memory_space<hbm>>
        %dma_start3A_132 = tpu.memref_slice %arg17[%mul3A_121] : memref<10016xf32, #tpu.memory_space<vmem_shared>> -> memref<1000xf32, #tpu.memory_space<vmem_shared>>
        tpu.enqueue_dma source(%dma_start3A_132 : memref<1000xf32, #tpu.memory_space<vmem_shared>>) target(%dma_start3A_131 : memref<1000xf32, #tpu.memory_space<hbm>>) target_semaphore(%run_scoped3A : memref<!tpu.dma_semaphore, #tpu.memory_space<semaphore_mem>>)
        %dma_wait3A = tpu.memref_slice %arg10[%add3A_130] : memref<40000xf32, #tpu.memory_space<hbm>> -> memref<1000xf32, #tpu.memory_space<hbm>>
        %dma_wait3A_133 = tpu.memref_slice %arg17[%mul3A_121] : memref<10016xf32, #tpu.memory_space<vmem_shared>> -> memref<1000xf32, #tpu.memory_space<vmem_shared>>
        tpu.wait_dma2 semaphore(%run_scoped3A : memref<!tpu.dma_semaphore, #tpu.memory_space<semaphore_mem>>) src(%dma_wait3A_133 : memref<1000xf32, #tpu.memory_space<vmem_shared>>) dst(%dma_wait3A : memref<1000xf32, #tpu.memory_space<hbm>>)
        tpu.yield
      }) : () -> ()
    } else {
    }
    %lt3A_85 = arith.constant 10 : i32
    %lt3A_86 = arith.cmpi slt, %arg1, %lt3A_85 : i32
    %convert_element_type3A_87 = arith.extui %lt3A_86 : i1 to i32
    %cond3A_88 = arith.constant 0 : i32
    %cond3A_89 = arith.cmpi ne, %convert_element_type3A_87, %cond3A_88 : i32
    scf.if %cond3A_89 {
      %mul3A_116 = arith.constant 1000 : i32
      %mul3A_117 = arith.muli %arg1, %mul3A_116 : i32
      "tpu.region"() ({
        %run_scoped3A = tpu.sem_alloc : memref<!tpu.dma_semaphore, #tpu.memory_space<semaphore_mem>>
        %dma_start3A_120 = arith.constant 0 : i32
        %dma_start3A_121 = tpu.memref_slice %arg16[%mul3A_117, %dma_start3A_120] : memref<10016x64xbf16, #tpu.memory_space<vmem_shared>> -> memref<1000x64xbf16, #tpu.memory_space<vmem_shared>>
        tpu.enqueue_dma source(%arg6 : memref<1000x64xbf16, #tpu.memory_space<hbm>>) target(%dma_start3A_121 : memref<1000x64xbf16, #tpu.memory_space<vmem_shared>>) target_semaphore(%run_scoped3A : memref<!tpu.dma_semaphore, #tpu.memory_space<semaphore_mem>>)
        %dma_wait3A = arith.constant 0 : i32
        %dma_wait3A_122 = tpu.memref_slice %arg16[%mul3A_117, %dma_wait3A] : memref<10016x64xbf16, #tpu.memory_space<vmem_shared>> -> memref<1000x64xbf16, #tpu.memory_space<vmem_shared>>
        tpu.wait_dma2 semaphore(%run_scoped3A : memref<!tpu.dma_semaphore, #tpu.memory_space<semaphore_mem>>) src(%arg6 : memref<1000x64xbf16, #tpu.memory_space<hbm>>) dst(%dma_wait3A_122 : memref<1000x64xbf16, #tpu.memory_space<vmem_shared>>)
        tpu.yield
      }) : () -> ()
      %mul3A_118 = arith.constant 1000 : i32
      %mul3A_119 = arith.muli %arg1, %mul3A_118 : i32
      "tpu.region"() ({
        %run_scoped3A = tpu.sem_alloc : memref<!tpu.dma_semaphore, #tpu.memory_space<semaphore_mem>>
        %dma_start3A_120 = tpu.memref_slice %arg17[%mul3A_119] : memref<10016xf32, #tpu.memory_space<vmem_shared>> -> memref<1000xf32, #tpu.memory_space<vmem_shared>>
        tpu.enqueue_dma source(%arg7 : memref<1000xf32, #tpu.memory_space<hbm>>) target(%dma_start3A_120 : memref<1000xf32, #tpu.memory_space<vmem_shared>>) target_semaphore(%run_scoped3A : memref<!tpu.dma_semaphore, #tpu.memory_space<semaphore_mem>>)
        %dma_wait3A = tpu.memref_slice %arg17[%mul3A_119] : memref<10016xf32, #tpu.memory_space<vmem_shared>> -> memref<1000xf32, #tpu.memory_space<vmem_shared>>
        tpu.wait_dma2 semaphore(%run_scoped3A : memref<!tpu.dma_semaphore, #tpu.memory_space<semaphore_mem>>) src(%arg7 : memref<1000xf32, #tpu.memory_space<hbm>>) dst(%dma_wait3A : memref<1000xf32, #tpu.memory_space<vmem_shared>>)
        tpu.yield
      }) : () -> ()
    } else {
    }
    %barrier3A_90 = arith.constant 0 : index
    tpu.barrier barrier_id(%barrier3A_90)
    %dma_start3A_91 = arith.constant 0 : i32
    %dma_start3A_92 = arith.constant 0 : i32
    %dma_start3A_93 = tpu.memref_slice %arg12[%dma_start3A_91, %dma_start3A_92] : memref<128x128xi32, #tpu.memory_space<vmem>> -> memref<1x128xi32, #tpu.memory_space<vmem>>
    %dma_start3A_94 = tpu.memref_squeeze %dma_start3A_93 : memref<1x128xi32, #tpu.memory_space<vmem>> -> memref<128xi32, #tpu.memory_space<vmem>>
    %dma_start3A_95 = arith.constant 0 : i32
    %dma_start3A_96 = arith.constant 0 : i32
    %dma_start3A_97 = tpu.memref_slice %arg3[%dma_start3A_95, %dma_start3A_96] : memref<10016x64xbf16, #tpu.memory_space<hbm>> -> memref<10016x64xbf16, #tpu.memory_space<hbm>>
    tpu.enqueue_indirect_dma source(%dma_start3A_97 : memref<10016x64xbf16, #tpu.memory_space<hbm>>) target(%arg13 : memref<128x64xbf16, #tpu.memory_space<vmem>>) offsets(%dma_start3A_94 : memref<128xi32, #tpu.memory_space<vmem>>) semaphore(%arg18 : memref<!tpu.dma_semaphore, #tpu.memory_space<semaphore_mem>>)
    %while3A_98 = arith.constant 0 : i32
    %while3A_99 = arith.constant 0 : i32
    %while3A_100 = arith.subi %select_n3A_13, %while3A_98 : i32
    %while3A_101 = arith.addi %while3A_98, %while3A_100 : i32
    %while3A_102 = arith.constant 1 : i32
    %while3A_103 = arith.divsi %while3A_100, %while3A_102 : i32
    %while3A_104 = arith.muli %while3A_103, %while3A_102 : i32
    %while3A_105 = arith.addi %while3A_98, %while3A_104 : i32
    %while3A_106 = arith.constant 1 : i32
    %while3A_107 = scf.for %while3A_116 = %while3A_98 to %while3A_105 step %while3A_106 iter_args(%while3A_117 = %while3A_99) -> (i32)  : i32 {
      %mul3A_118 = arith.constant 2 : i32
      %mul3A_119 = arith.muli %mul3A_118, %while3A_116 : i32
      %add3A_120 = arith.constant 1 : i32
      %add3A_121 = arith.addi %mul3A_119, %add3A_120 : i32
      %dma_start3A_122 = arith.constant 0 : i32
      %dma_start3A_123 = tpu.memref_slice %arg12[%add3A_121, %dma_start3A_122] : memref<128x128xi32, #tpu.memory_space<vmem>> -> memref<1x128xi32, #tpu.memory_space<vmem>>
      %dma_start3A_124 = tpu.memref_squeeze %dma_start3A_123 : memref<1x128xi32, #tpu.memory_space<vmem>> -> memref<128xi32, #tpu.memory_space<vmem>>
      %dma_start3A_125 = arith.constant 0 : i32
      %dma_start3A_126 = arith.constant 0 : i32
      %dma_start3A_127 = tpu.memref_slice %arg3[%dma_start3A_125, %dma_start3A_126] : memref<10016x64xbf16, #tpu.memory_space<hbm>> -> memref<10016x64xbf16, #tpu.memory_space<hbm>>
      tpu.enqueue_indirect_dma source(%dma_start3A_127 : memref<10016x64xbf16, #tpu.memory_space<hbm>>) target(%arg14 : memref<128x64xbf16, #tpu.memory_space<vmem>>) offsets(%dma_start3A_124 : memref<128xi32, #tpu.memory_space<vmem>>) semaphore(%arg19 : memref<!tpu.dma_semaphore, #tpu.memory_space<semaphore_mem>>)
      %dma_wait3A = arith.constant 0 : i32
      %dma_wait3A_128 = tpu.memref_slice %arg12[%mul3A_119, %dma_wait3A] : memref<128x128xi32, #tpu.memory_space<vmem>> -> memref<1x128xi32, #tpu.memory_space<vmem>>
      %dma_wait3A_129 = tpu.memref_squeeze %dma_wait3A_128 : memref<1x128xi32, #tpu.memory_space<vmem>> -> memref<128xi32, #tpu.memory_space<vmem>>
      %dma_wait3A_130 = arith.constant 0 : i32
      %dma_wait3A_131 = arith.constant 0 : i32
      %dma_wait3A_132 = tpu.memref_slice %arg3[%dma_wait3A_130, %dma_wait3A_131] : memref<10016x64xbf16, #tpu.memory_space<hbm>> -> memref<10016x64xbf16, #tpu.memory_space<hbm>>
      tpu.wait_indirect_dma semaphore(%arg18 : memref<!tpu.dma_semaphore, #tpu.memory_space<semaphore_mem>>) src(%dma_wait3A_132 : memref<10016x64xbf16, #tpu.memory_space<hbm>>) dst(%arg13 : memref<128x64xbf16, #tpu.memory_space<vmem>>)
      "tpu.region"() ({
        %run_scoped3A = tpu.sem_alloc : memref<!tpu.dma_semaphore, #tpu.memory_space<semaphore_mem>>
        %dma_start3A_152 = arith.constant 0 : i32
        %dma_start3A_153 = tpu.memref_slice %arg11[%mul3A_119, %dma_start3A_152] : memref<128x128xi32, #tpu.memory_space<vmem>> -> memref<1x128xi32, #tpu.memory_space<vmem>>
        %dma_start3A_154 = tpu.memref_squeeze %dma_start3A_153 : memref<1x128xi32, #tpu.memory_space<vmem>> -> memref<128xi32, #tpu.memory_space<vmem>>
        %dma_start3A_155 = arith.constant 0 : i32
        %dma_start3A_156 = arith.constant 0 : i32
        %dma_start3A_157 = tpu.memref_slice %arg16[%dma_start3A_155, %dma_start3A_156] : memref<10016x64xbf16, #tpu.memory_space<vmem_shared>> -> memref<10016x64xbf16, #tpu.memory_space<vmem_shared>>
        tpu.enqueue_indirect_dma source(%arg13 : memref<128x64xbf16, #tpu.memory_space<vmem>>) target(%dma_start3A_157 : memref<10016x64xbf16, #tpu.memory_space<vmem_shared>>) offsets(%dma_start3A_154 : memref<128xi32, #tpu.memory_space<vmem>>) semaphore(%run_scoped3A : memref<!tpu.dma_semaphore, #tpu.memory_space<semaphore_mem>>) {add = true}
        %dma_wait3A_158 = arith.constant 0 : i32
        %dma_wait3A_159 = tpu.memref_slice %arg11[%mul3A_119, %dma_wait3A_158] : memref<128x128xi32, #tpu.memory_space<vmem>> -> memref<1x128xi32, #tpu.memory_space<vmem>>
        %dma_wait3A_160 = tpu.memref_squeeze %dma_wait3A_159 : memref<1x128xi32, #tpu.memory_space<vmem>> -> memref<128xi32, #tpu.memory_space<vmem>>
        %dma_wait3A_161 = arith.constant 0 : i32
        %dma_wait3A_162 = arith.constant 0 : i32
        %dma_wait3A_163 = tpu.memref_slice %arg16[%dma_wait3A_161, %dma_wait3A_162] : memref<10016x64xbf16, #tpu.memory_space<vmem_shared>> -> memref<10016x64xbf16, #tpu.memory_space<vmem_shared>>
        tpu.wait_indirect_dma semaphore(%run_scoped3A : memref<!tpu.dma_semaphore, #tpu.memory_space<semaphore_mem>>) src(%arg13 : memref<128x64xbf16, #tpu.memory_space<vmem>>) dst(%dma_wait3A_163 : memref<10016x64xbf16, #tpu.memory_space<vmem_shared>>)
        tpu.yield
      }) : () -> ()
      "tpu.region"() ({
        %run_scoped3A = tpu.sem_alloc : memref<!tpu.dma_semaphore, #tpu.memory_space<semaphore_mem>>
        %dma_start3A_152 = arith.constant 0 : i32
        %dma_start3A_153 = tpu.memref_slice %arg11[%mul3A_119, %dma_start3A_152] : memref<128x128xi32, #tpu.memory_space<vmem>> -> memref<1x128xi32, #tpu.memory_space<vmem>>
        %dma_start3A_154 = tpu.memref_squeeze %dma_start3A_153 : memref<1x128xi32, #tpu.memory_space<vmem>> -> memref<128xi32, #tpu.memory_space<vmem>>
        %dma_start3A_155 = arith.constant 0 : i32
        %dma_start3A_156 = tpu.memref_slice %arg17[%dma_start3A_155] : memref<10016xf32, #tpu.memory_space<vmem_shared>> -> memref<10016xf32, #tpu.memory_space<vmem_shared>>
        tpu.enqueue_indirect_dma source(%arg15 : memref<128xf32, #tpu.memory_space<vmem>>) target(%dma_start3A_156 : memref<10016xf32, #tpu.memory_space<vmem_shared>>) offsets(%dma_start3A_154 : memref<128xi32, #tpu.memory_space<vmem>>) semaphore(%run_scoped3A : memref<!tpu.dma_semaphore, #tpu.memory_space<semaphore_mem>>) {add = true}
        %dma_wait3A_157 = arith.constant 0 : i32
        %dma_wait3A_158 = tpu.memref_slice %arg11[%mul3A_119, %dma_wait3A_157] : memref<128x128xi32, #tpu.memory_space<vmem>> -> memref<1x128xi32, #tpu.memory_space<vmem>>
        %dma_wait3A_159 = tpu.memref_squeeze %dma_wait3A_158 : memref<1x128xi32, #tpu.memory_space<vmem>> -> memref<128xi32, #tpu.memory_space<vmem>>
        %dma_wait3A_160 = arith.constant 0 : i32
        %dma_wait3A_161 = tpu.memref_slice %arg17[%dma_wait3A_160] : memref<10016xf32, #tpu.memory_space<vmem_shared>> -> memref<10016xf32, #tpu.memory_space<vmem_shared>>
        tpu.wait_indirect_dma semaphore(%run_scoped3A : memref<!tpu.dma_semaphore, #tpu.memory_space<semaphore_mem>>) src(%arg15 : memref<128xf32, #tpu.memory_space<vmem>>) dst(%dma_wait3A_161 : memref<10016xf32, #tpu.memory_space<vmem_shared>>)
        tpu.yield
      }) : () -> ()
      %add3A_133 = arith.constant 2 : i32
      %add3A_134 = arith.addi %mul3A_119, %add3A_133 : i32
      %lt3A_135 = arith.cmpi slt, %add3A_134, %select_n3A_8 : i32
      %convert_element_type3A_136 = arith.extui %lt3A_135 : i1 to i32
      %cond3A_137 = arith.constant 0 : i32
      %cond3A_138 = arith.cmpi ne, %convert_element_type3A_136, %cond3A_137 : i32
      scf.if %cond3A_138 {
        %add3A_152 = arith.constant 2 : i32
        %add3A_153 = arith.addi %mul3A_119, %add3A_152 : i32
        %dma_start3A_154 = arith.constant 0 : i32
        %dma_start3A_155 = tpu.memref_slice %arg12[%add3A_153, %dma_start3A_154] : memref<128x128xi32, #tpu.memory_space<vmem>> -> memref<1x128xi32, #tpu.memory_space<vmem>>
        %dma_start3A_156 = tpu.memref_squeeze %dma_start3A_155 : memref<1x128xi32, #tpu.memory_space<vmem>> -> memref<128xi32, #tpu.memory_space<vmem>>
        %dma_start3A_157 = arith.constant 0 : i32
        %dma_start3A_158 = arith.constant 0 : i32
        %dma_start3A_159 = tpu.memref_slice %arg3[%dma_start3A_157, %dma_start3A_158] : memref<10016x64xbf16, #tpu.memory_space<hbm>> -> memref<10016x64xbf16, #tpu.memory_space<hbm>>
        tpu.enqueue_indirect_dma source(%dma_start3A_159 : memref<10016x64xbf16, #tpu.memory_space<hbm>>) target(%arg13 : memref<128x64xbf16, #tpu.memory_space<vmem>>) offsets(%dma_start3A_156 : memref<128xi32, #tpu.memory_space<vmem>>) semaphore(%arg18 : memref<!tpu.dma_semaphore, #tpu.memory_space<semaphore_mem>>)
      } else {
      }
      %add3A_139 = arith.constant 1 : i32
      %add3A_140 = arith.addi %mul3A_119, %add3A_139 : i32
      %dma_wait3A_141 = arith.constant 0 : i32
      %dma_wait3A_142 = tpu.memref_slice %arg12[%add3A_140, %dma_wait3A_141] : memref<128x128xi32, #tpu.memory_space<vmem>> -> memref<1x128xi32, #tpu.memory_space<vmem>>
      %dma_wait3A_143 = tpu.memref_squeeze %dma_wait3A_142 : memref<1x128xi32, #tpu.memory_space<vmem>> -> memref<128xi32, #tpu.memory_space<vmem>>
      %dma_wait3A_144 = arith.constant 0 : i32
      %dma_wait3A_145 = arith.constant 0 : i32
      %dma_wait3A_146 = tpu.memref_slice %arg3[%dma_wait3A_144, %dma_wait3A_145] : memref<10016x64xbf16, #tpu.memory_space<hbm>> -> memref<10016x64xbf16, #tpu.memory_space<hbm>>
      tpu.wait_indirect_dma semaphore(%arg19 : memref<!tpu.dma_semaphore, #tpu.memory_space<semaphore_mem>>) src(%dma_wait3A_146 : memref<10016x64xbf16, #tpu.memory_space<hbm>>) dst(%arg14 : memref<128x64xbf16, #tpu.memory_space<vmem>>)
      %add3A_147 = arith.constant 1 : i32
      %add3A_148 = arith.addi %mul3A_119, %add3A_147 : i32
      "tpu.region"() ({
        %run_scoped3A = tpu.sem_alloc : memref<!tpu.dma_semaphore, #tpu.memory_space<semaphore_mem>>
        %dma_start3A_152 = arith.constant 0 : i32
        %dma_start3A_153 = tpu.memref_slice %arg11[%add3A_148, %dma_start3A_152] : memref<128x128xi32, #tpu.memory_space<vmem>> -> memref<1x128xi32, #tpu.memory_space<vmem>>
        %dma_start3A_154 = tpu.memref_squeeze %dma_start3A_153 : memref<1x128xi32, #tpu.memory_space<vmem>> -> memref<128xi32, #tpu.memory_space<vmem>>
        %dma_start3A_155 = arith.constant 0 : i32
        %dma_start3A_156 = arith.constant 0 : i32
        %dma_start3A_157 = tpu.memref_slice %arg16[%dma_start3A_155, %dma_start3A_156] : memref<10016x64xbf16, #tpu.memory_space<vmem_shared>> -> memref<10016x64xbf16, #tpu.memory_space<vmem_shared>>
        tpu.enqueue_indirect_dma source(%arg14 : memref<128x64xbf16, #tpu.memory_space<vmem>>) target(%dma_start3A_157 : memref<10016x64xbf16, #tpu.memory_space<vmem_shared>>) offsets(%dma_start3A_154 : memref<128xi32, #tpu.memory_space<vmem>>) semaphore(%run_scoped3A : memref<!tpu.dma_semaphore, #tpu.memory_space<semaphore_mem>>) {add = true}
        %dma_wait3A_158 = arith.constant 0 : i32
        %dma_wait3A_159 = tpu.memref_slice %arg11[%add3A_148, %dma_wait3A_158] : memref<128x128xi32, #tpu.memory_space<vmem>> -> memref<1x128xi32, #tpu.memory_space<vmem>>
        %dma_wait3A_160 = tpu.memref_squeeze %dma_wait3A_159 : memref<1x128xi32, #tpu.memory_space<vmem>> -> memref<128xi32, #tpu.memory_space<vmem>>
        %dma_wait3A_161 = arith.constant 0 : i32
        %dma_wait3A_162 = arith.constant 0 : i32
        %dma_wait3A_163 = tpu.memref_slice %arg16[%dma_wait3A_161, %dma_wait3A_162] : memref<10016x64xbf16, #tpu.memory_space<vmem_shared>> -> memref<10016x64xbf16, #tpu.memory_space<vmem_shared>>
        tpu.wait_indirect_dma semaphore(%run_scoped3A : memref<!tpu.dma_semaphore, #tpu.memory_space<semaphore_mem>>) src(%arg14 : memref<128x64xbf16, #tpu.memory_space<vmem>>) dst(%dma_wait3A_163 : memref<10016x64xbf16, #tpu.memory_space<vmem_shared>>)
        tpu.yield
      }) : () -> ()
      %add3A_149 = arith.constant 1 : i32
      %add3A_150 = arith.addi %mul3A_119, %add3A_149 : i32
      "tpu.region"() ({
        %run_scoped3A = tpu.sem_alloc : memref<!tpu.dma_semaphore, #tpu.memory_space<semaphore_mem>>
        %dma_start3A_152 = arith.constant 0 : i32
        %dma_start3A_153 = tpu.memref_slice %arg11[%add3A_150, %dma_start3A_152] : memref<128x128xi32, #tpu.memory_space<vmem>> -> memref<1x128xi32, #tpu.memory_space<vmem>>
        %dma_start3A_154 = tpu.memref_squeeze %dma_start3A_153 : memref<1x128xi32, #tpu.memory_space<vmem>> -> memref<128xi32, #tpu.memory_space<vmem>>
        %dma_start3A_155 = arith.constant 0 : i32
        %dma_start3A_156 = tpu.memref_slice %arg17[%dma_start3A_155] : memref<10016xf32, #tpu.memory_space<vmem_shared>> -> memref<10016xf32, #tpu.memory_space<vmem_shared>>
        tpu.enqueue_indirect_dma source(%arg15 : memref<128xf32, #tpu.memory_space<vmem>>) target(%dma_start3A_156 : memref<10016xf32, #tpu.memory_space<vmem_shared>>) offsets(%dma_start3A_154 : memref<128xi32, #tpu.memory_space<vmem>>) semaphore(%run_scoped3A : memref<!tpu.dma_semaphore, #tpu.memory_space<semaphore_mem>>) {add = true}
        %dma_wait3A_157 = arith.constant 0 : i32
        %dma_wait3A_158 = tpu.memref_slice %arg11[%add3A_150, %dma_wait3A_157] : memref<128x128xi32, #tpu.memory_space<vmem>> -> memref<1x128xi32, #tpu.memory_space<vmem>>
        %dma_wait3A_159 = tpu.memref_squeeze %dma_wait3A_158 : memref<1x128xi32, #tpu.memory_space<vmem>> -> memref<128xi32, #tpu.memory_space<vmem>>
        %dma_wait3A_160 = arith.constant 0 : i32
        %dma_wait3A_161 = tpu.memref_slice %arg17[%dma_wait3A_160] : memref<10016xf32, #tpu.memory_space<vmem_shared>> -> memref<10016xf32, #tpu.memory_space<vmem_shared>>
        tpu.wait_indirect_dma semaphore(%run_scoped3A : memref<!tpu.dma_semaphore, #tpu.memory_space<semaphore_mem>>) src(%arg15 : memref<128xf32, #tpu.memory_space<vmem>>) dst(%dma_wait3A_161 : memref<10016xf32, #tpu.memory_space<vmem_shared>>)
        tpu.yield
      }) : () -> ()
      %while3A_151 = arith.constant 0 : i32
      scf.yield %while3A_151 : i32
    }
    %while3A_108 = arith.constant 1 : i32
    %while3A_109 = scf.for %while3A_116 = %while3A_105 to %while3A_101 step %while3A_108 iter_args(%while3A_117 = %while3A_107) -> (i32)  : i32 {
      %mul3A_118 = arith.constant 2 : i32
      %mul3A_119 = arith.muli %mul3A_118, %while3A_116 : i32
      %add3A_120 = arith.constant 1 : i32
      %add3A_121 = arith.addi %mul3A_119, %add3A_120 : i32
      %dma_start3A_122 = arith.constant 0 : i32
      %dma_start3A_123 = tpu.memref_slice %arg12[%add3A_121, %dma_start3A_122] : memref<128x128xi32, #tpu.memory_space<vmem>> -> memref<1x128xi32, #tpu.memory_space<vmem>>
      %dma_start3A_124 = tpu.memref_squeeze %dma_start3A_123 : memref<1x128xi32, #tpu.memory_space<vmem>> -> memref<128xi32, #tpu.memory_space<vmem>>
      %dma_start3A_125 = arith.constant 0 : i32
      %dma_start3A_126 = arith.constant 0 : i32
      %dma_start3A_127 = tpu.memref_slice %arg3[%dma_start3A_125, %dma_start3A_126] : memref<10016x64xbf16, #tpu.memory_space<hbm>> -> memref<10016x64xbf16, #tpu.memory_space<hbm>>
      tpu.enqueue_indirect_dma source(%dma_start3A_127 : memref<10016x64xbf16, #tpu.memory_space<hbm>>) target(%arg14 : memref<128x64xbf16, #tpu.memory_space<vmem>>) offsets(%dma_start3A_124 : memref<128xi32, #tpu.memory_space<vmem>>) semaphore(%arg19 : memref<!tpu.dma_semaphore, #tpu.memory_space<semaphore_mem>>)
      %dma_wait3A = arith.constant 0 : i32
      %dma_wait3A_128 = tpu.memref_slice %arg12[%mul3A_119, %dma_wait3A] : memref<128x128xi32, #tpu.memory_space<vmem>> -> memref<1x128xi32, #tpu.memory_space<vmem>>
      %dma_wait3A_129 = tpu.memref_squeeze %dma_wait3A_128 : memref<1x128xi32, #tpu.memory_space<vmem>> -> memref<128xi32, #tpu.memory_space<vmem>>
      %dma_wait3A_130 = arith.constant 0 : i32
      %dma_wait3A_131 = arith.constant 0 : i32
      %dma_wait3A_132 = tpu.memref_slice %arg3[%dma_wait3A_130, %dma_wait3A_131] : memref<10016x64xbf16, #tpu.memory_space<hbm>> -> memref<10016x64xbf16, #tpu.memory_space<hbm>>
      tpu.wait_indirect_dma semaphore(%arg18 : memref<!tpu.dma_semaphore, #tpu.memory_space<semaphore_mem>>) src(%dma_wait3A_132 : memref<10016x64xbf16, #tpu.memory_space<hbm>>) dst(%arg13 : memref<128x64xbf16, #tpu.memory_space<vmem>>)
      "tpu.region"() ({
        %run_scoped3A = tpu.sem_alloc : memref<!tpu.dma_semaphore, #tpu.memory_space<semaphore_mem>>
        %dma_start3A_152 = arith.constant 0 : i32
        %dma_start3A_153 = tpu.memref_slice %arg11[%mul3A_119, %dma_start3A_152] : memref<128x128xi32, #tpu.memory_space<vmem>> -> memref<1x128xi32, #tpu.memory_space<vmem>>
        %dma_start3A_154 = tpu.memref_squeeze %dma_start3A_153 : memref<1x128xi32, #tpu.memory_space<vmem>> -> memref<128xi32, #tpu.memory_space<vmem>>
        %dma_start3A_155 = arith.constant 0 : i32
        %dma_start3A_156 = arith.constant 0 : i32
        %dma_start3A_157 = tpu.memref_slice %arg16[%dma_start3A_155, %dma_start3A_156] : memref<10016x64xbf16, #tpu.memory_space<vmem_shared>> -> memref<10016x64xbf16, #tpu.memory_space<vmem_shared>>
        tpu.enqueue_indirect_dma source(%arg13 : memref<128x64xbf16, #tpu.memory_space<vmem>>) target(%dma_start3A_157 : memref<10016x64xbf16, #tpu.memory_space<vmem_shared>>) offsets(%dma_start3A_154 : memref<128xi32, #tpu.memory_space<vmem>>) semaphore(%run_scoped3A : memref<!tpu.dma_semaphore, #tpu.memory_space<semaphore_mem>>) {add = true}
        %dma_wait3A_158 = arith.constant 0 : i32
        %dma_wait3A_159 = tpu.memref_slice %arg11[%mul3A_119, %dma_wait3A_158] : memref<128x128xi32, #tpu.memory_space<vmem>> -> memref<1x128xi32, #tpu.memory_space<vmem>>
        %dma_wait3A_160 = tpu.memref_squeeze %dma_wait3A_159 : memref<1x128xi32, #tpu.memory_space<vmem>> -> memref<128xi32, #tpu.memory_space<vmem>>
        %dma_wait3A_161 = arith.constant 0 : i32
        %dma_wait3A_162 = arith.constant 0 : i32
        %dma_wait3A_163 = tpu.memref_slice %arg16[%dma_wait3A_161, %dma_wait3A_162] : memref<10016x64xbf16, #tpu.memory_space<vmem_shared>> -> memref<10016x64xbf16, #tpu.memory_space<vmem_shared>>
        tpu.wait_indirect_dma semaphore(%run_scoped3A : memref<!tpu.dma_semaphore, #tpu.memory_space<semaphore_mem>>) src(%arg13 : memref<128x64xbf16, #tpu.memory_space<vmem>>) dst(%dma_wait3A_163 : memref<10016x64xbf16, #tpu.memory_space<vmem_shared>>)
        tpu.yield
      }) : () -> ()
      "tpu.region"() ({
        %run_scoped3A = tpu.sem_alloc : memref<!tpu.dma_semaphore, #tpu.memory_space<semaphore_mem>>
        %dma_start3A_152 = arith.constant 0 : i32
        %dma_start3A_153 = tpu.memref_slice %arg11[%mul3A_119, %dma_start3A_152] : memref<128x128xi32, #tpu.memory_space<vmem>> -> memref<1x128xi32, #tpu.memory_space<vmem>>
        %dma_start3A_154 = tpu.memref_squeeze %dma_start3A_153 : memref<1x128xi32, #tpu.memory_space<vmem>> -> memref<128xi32, #tpu.memory_space<vmem>>
        %dma_start3A_155 = arith.constant 0 : i32
        %dma_start3A_156 = tpu.memref_slice %arg17[%dma_start3A_155] : memref<10016xf32, #tpu.memory_space<vmem_shared>> -> memref<10016xf32, #tpu.memory_space<vmem_shared>>
        tpu.enqueue_indirect_dma source(%arg15 : memref<128xf32, #tpu.memory_space<vmem>>) target(%dma_start3A_156 : memref<10016xf32, #tpu.memory_space<vmem_shared>>) offsets(%dma_start3A_154 : memref<128xi32, #tpu.memory_space<vmem>>) semaphore(%run_scoped3A : memref<!tpu.dma_semaphore, #tpu.memory_space<semaphore_mem>>) {add = true}
        %dma_wait3A_157 = arith.constant 0 : i32
        %dma_wait3A_158 = tpu.memref_slice %arg11[%mul3A_119, %dma_wait3A_157] : memref<128x128xi32, #tpu.memory_space<vmem>> -> memref<1x128xi32, #tpu.memory_space<vmem>>
        %dma_wait3A_159 = tpu.memref_squeeze %dma_wait3A_158 : memref<1x128xi32, #tpu.memory_space<vmem>> -> memref<128xi32, #tpu.memory_space<vmem>>
        %dma_wait3A_160 = arith.constant 0 : i32
        %dma_wait3A_161 = tpu.memref_slice %arg17[%dma_wait3A_160] : memref<10016xf32, #tpu.memory_space<vmem_shared>> -> memref<10016xf32, #tpu.memory_space<vmem_shared>>
        tpu.wait_indirect_dma semaphore(%run_scoped3A : memref<!tpu.dma_semaphore, #tpu.memory_space<semaphore_mem>>) src(%arg15 : memref<128xf32, #tpu.memory_space<vmem>>) dst(%dma_wait3A_161 : memref<10016xf32, #tpu.memory_space<vmem_shared>>)
        tpu.yield
      }) : () -> ()
      %add3A_133 = arith.constant 2 : i32
      %add3A_134 = arith.addi %mul3A_119, %add3A_133 : i32
      %lt3A_135 = arith.cmpi slt, %add3A_134, %select_n3A_8 : i32
      %convert_element_type3A_136 = arith.extui %lt3A_135 : i1 to i32
      %cond3A_137 = arith.constant 0 : i32
      %cond3A_138 = arith.cmpi ne, %convert_element_type3A_136, %cond3A_137 : i32
      scf.if %cond3A_138 {
        %add3A_152 = arith.constant 2 : i32
        %add3A_153 = arith.addi %mul3A_119, %add3A_152 : i32
        %dma_start3A_154 = arith.constant 0 : i32
        %dma_start3A_155 = tpu.memref_slice %arg12[%add3A_153, %dma_start3A_154] : memref<128x128xi32, #tpu.memory_space<vmem>> -> memref<1x128xi32, #tpu.memory_space<vmem>>
        %dma_start3A_156 = tpu.memref_squeeze %dma_start3A_155 : memref<1x128xi32, #tpu.memory_space<vmem>> -> memref<128xi32, #tpu.memory_space<vmem>>
        %dma_start3A_157 = arith.constant 0 : i32
        %dma_start3A_158 = arith.constant 0 : i32
        %dma_start3A_159 = tpu.memref_slice %arg3[%dma_start3A_157, %dma_start3A_158] : memref<10016x64xbf16, #tpu.memory_space<hbm>> -> memref<10016x64xbf16, #tpu.memory_space<hbm>>
        tpu.enqueue_indirect_dma source(%dma_start3A_159 : memref<10016x64xbf16, #tpu.memory_space<hbm>>) target(%arg13 : memref<128x64xbf16, #tpu.memory_space<vmem>>) offsets(%dma_start3A_156 : memref<128xi32, #tpu.memory_space<vmem>>) semaphore(%arg18 : memref<!tpu.dma_semaphore, #tpu.memory_space<semaphore_mem>>)
      } else {
      }
      %add3A_139 = arith.constant 1 : i32
      %add3A_140 = arith.addi %mul3A_119, %add3A_139 : i32
      %dma_wait3A_141 = arith.constant 0 : i32
      %dma_wait3A_142 = tpu.memref_slice %arg12[%add3A_140, %dma_wait3A_141] : memref<128x128xi32, #tpu.memory_space<vmem>> -> memref<1x128xi32, #tpu.memory_space<vmem>>
      %dma_wait3A_143 = tpu.memref_squeeze %dma_wait3A_142 : memref<1x128xi32, #tpu.memory_space<vmem>> -> memref<128xi32, #tpu.memory_space<vmem>>
      %dma_wait3A_144 = arith.constant 0 : i32
      %dma_wait3A_145 = arith.constant 0 : i32
      %dma_wait3A_146 = tpu.memref_slice %arg3[%dma_wait3A_144, %dma_wait3A_145] : memref<10016x64xbf16, #tpu.memory_space<hbm>> -> memref<10016x64xbf16, #tpu.memory_space<hbm>>
      tpu.wait_indirect_dma semaphore(%arg19 : memref<!tpu.dma_semaphore, #tpu.memory_space<semaphore_mem>>) src(%dma_wait3A_146 : memref<10016x64xbf16, #tpu.memory_space<hbm>>) dst(%arg14 : memref<128x64xbf16, #tpu.memory_space<vmem>>)
      %add3A_147 = arith.constant 1 : i32
      %add3A_148 = arith.addi %mul3A_119, %add3A_147 : i32
      "tpu.region"() ({
        %run_scoped3A = tpu.sem_alloc : memref<!tpu.dma_semaphore, #tpu.memory_space<semaphore_mem>>
        %dma_start3A_152 = arith.constant 0 : i32
        %dma_start3A_153 = tpu.memref_slice %arg11[%add3A_148, %dma_start3A_152] : memref<128x128xi32, #tpu.memory_space<vmem>> -> memref<1x128xi32, #tpu.memory_space<vmem>>
        %dma_start3A_154 = tpu.memref_squeeze %dma_start3A_153 : memref<1x128xi32, #tpu.memory_space<vmem>> -> memref<128xi32, #tpu.memory_space<vmem>>
        %dma_start3A_155 = arith.constant 0 : i32
        %dma_start3A_156 = arith.constant 0 : i32
        %dma_start3A_157 = tpu.memref_slice %arg16[%dma_start3A_155, %dma_start3A_156] : memref<10016x64xbf16, #tpu.memory_space<vmem_shared>> -> memref<10016x64xbf16, #tpu.memory_space<vmem_shared>>
        tpu.enqueue_indirect_dma source(%arg14 : memref<128x64xbf16, #tpu.memory_space<vmem>>) target(%dma_start3A_157 : memref<10016x64xbf16, #tpu.memory_space<vmem_shared>>) offsets(%dma_start3A_154 : memref<128xi32, #tpu.memory_space<vmem>>) semaphore(%run_scoped3A : memref<!tpu.dma_semaphore, #tpu.memory_space<semaphore_mem>>) {add = true}
        %dma_wait3A_158 = arith.constant 0 : i32
        %dma_wait3A_159 = tpu.memref_slice %arg11[%add3A_148, %dma_wait3A_158] : memref<128x128xi32, #tpu.memory_space<vmem>> -> memref<1x128xi32, #tpu.memory_space<vmem>>
        %dma_wait3A_160 = tpu.memref_squeeze %dma_wait3A_159 : memref<1x128xi32, #tpu.memory_space<vmem>> -> memref<128xi32, #tpu.memory_space<vmem>>
        %dma_wait3A_161 = arith.constant 0 : i32
        %dma_wait3A_162 = arith.constant 0 : i32
        %dma_wait3A_163 = tpu.memref_slice %arg16[%dma_wait3A_161, %dma_wait3A_162] : memref<10016x64xbf16, #tpu.memory_space<vmem_shared>> -> memref<10016x64xbf16, #tpu.memory_space<vmem_shared>>
        tpu.wait_indirect_dma semaphore(%run_scoped3A : memref<!tpu.dma_semaphore, #tpu.memory_space<semaphore_mem>>) src(%arg14 : memref<128x64xbf16, #tpu.memory_space<vmem>>) dst(%dma_wait3A_163 : memref<10016x64xbf16, #tpu.memory_space<vmem_shared>>)
        tpu.yield
      }) : () -> ()
      %add3A_149 = arith.constant 1 : i32
      %add3A_150 = arith.addi %mul3A_119, %add3A_149 : i32
      "tpu.region"() ({
        %run_scoped3A = tpu.sem_alloc : memref<!tpu.dma_semaphore, #tpu.memory_space<semaphore_mem>>
        %dma_start3A_152 = arith.constant 0 : i32
        %dma_start3A_153 = tpu.memref_slice %arg11[%add3A_150, %dma_start3A_152] : memref<128x128xi32, #tpu.memory_space<vmem>> -> memref<1x128xi32, #tpu.memory_space<vmem>>
        %dma_start3A_154 = tpu.memref_squeeze %dma_start3A_153 : memref<1x128xi32, #tpu.memory_space<vmem>> -> memref<128xi32, #tpu.memory_space<vmem>>
        %dma_start3A_155 = arith.constant 0 : i32
        %dma_start3A_156 = tpu.memref_slice %arg17[%dma_start3A_155] : memref<10016xf32, #tpu.memory_space<vmem_shared>> -> memref<10016xf32, #tpu.memory_space<vmem_shared>>
        tpu.enqueue_indirect_dma source(%arg15 : memref<128xf32, #tpu.memory_space<vmem>>) target(%dma_start3A_156 : memref<10016xf32, #tpu.memory_space<vmem_shared>>) offsets(%dma_start3A_154 : memref<128xi32, #tpu.memory_space<vmem>>) semaphore(%run_scoped3A : memref<!tpu.dma_semaphore, #tpu.memory_space<semaphore_mem>>) {add = true}
        %dma_wait3A_157 = arith.constant 0 : i32
        %dma_wait3A_158 = tpu.memref_slice %arg11[%add3A_150, %dma_wait3A_157] : memref<128x128xi32, #tpu.memory_space<vmem>> -> memref<1x128xi32, #tpu.memory_space<vmem>>
        %dma_wait3A_159 = tpu.memref_squeeze %dma_wait3A_158 : memref<1x128xi32, #tpu.memory_space<vmem>> -> memref<128xi32, #tpu.memory_space<vmem>>
        %dma_wait3A_160 = arith.constant 0 : i32
        %dma_wait3A_161 = tpu.memref_slice %arg17[%dma_wait3A_160] : memref<10016xf32, #tpu.memory_space<vmem_shared>> -> memref<10016xf32, #tpu.memory_space<vmem_shared>>
        tpu.wait_indirect_dma semaphore(%run_scoped3A : memref<!tpu.dma_semaphore, #tpu.memory_space<semaphore_mem>>) src(%arg15 : memref<128xf32, #tpu.memory_space<vmem>>) dst(%dma_wait3A_161 : memref<10016xf32, #tpu.memory_space<vmem_shared>>)
        tpu.yield
      }) : () -> ()
      %while3A_151 = arith.constant 0 : i32
      scf.yield %while3A_151 : i32
    }
    %barrier3A_110 = arith.constant 0 : index
    tpu.barrier barrier_id(%barrier3A_110)
    %lt3A_111 = arith.constant 10 : i32
    %lt3A_112 = arith.cmpi slt, %arg1, %lt3A_111 : i32
    %convert_element_type3A_113 = arith.extui %lt3A_112 : i1 to i32
    %cond3A_114 = arith.constant 0 : i32
    %cond3A_115 = arith.cmpi ne, %convert_element_type3A_113, %cond3A_114 : i32
    scf.if %cond3A_115 {
      %mul3A_116 = arith.constant 1000 : i32
      %mul3A_117 = arith.muli %arg1, %mul3A_116 : i32
      %mul3A_118 = arith.constant 1000 : i32
      %mul3A_119 = arith.muli %arg1, %mul3A_118 : i32
      "tpu.region"() ({
        %run_scoped3A = tpu.sem_alloc : memref<!tpu.dma_semaphore, #tpu.memory_space<semaphore_mem>>
        %dma_start3A_131 = arith.constant 0 : i32
        %dma_start3A_132 = tpu.memref_slice %arg9[%arg0, %mul3A_119, %dma_start3A_131] : memref<2x10000x64xbf16, #tpu.memory_space<hbm>> -> memref<1x1000x64xbf16, #tpu.memory_space<hbm>>
        %dma_start3A_133 = tpu.memref_squeeze %dma_start3A_132 : memref<1x1000x64xbf16, #tpu.memory_space<hbm>> -> memref<1000x64xbf16, #tpu.memory_space<hbm>>
        %dma_start3A_134 = arith.constant 0 : i32
        %dma_start3A_135 = tpu.memref_slice %arg16[%mul3A_117, %dma_start3A_134] : memref<10016x64xbf16, #tpu.memory_space<vmem_shared>> -> memref<1000x64xbf16, #tpu.memory_space<vmem_shared>>
        tpu.enqueue_dma source(%dma_start3A_135 : memref<1000x64xbf16, #tpu.memory_space<vmem_shared>>) target(%dma_start3A_133 : memref<1000x64xbf16, #tpu.memory_space<hbm>>) target_semaphore(%run_scoped3A : memref<!tpu.dma_semaphore, #tpu.memory_space<semaphore_mem>>)
        %dma_wait3A = arith.constant 0 : i32
        %dma_wait3A_136 = tpu.memref_slice %arg9[%arg0, %mul3A_119, %dma_wait3A] : memref<2x10000x64xbf16, #tpu.memory_space<hbm>> -> memref<1x1000x64xbf16, #tpu.memory_space<hbm>>
        %dma_wait3A_137 = tpu.memref_squeeze %dma_wait3A_136 : memref<1x1000x64xbf16, #tpu.memory_space<hbm>> -> memref<1000x64xbf16, #tpu.memory_space<hbm>>
        %dma_wait3A_138 = arith.constant 0 : i32
        %dma_wait3A_139 = tpu.memref_slice %arg16[%mul3A_117, %dma_wait3A_138] : memref<10016x64xbf16, #tpu.memory_space<vmem_shared>> -> memref<1000x64xbf16, #tpu.memory_space<vmem_shared>>
        tpu.wait_dma2 semaphore(%run_scoped3A : memref<!tpu.dma_semaphore, #tpu.memory_space<semaphore_mem>>) src(%dma_wait3A_139 : memref<1000x64xbf16, #tpu.memory_space<vmem_shared>>) dst(%dma_wait3A_137 : memref<1000x64xbf16, #tpu.memory_space<hbm>>)
        tpu.yield
      }) : () -> ()
      %mul3A_120 = arith.constant 1000 : i32
      %mul3A_121 = arith.muli %arg1, %mul3A_120 : i32
      %mul3A_122 = arith.constant 2 : i32
      %mul3A_123 = arith.muli %arg0, %mul3A_122 : i32
      %add3A_124 = arith.constant 1 : i32
      %add3A_125 = arith.addi %mul3A_123, %add3A_124 : i32
      %mul3A_126 = arith.constant 10000 : i32
      %mul3A_127 = arith.muli %add3A_125, %mul3A_126 : i32
      %mul3A_128 = arith.constant 1000 : i32
      %mul3A_129 = arith.muli %arg1, %mul3A_128 : i32
      %add3A_130 = arith.addi %mul3A_127, %mul3A_129 : i32
      "tpu.region"() ({
        %run_scoped3A = tpu.sem_alloc : memref<!tpu.dma_semaphore, #tpu.memory_space<semaphore_mem>>
        %dma_start3A_131 = tpu.memref_slice %arg10[%add3A_130] : memref<40000xf32, #tpu.memory_space<hbm>> -> memref<1000xf32, #tpu.memory_space<hbm>>
        %dma_start3A_132 = tpu.memref_slice %arg17[%mul3A_121] : memref<10016xf32, #tpu.memory_space<vmem_shared>> -> memref<1000xf32, #tpu.memory_space<vmem_shared>>
        tpu.enqueue_dma source(%dma_start3A_132 : memref<1000xf32, #tpu.memory_space<vmem_shared>>) target(%dma_start3A_131 : memref<1000xf32, #tpu.memory_space<hbm>>) target_semaphore(%run_scoped3A : memref<!tpu.dma_semaphore, #tpu.memory_space<semaphore_mem>>)
        %dma_wait3A = tpu.memref_slice %arg10[%add3A_130] : memref<40000xf32, #tpu.memory_space<hbm>> -> memref<1000xf32, #tpu.memory_space<hbm>>
        %dma_wait3A_133 = tpu.memref_slice %arg17[%mul3A_121] : memref<10016xf32, #tpu.memory_space<vmem_shared>> -> memref<1000xf32, #tpu.memory_space<vmem_shared>>
        tpu.wait_dma2 semaphore(%run_scoped3A : memref<!tpu.dma_semaphore, #tpu.memory_space<semaphore_mem>>) src(%dma_wait3A_133 : memref<1000xf32, #tpu.memory_space<vmem_shared>>) dst(%dma_wait3A : memref<1000xf32, #tpu.memory_space<hbm>>)
        tpu.yield
      }) : () -> ()
    } else {
    }
    return
  }
}

module attributes {stable_mosaic.version = 14 : i64} {
  func.func @_dense1_body(%arg0: memref<10000x128xf32, #tpu.memory_space<vmem>>, %arg1: memref<128x64xf32, #tpu.memory_space<vmem>>, %arg2: memref<128x64xf32, #tpu.memory_space<vmem>>, %arg3: memref<128x64xf32, #tpu.memory_space<vmem>>, %arg4: memref<128x64xf32, #tpu.memory_space<vmem>>, %arg5: memref<1x64xf32, #tpu.memory_space<vmem>>, %arg6: memref<1x64xf32, #tpu.memory_space<vmem>>, %arg7: memref<10016x64xbf16, #tpu.memory_space<vmem>>, %arg8: memref<10016x64xbf16, #tpu.memory_space<vmem>>, %arg9: memref<10000x64xf32, #tpu.memory_space<vmem>>) attributes {dimension_semantics = [], scalar_prefetch = 0 : i64, scratch_operands = 0 : i64, tpu.core_type = #tpu.core_type<tc>} {
    %get3A = arith.constant 0 : index
    %get3A_0 = arith.constant 0 : index
    %get3A_1 = vector.load %arg0[%get3A, %get3A_0] : memref<10000x128xf32, #tpu.memory_space<vmem>>, vector<10000x128xf32>
    %broadcast_in_dim3A = arith.constant 0.000000e+00 : bf16
    %broadcast_in_dim3A_2 = vector.broadcast %broadcast_in_dim3A : bf16 to vector<16x64xbf16>
    %get3A_3 = arith.constant 0 : index
    %get3A_4 = arith.constant 0 : index
    %get3A_5 = vector.load %arg1[%get3A_3, %get3A_4] : memref<128x64xf32, #tpu.memory_space<vmem>>, vector<128x64xf32>
    %dot_general3A = arith.constant dense<0.000000e+00> : vector<10000x64xf32>
    %dot_general3A_6 = tpu.matmul %get3A_1, %get3A_5, %dot_general3A {dimension_numbers = #tpu.dot_dimension_numbers<[1], [0], [0], [1], [0, 0, 1, 1], [], []>, transpose_lhs_hint = false} : vector<10000x128xf32>, vector<128x64xf32>, vector<10000x64xf32> -> vector<10000x64xf32>
    %convert_element_type3A = arith.truncf %dot_general3A_6 : vector<10000x64xf32> to vector<10000x64xbf16>
    %swap3A = arith.constant 0 : index
    %swap3A_7 = arith.constant 0 : index
    %swap3A_8 = vector.load %arg7[%swap3A, %swap3A_7] : memref<10016x64xbf16, #tpu.memory_space<vmem>>, vector<10000x64xbf16>
    tpu.vector_store %arg7[%swap3A, %swap3A_7], %convert_element_type3A {strides = array<i32>} : memref<10016x64xbf16, #tpu.memory_space<vmem>>, vector<10000x64xbf16>,
    %swap3A_9 = arith.constant 10000 : index
    %swap3A_10 = arith.constant 0 : index
    %swap3A_11 = vector.load %arg7[%swap3A_9, %swap3A_10] : memref<10016x64xbf16, #tpu.memory_space<vmem>>, vector<16x64xbf16>
    tpu.vector_store %arg7[%swap3A_9, %swap3A_10], %broadcast_in_dim3A_2 {strides = array<i32>} : memref<10016x64xbf16, #tpu.memory_space<vmem>>, vector<16x64xbf16>,
    %get3A_12 = arith.constant 0 : index
    %get3A_13 = arith.constant 0 : index
    %get3A_14 = vector.load %arg2[%get3A_12, %get3A_13] : memref<128x64xf32, #tpu.memory_space<vmem>>, vector<128x64xf32>
    %dot_general3A_15 = arith.constant dense<0.000000e+00> : vector<10000x64xf32>
    %dot_general3A_16 = tpu.matmul %get3A_1, %get3A_14, %dot_general3A_15 {dimension_numbers = #tpu.dot_dimension_numbers<[1], [0], [0], [1], [0, 0, 1, 1], [], []>, transpose_lhs_hint = false} : vector<10000x128xf32>, vector<128x64xf32>, vector<10000x64xf32> -> vector<10000x64xf32>
    %convert_element_type3A_17 = arith.truncf %dot_general3A_16 : vector<10000x64xf32> to vector<10000x64xbf16>
    %swap3A_18 = arith.constant 0 : index
    %swap3A_19 = arith.constant 0 : index
    %swap3A_20 = vector.load %arg8[%swap3A_18, %swap3A_19] : memref<10016x64xbf16, #tpu.memory_space<vmem>>, vector<10000x64xbf16>
    tpu.vector_store %arg8[%swap3A_18, %swap3A_19], %convert_element_type3A_17 {strides = array<i32>} : memref<10016x64xbf16, #tpu.memory_space<vmem>>, vector<10000x64xbf16>,
    %swap3A_21 = arith.constant 10000 : index
    %swap3A_22 = arith.constant 0 : index
    %swap3A_23 = vector.load %arg8[%swap3A_21, %swap3A_22] : memref<10016x64xbf16, #tpu.memory_space<vmem>>, vector<16x64xbf16>
    tpu.vector_store %arg8[%swap3A_21, %swap3A_22], %broadcast_in_dim3A_2 {strides = array<i32>} : memref<10016x64xbf16, #tpu.memory_space<vmem>>, vector<16x64xbf16>,
    %get3A_24 = arith.constant 0 : index
    %get3A_25 = arith.constant 0 : index
    %get3A_26 = vector.load %arg3[%get3A_24, %get3A_25] : memref<128x64xf32, #tpu.memory_space<vmem>>, vector<128x64xf32>
    %get3A_27 = arith.constant 0 : index
    %get3A_28 = arith.constant 0 : index
    %get3A_29 = vector.load %arg4[%get3A_27, %get3A_28] : memref<128x64xf32, #tpu.memory_space<vmem>>, vector<128x64xf32>
    %add3A = arith.addf %get3A_26, %get3A_29 : vector<128x64xf32>
    %dot_general3A_30 = arith.constant dense<0.000000e+00> : vector<10000x64xf32>
    %dot_general3A_31 = tpu.matmul %get3A_1, %add3A, %dot_general3A_30 {dimension_numbers = #tpu.dot_dimension_numbers<[1], [0], [0], [1], [0, 0, 1, 1], [], []>, transpose_lhs_hint = false} : vector<10000x128xf32>, vector<128x64xf32>, vector<10000x64xf32> -> vector<10000x64xf32>
    %get3A_32 = arith.constant 0 : index
    %get3A_33 = arith.constant 0 : index
    %get3A_34 = vector.load %arg5[%get3A_32, %get3A_33] : memref<1x64xf32, #tpu.memory_space<vmem>>, vector<1x64xf32>
    %add3A_35 = vector.broadcast %get3A_34 : vector<1x64xf32> to vector<10000x64xf32>
    %add3A_36 = arith.addf %dot_general3A_31, %add3A_35 : vector<10000x64xf32>
    %get3A_37 = arith.constant 0 : index
    %get3A_38 = arith.constant 0 : index
    %get3A_39 = vector.load %arg6[%get3A_37, %get3A_38] : memref<1x64xf32, #tpu.memory_space<vmem>>, vector<1x64xf32>
    %add3A_40 = vector.broadcast %get3A_39 : vector<1x64xf32> to vector<10000x64xf32>
    %add3A_41 = arith.addf %add3A_36, %add3A_40 : vector<10000x64xf32>
    %swap3A_42 = arith.constant 0 : index
    %swap3A_43 = arith.constant 0 : index
    %swap3A_44 = vector.load %arg9[%swap3A_42, %swap3A_43] : memref<10000x64xf32, #tpu.memory_space<vmem>>, vector<10000x64xf32>
    tpu.vector_store %arg9[%swap3A_42, %swap3A_43], %add3A_41 {strides = array<i32>} : memref<10000x64xf32, #tpu.memory_space<vmem>>, vector<10000x64xf32>,
    return
  }
}

module attributes {stable_mosaic.version = 14 : i64} {
  func.func @_combine1_body(%arg0: memref<2x10000x64xbf16, #tpu.memory_space<vmem>>, %arg1: memref<2x10000x64xbf16, #tpu.memory_space<vmem>>, %arg2: memref<2x2x10000xf32, #tpu.memory_space<vmem>>, %arg3: memref<10000x64xf32, #tpu.memory_space<vmem>>, %arg4: memref<1x64xf32, #tpu.memory_space<vmem>>, %arg5: memref<1x64xf32, #tpu.memory_space<vmem>>, %arg6: memref<64x64xf32, #tpu.memory_space<vmem>>, %arg7: memref<64x64xf32, #tpu.memory_space<vmem>>, %arg8: memref<64x64xf32, #tpu.memory_space<vmem>>, %arg9: memref<64x64xf32, #tpu.memory_space<vmem>>, %arg10: memref<1x64xf32, #tpu.memory_space<vmem>>, %arg11: memref<1x64xf32, #tpu.memory_space<vmem>>, %arg12: memref<10016x64xbf16, #tpu.memory_space<vmem>>, %arg13: memref<10016x64xbf16, #tpu.memory_space<vmem>>, %arg14: memref<10000x64xf32, #tpu.memory_space<vmem>>, %arg15: memref<10000xf32, #tpu.memory_space<vmem>>, %arg16: memref<10000xf32, #tpu.memory_space<vmem>>) attributes {dimension_semantics = [], scalar_prefetch = 0 : i64, scratch_operands = 0 : i64, tpu.core_type = #tpu.core_type<tc>} {
    %get3A = arith.constant 0 : index
    %get3A_0 = arith.constant 0 : index
    %get3A_1 = arith.constant 0 : index
    %get3A_2 = vector.load %arg0[%get3A, %get3A_0, %get3A_1] : memref<2x10000x64xbf16, #tpu.memory_space<vmem>>, vector<1x10000x64xbf16>
    %get3A_3 = vector.shape_cast %get3A_2 : vector<1x10000x64xbf16> to vector<10000x64xbf16>
    %convert_element_type3A = arith.extf %get3A_3 : vector<10000x64xbf16> to vector<10000x64xf32>
    %get3A_4 = arith.constant 1 : index
    %get3A_5 = arith.constant 0 : index
    %get3A_6 = arith.constant 0 : index
    %get3A_7 = vector.load %arg0[%get3A_4, %get3A_5, %get3A_6] : memref<2x10000x64xbf16, #tpu.memory_space<vmem>>, vector<1x10000x64xbf16>
    %get3A_8 = vector.shape_cast %get3A_7 : vector<1x10000x64xbf16> to vector<10000x64xbf16>
    %convert_element_type3A_9 = arith.extf %get3A_8 : vector<10000x64xbf16> to vector<10000x64xf32>
    %add3A = arith.addf %convert_element_type3A, %convert_element_type3A_9 : vector<10000x64xf32>
    %get3A_10 = arith.constant 0 : index
    %get3A_11 = arith.constant 0 : index
    %get3A_12 = arith.constant 0 : index
    %get3A_13 = vector.load %arg1[%get3A_10, %get3A_11, %get3A_12] : memref<2x10000x64xbf16, #tpu.memory_space<vmem>>, vector<1x10000x64xbf16>
    %get3A_14 = vector.shape_cast %get3A_13 : vector<1x10000x64xbf16> to vector<10000x64xbf16>
    %convert_element_type3A_15 = arith.extf %get3A_14 : vector<10000x64xbf16> to vector<10000x64xf32>
    %get3A_16 = arith.constant 1 : index
    %get3A_17 = arith.constant 0 : index
    %get3A_18 = arith.constant 0 : index
    %get3A_19 = vector.load %arg1[%get3A_16, %get3A_17, %get3A_18] : memref<2x10000x64xbf16, #tpu.memory_space<vmem>>, vector<1x10000x64xbf16>
    %get3A_20 = vector.shape_cast %get3A_19 : vector<1x10000x64xbf16> to vector<10000x64xbf16>
    %convert_element_type3A_21 = arith.extf %get3A_20 : vector<10000x64xbf16> to vector<10000x64xf32>
    %add3A_22 = arith.addf %convert_element_type3A_15, %convert_element_type3A_21 : vector<10000x64xf32>
    %get3A_23 = arith.constant 0 : index
    %get3A_24 = arith.constant 0 : index
    %get3A_25 = arith.constant 0 : index
    %get3A_26 = vector.load %arg2[%get3A_23, %get3A_24, %get3A_25] : memref<2x2x10000xf32, #tpu.memory_space<vmem>>, vector<1x1x10000xf32>
    %get3A_27 = vector.shape_cast %get3A_26 : vector<1x1x10000xf32> to vector<10000xf32>
    %get3A_28 = arith.constant 1 : index
    %get3A_29 = arith.constant 0 : index
    %get3A_30 = arith.constant 0 : index
    %get3A_31 = vector.load %arg2[%get3A_28, %get3A_29, %get3A_30] : memref<2x2x10000xf32, #tpu.memory_space<vmem>>, vector<1x1x10000xf32>
    %get3A_32 = vector.shape_cast %get3A_31 : vector<1x1x10000xf32> to vector<10000xf32>
    %add3A_33 = arith.addf %get3A_27, %get3A_32 : vector<10000xf32>
    %max3A = arith.constant 1.000000e+00 : f32
    %max3A_34 = vector.broadcast %max3A : f32 to vector<10000xf32>
    %max3A_35 = arith.maximumf %add3A_33, %max3A_34 : vector<10000xf32>
    %get3A_36 = arith.constant 0 : index
    %get3A_37 = arith.constant 1 : index
    %get3A_38 = arith.constant 0 : index
    %get3A_39 = vector.load %arg2[%get3A_36, %get3A_37, %get3A_38] : memref<2x2x10000xf32, #tpu.memory_space<vmem>>, vector<1x1x10000xf32>
    %get3A_40 = vector.shape_cast %get3A_39 : vector<1x1x10000xf32> to vector<10000xf32>
    %get3A_41 = arith.constant 1 : index
    %get3A_42 = arith.constant 1 : index
    %get3A_43 = arith.constant 0 : index
    %get3A_44 = vector.load %arg2[%get3A_41, %get3A_42, %get3A_43] : memref<2x2x10000xf32, #tpu.memory_space<vmem>>, vector<1x1x10000xf32>
    %get3A_45 = vector.shape_cast %get3A_44 : vector<1x1x10000xf32> to vector<10000xf32>
    %add3A_46 = arith.addf %get3A_40, %get3A_45 : vector<10000xf32>
    %max3A_47 = arith.constant 1.000000e+00 : f32
    %max3A_48 = vector.broadcast %max3A_47 : f32 to vector<10000xf32>
    %max3A_49 = arith.maximumf %add3A_46, %max3A_48 : vector<10000xf32>
    %swap3A = arith.constant 0 : index
    %swap3A_50 = vector.load %arg15[%swap3A] : memref<10000xf32, #tpu.memory_space<vmem>>, vector<10000xf32>
    tpu.vector_store %arg15[%swap3A], %max3A_35 {strides = array<i32>} : memref<10000xf32, #tpu.memory_space<vmem>>, vector<10000xf32>,
    %swap3A_51 = arith.constant 0 : index
    %swap3A_52 = vector.load %arg16[%swap3A_51] : memref<10000xf32, #tpu.memory_space<vmem>>, vector<10000xf32>
    tpu.vector_store %arg16[%swap3A_51], %max3A_49 {strides = array<i32>} : memref<10000xf32, #tpu.memory_space<vmem>>, vector<10000xf32>,
    %div3A = arith.constant 1.000000e+00 : f32
    %div3A_53 = vector.broadcast %div3A : f32 to vector<10000xf32>
    %div3A_54 = arith.divf %div3A_53, %max3A_35 : vector<10000xf32>
    %broadcast_in_dim3A = vector.shape_cast %div3A_54 : vector<10000xf32> to vector<10000x1xf32>
    %mul3A = vector.broadcast %broadcast_in_dim3A : vector<10000x1xf32> to vector<10000x64xf32>
    %mul3A_55 = arith.mulf %add3A, %mul3A : vector<10000x64xf32>
    %div3A_56 = arith.constant 1.000000e+00 : f32
    %div3A_57 = vector.broadcast %div3A_56 : f32 to vector<10000xf32>
    %div3A_58 = arith.divf %div3A_57, %max3A_49 : vector<10000xf32>
    %broadcast_in_dim3A_59 = vector.shape_cast %div3A_58 : vector<10000xf32> to vector<10000x1xf32>
    %mul3A_60 = vector.broadcast %broadcast_in_dim3A_59 : vector<10000x1xf32> to vector<10000x64xf32>
    %mul3A_61 = arith.mulf %add3A_22, %mul3A_60 : vector<10000x64xf32>
    %add3A_62 = arith.addf %mul3A_55, %mul3A_61 : vector<10000x64xf32>
    %get3A_63 = arith.constant 0 : index
    %get3A_64 = arith.constant 0 : index
    %get3A_65 = vector.load %arg3[%get3A_63, %get3A_64] : memref<10000x64xf32, #tpu.memory_space<vmem>>, vector<10000x64xf32>
    %add3A_66 = arith.addf %add3A_62, %get3A_65 : vector<10000x64xf32>
    %reduce_sum3A = arith.constant dense<0.000000e+00> : vector<64xf32>
    %reduce_sum3A_67 = vector.multi_reduction <add>, %add3A_66, %reduce_sum3A [0] : vector<10000x64xf32> to vector<64xf32>
    %broadcast_in_dim3A_68 = vector.shape_cast %reduce_sum3A_67 : vector<64xf32> to vector<1x64xf32>
    %div3A_69 = arith.constant 1.000000e+04 : f32
    %div3A_70 = vector.broadcast %div3A_69 : f32 to vector<1x64xf32>
    %div3A_71 = arith.divf %broadcast_in_dim3A_68, %div3A_70 : vector<1x64xf32>
    %sub3A = vector.broadcast %div3A_71 : vector<1x64xf32> to vector<10000x64xf32>
    %sub3A_72 = arith.subf %add3A_66, %sub3A : vector<10000x64xf32>
    %mul3A_73 = arith.mulf %sub3A_72, %sub3A_72 : vector<10000x64xf32>
    %reduce_sum3A_74 = arith.constant dense<0.000000e+00> : vector<64xf32>
    %reduce_sum3A_75 = vector.multi_reduction <add>, %mul3A_73, %reduce_sum3A_74 [0] : vector<10000x64xf32> to vector<64xf32>
    %broadcast_in_dim3A_76 = vector.shape_cast %reduce_sum3A_75 : vector<64xf32> to vector<1x64xf32>
    %div3A_77 = arith.constant 1.000000e+04 : f32
    %div3A_78 = vector.broadcast %div3A_77 : f32 to vector<1x64xf32>
    %div3A_79 = arith.divf %broadcast_in_dim3A_76, %div3A_78 : vector<1x64xf32>
    %add3A_80 = arith.constant 9.99999974E-6 : f32
    %add3A_81 = vector.broadcast %add3A_80 : f32 to vector<1x64xf32>
    %add3A_82 = arith.addf %div3A_79, %add3A_81 : vector<1x64xf32>
    %rsqrt3A = math.rsqrt %add3A_82 : vector<1x64xf32>
    %mul3A_83 = vector.broadcast %rsqrt3A : vector<1x64xf32> to vector<10000x64xf32>
    %mul3A_84 = arith.mulf %sub3A_72, %mul3A_83 : vector<10000x64xf32>
    %get3A_85 = arith.constant 0 : index
    %get3A_86 = arith.constant 0 : index
    %get3A_87 = vector.load %arg4[%get3A_85, %get3A_86] : memref<1x64xf32, #tpu.memory_space<vmem>>, vector<1x64xf32>
    %mul3A_88 = vector.broadcast %get3A_87 : vector<1x64xf32> to vector<10000x64xf32>
    %mul3A_89 = arith.mulf %mul3A_84, %mul3A_88 : vector<10000x64xf32>
    %get3A_90 = arith.constant 0 : index
    %get3A_91 = arith.constant 0 : index
    %get3A_92 = vector.load %arg5[%get3A_90, %get3A_91] : memref<1x64xf32, #tpu.memory_space<vmem>>, vector<1x64xf32>
    %add3A_93 = vector.broadcast %get3A_92 : vector<1x64xf32> to vector<10000x64xf32>
    %add3A_94 = arith.addf %mul3A_89, %add3A_93 : vector<10000x64xf32>
    %max3A_95 = arith.constant 0.000000e+00 : f32
    %max3A_96 = vector.broadcast %max3A_95 : f32 to vector<10000x64xf32>
    %max3A_97 = arith.maximumf %add3A_94, %max3A_96 : vector<10000x64xf32>
    %broadcast_in_dim3A_98 = arith.constant 0.000000e+00 : bf16
    %broadcast_in_dim3A_99 = vector.broadcast %broadcast_in_dim3A_98 : bf16 to vector<16x64xbf16>
    %get3A_100 = arith.constant 0 : index
    %get3A_101 = arith.constant 0 : index
    %get3A_102 = vector.load %arg6[%get3A_100, %get3A_101] : memref<64x64xf32, #tpu.memory_space<vmem>>, vector<64x64xf32>
    %dot_general3A = arith.constant dense<0.000000e+00> : vector<10000x64xf32>
    %dot_general3A_103 = tpu.matmul %max3A_97, %get3A_102, %dot_general3A {dimension_numbers = #tpu.dot_dimension_numbers<[1], [0], [0], [1], [0, 0, 1, 1], [], []>, transpose_lhs_hint = false} : vector<10000x64xf32>, vector<64x64xf32>, vector<10000x64xf32> -> vector<10000x64xf32>
    %convert_element_type3A_104 = arith.truncf %dot_general3A_103 : vector<10000x64xf32> to vector<10000x64xbf16>
    %swap3A_105 = arith.constant 0 : index
    %swap3A_106 = arith.constant 0 : index
    %swap3A_107 = vector.load %arg12[%swap3A_105, %swap3A_106] : memref<10016x64xbf16, #tpu.memory_space<vmem>>, vector<10000x64xbf16>
    tpu.vector_store %arg12[%swap3A_105, %swap3A_106], %convert_element_type3A_104 {strides = array<i32>} : memref<10016x64xbf16, #tpu.memory_space<vmem>>, vector<10000x64xbf16>,
    %swap3A_108 = arith.constant 10000 : index
    %swap3A_109 = arith.constant 0 : index
    %swap3A_110 = vector.load %arg12[%swap3A_108, %swap3A_109] : memref<10016x64xbf16, #tpu.memory_space<vmem>>, vector<16x64xbf16>
    tpu.vector_store %arg12[%swap3A_108, %swap3A_109], %broadcast_in_dim3A_99 {strides = array<i32>} : memref<10016x64xbf16, #tpu.memory_space<vmem>>, vector<16x64xbf16>,
    %get3A_111 = arith.constant 0 : index
    %get3A_112 = arith.constant 0 : index
    %get3A_113 = vector.load %arg7[%get3A_111, %get3A_112] : memref<64x64xf32, #tpu.memory_space<vmem>>, vector<64x64xf32>
    %dot_general3A_114 = arith.constant dense<0.000000e+00> : vector<10000x64xf32>
    %dot_general3A_115 = tpu.matmul %max3A_97, %get3A_113, %dot_general3A_114 {dimension_numbers = #tpu.dot_dimension_numbers<[1], [0], [0], [1], [0, 0, 1, 1], [], []>, transpose_lhs_hint = false} : vector<10000x64xf32>, vector<64x64xf32>, vector<10000x64xf32> -> vector<10000x64xf32>
    %convert_element_type3A_116 = arith.truncf %dot_general3A_115 : vector<10000x64xf32> to vector<10000x64xbf16>
    %swap3A_117 = arith.constant 0 : index
    %swap3A_118 = arith.constant 0 : index
    %swap3A_119 = vector.load %arg13[%swap3A_117, %swap3A_118] : memref<10016x64xbf16, #tpu.memory_space<vmem>>, vector<10000x64xbf16>
    tpu.vector_store %arg13[%swap3A_117, %swap3A_118], %convert_element_type3A_116 {strides = array<i32>} : memref<10016x64xbf16, #tpu.memory_space<vmem>>, vector<10000x64xbf16>,
    %swap3A_120 = arith.constant 10000 : index
    %swap3A_121 = arith.constant 0 : index
    %swap3A_122 = vector.load %arg13[%swap3A_120, %swap3A_121] : memref<10016x64xbf16, #tpu.memory_space<vmem>>, vector<16x64xbf16>
    tpu.vector_store %arg13[%swap3A_120, %swap3A_121], %broadcast_in_dim3A_99 {strides = array<i32>} : memref<10016x64xbf16, #tpu.memory_space<vmem>>, vector<16x64xbf16>,
    %get3A_123 = arith.constant 0 : index
    %get3A_124 = arith.constant 0 : index
    %get3A_125 = vector.load %arg8[%get3A_123, %get3A_124] : memref<64x64xf32, #tpu.memory_space<vmem>>, vector<64x64xf32>
    %get3A_126 = arith.constant 0 : index
    %get3A_127 = arith.constant 0 : index
    %get3A_128 = vector.load %arg9[%get3A_126, %get3A_127] : memref<64x64xf32, #tpu.memory_space<vmem>>, vector<64x64xf32>
    %add3A_129 = arith.addf %get3A_125, %get3A_128 : vector<64x64xf32>
    %dot_general3A_130 = arith.constant dense<0.000000e+00> : vector<10000x64xf32>
    %dot_general3A_131 = tpu.matmul %max3A_97, %add3A_129, %dot_general3A_130 {dimension_numbers = #tpu.dot_dimension_numbers<[1], [0], [0], [1], [0, 0, 1, 1], [], []>, transpose_lhs_hint = false} : vector<10000x64xf32>, vector<64x64xf32>, vector<10000x64xf32> -> vector<10000x64xf32>
    %get3A_132 = arith.constant 0 : index
    %get3A_133 = arith.constant 0 : index
    %get3A_134 = vector.load %arg10[%get3A_132, %get3A_133] : memref<1x64xf32, #tpu.memory_space<vmem>>, vector<1x64xf32>
    %add3A_135 = vector.broadcast %get3A_134 : vector<1x64xf32> to vector<10000x64xf32>
    %add3A_136 = arith.addf %dot_general3A_131, %add3A_135 : vector<10000x64xf32>
    %get3A_137 = arith.constant 0 : index
    %get3A_138 = arith.constant 0 : index
    %get3A_139 = vector.load %arg11[%get3A_137, %get3A_138] : memref<1x64xf32, #tpu.memory_space<vmem>>, vector<1x64xf32>
    %add3A_140 = vector.broadcast %get3A_139 : vector<1x64xf32> to vector<10000x64xf32>
    %add3A_141 = arith.addf %add3A_136, %add3A_140 : vector<10000x64xf32>
    %swap3A_142 = arith.constant 0 : index
    %swap3A_143 = arith.constant 0 : index
    %swap3A_144 = vector.load %arg14[%swap3A_142, %swap3A_143] : memref<10000x64xf32, #tpu.memory_space<vmem>>, vector<10000x64xf32>
    tpu.vector_store %arg14[%swap3A_142, %swap3A_143], %add3A_141 {strides = array<i32>} : memref<10000x64xf32, #tpu.memory_space<vmem>>, vector<10000x64xf32>,
    return
  }
}

module attributes {stable_mosaic.version = 14 : i64} {
  func.func @_combine2_body(%arg0: memref<2x10000x64xbf16, #tpu.memory_space<vmem>>, %arg1: memref<2x10000x64xbf16, #tpu.memory_space<vmem>>, %arg2: memref<10000xf32, #tpu.memory_space<vmem>>, %arg3: memref<10000xf32, #tpu.memory_space<vmem>>, %arg4: memref<10000x64xf32, #tpu.memory_space<vmem>>, %arg5: memref<1x64xf32, #tpu.memory_space<vmem>>, %arg6: memref<1x64xf32, #tpu.memory_space<vmem>>, %arg7: memref<1x64xf32, #tpu.memory_space<vmem>>) attributes {dimension_semantics = [], scalar_prefetch = 0 : i64, scratch_operands = 0 : i64, tpu.core_type = #tpu.core_type<tc>} {
    %get3A = arith.constant 0 : index
    %get3A_0 = arith.constant 0 : index
    %get3A_1 = arith.constant 0 : index
    %get3A_2 = vector.load %arg0[%get3A, %get3A_0, %get3A_1] : memref<2x10000x64xbf16, #tpu.memory_space<vmem>>, vector<1x10000x64xbf16>
    %get3A_3 = vector.shape_cast %get3A_2 : vector<1x10000x64xbf16> to vector<10000x64xbf16>
    %convert_element_type3A = arith.extf %get3A_3 : vector<10000x64xbf16> to vector<10000x64xf32>
    %get3A_4 = arith.constant 1 : index
    %get3A_5 = arith.constant 0 : index
    %get3A_6 = arith.constant 0 : index
    %get3A_7 = vector.load %arg0[%get3A_4, %get3A_5, %get3A_6] : memref<2x10000x64xbf16, #tpu.memory_space<vmem>>, vector<1x10000x64xbf16>
    %get3A_8 = vector.shape_cast %get3A_7 : vector<1x10000x64xbf16> to vector<10000x64xbf16>
    %convert_element_type3A_9 = arith.extf %get3A_8 : vector<10000x64xbf16> to vector<10000x64xf32>
    %add3A = arith.addf %convert_element_type3A, %convert_element_type3A_9 : vector<10000x64xf32>
    %get3A_10 = arith.constant 0 : index
    %get3A_11 = arith.constant 0 : index
    %get3A_12 = arith.constant 0 : index
    %get3A_13 = vector.load %arg1[%get3A_10, %get3A_11, %get3A_12] : memref<2x10000x64xbf16, #tpu.memory_space<vmem>>, vector<1x10000x64xbf16>
    %get3A_14 = vector.shape_cast %get3A_13 : vector<1x10000x64xbf16> to vector<10000x64xbf16>
    %convert_element_type3A_15 = arith.extf %get3A_14 : vector<10000x64xbf16> to vector<10000x64xf32>
    %get3A_16 = arith.constant 1 : index
    %get3A_17 = arith.constant 0 : index
    %get3A_18 = arith.constant 0 : index
    %get3A_19 = vector.load %arg1[%get3A_16, %get3A_17, %get3A_18] : memref<2x10000x64xbf16, #tpu.memory_space<vmem>>, vector<1x10000x64xbf16>
    %get3A_20 = vector.shape_cast %get3A_19 : vector<1x10000x64xbf16> to vector<10000x64xbf16>
    %convert_element_type3A_21 = arith.extf %get3A_20 : vector<10000x64xbf16> to vector<10000x64xf32>
    %add3A_22 = arith.addf %convert_element_type3A_15, %convert_element_type3A_21 : vector<10000x64xf32>
    %get3A_23 = arith.constant 0 : index
    %get3A_24 = vector.load %arg2[%get3A_23] : memref<10000xf32, #tpu.memory_space<vmem>>, vector<10000xf32>
    %div3A = arith.constant 1.000000e+00 : f32
    %div3A_25 = vector.broadcast %div3A : f32 to vector<10000xf32>
    %div3A_26 = arith.divf %div3A_25, %get3A_24 : vector<10000xf32>
    %broadcast_in_dim3A = vector.shape_cast %div3A_26 : vector<10000xf32> to vector<10000x1xf32>
    %mul3A = vector.broadcast %broadcast_in_dim3A : vector<10000x1xf32> to vector<10000x64xf32>
    %mul3A_27 = arith.mulf %add3A, %mul3A : vector<10000x64xf32>
    %get3A_28 = arith.constant 0 : index
    %get3A_29 = vector.load %arg3[%get3A_28] : memref<10000xf32, #tpu.memory_space<vmem>>, vector<10000xf32>
    %div3A_30 = arith.constant 1.000000e+00 : f32
    %div3A_31 = vector.broadcast %div3A_30 : f32 to vector<10000xf32>
    %div3A_32 = arith.divf %div3A_31, %get3A_29 : vector<10000xf32>
    %broadcast_in_dim3A_33 = vector.shape_cast %div3A_32 : vector<10000xf32> to vector<10000x1xf32>
    %mul3A_34 = vector.broadcast %broadcast_in_dim3A_33 : vector<10000x1xf32> to vector<10000x64xf32>
    %mul3A_35 = arith.mulf %add3A_22, %mul3A_34 : vector<10000x64xf32>
    %add3A_36 = arith.addf %mul3A_27, %mul3A_35 : vector<10000x64xf32>
    %get3A_37 = arith.constant 0 : index
    %get3A_38 = arith.constant 0 : index
    %get3A_39 = vector.load %arg4[%get3A_37, %get3A_38] : memref<10000x64xf32, #tpu.memory_space<vmem>>, vector<10000x64xf32>
    %add3A_40 = arith.addf %add3A_36, %get3A_39 : vector<10000x64xf32>
    %reduce_sum3A = arith.constant dense<0.000000e+00> : vector<64xf32>
    %reduce_sum3A_41 = vector.multi_reduction <add>, %add3A_40, %reduce_sum3A [0] : vector<10000x64xf32> to vector<64xf32>
    %broadcast_in_dim3A_42 = vector.shape_cast %reduce_sum3A_41 : vector<64xf32> to vector<1x64xf32>
    %div3A_43 = arith.constant 1.000000e+04 : f32
    %div3A_44 = vector.broadcast %div3A_43 : f32 to vector<1x64xf32>
    %div3A_45 = arith.divf %broadcast_in_dim3A_42, %div3A_44 : vector<1x64xf32>
    %sub3A = vector.broadcast %div3A_45 : vector<1x64xf32> to vector<10000x64xf32>
    %sub3A_46 = arith.subf %add3A_40, %sub3A : vector<10000x64xf32>
    %mul3A_47 = arith.mulf %sub3A_46, %sub3A_46 : vector<10000x64xf32>
    %reduce_sum3A_48 = arith.constant dense<0.000000e+00> : vector<64xf32>
    %reduce_sum3A_49 = vector.multi_reduction <add>, %mul3A_47, %reduce_sum3A_48 [0] : vector<10000x64xf32> to vector<64xf32>
    %broadcast_in_dim3A_50 = vector.shape_cast %reduce_sum3A_49 : vector<64xf32> to vector<1x64xf32>
    %div3A_51 = arith.constant 1.000000e+04 : f32
    %div3A_52 = vector.broadcast %div3A_51 : f32 to vector<1x64xf32>
    %div3A_53 = arith.divf %broadcast_in_dim3A_50, %div3A_52 : vector<1x64xf32>
    %add3A_54 = arith.constant 9.99999974E-6 : f32
    %add3A_55 = vector.broadcast %add3A_54 : f32 to vector<1x64xf32>
    %add3A_56 = arith.addf %div3A_53, %add3A_55 : vector<1x64xf32>
    %rsqrt3A = math.rsqrt %add3A_56 : vector<1x64xf32>
    %mul3A_57 = vector.broadcast %rsqrt3A : vector<1x64xf32> to vector<10000x64xf32>
    %mul3A_58 = arith.mulf %sub3A_46, %mul3A_57 : vector<10000x64xf32>
    %get3A_59 = arith.constant 0 : index
    %get3A_60 = arith.constant 0 : index
    %get3A_61 = vector.load %arg5[%get3A_59, %get3A_60] : memref<1x64xf32, #tpu.memory_space<vmem>>, vector<1x64xf32>
    %mul3A_62 = vector.broadcast %get3A_61 : vector<1x64xf32> to vector<10000x64xf32>
    %mul3A_63 = arith.mulf %mul3A_58, %mul3A_62 : vector<10000x64xf32>
    %get3A_64 = arith.constant 0 : index
    %get3A_65 = arith.constant 0 : index
    %get3A_66 = vector.load %arg6[%get3A_64, %get3A_65] : memref<1x64xf32, #tpu.memory_space<vmem>>, vector<1x64xf32>
    %add3A_67 = vector.broadcast %get3A_66 : vector<1x64xf32> to vector<10000x64xf32>
    %add3A_68 = arith.addf %mul3A_63, %add3A_67 : vector<10000x64xf32>
    %max3A = arith.constant 0.000000e+00 : f32
    %max3A_69 = vector.broadcast %max3A : f32 to vector<10000x64xf32>
    %max3A_70 = arith.maximumf %add3A_68, %max3A_69 : vector<10000x64xf32>
    %reduce_max3A = arith.constant dense<0xFF800000> : vector<64xf32>
    %reduce_max3A_71 = vector.multi_reduction <maximumf>, %max3A_70, %reduce_max3A [0] : vector<10000x64xf32> to vector<64xf32>
    %broadcast_in_dim3A_72 = vector.shape_cast %reduce_max3A_71 : vector<64xf32> to vector<1x64xf32>
    %swap3A = arith.constant 0 : index
    %swap3A_73 = arith.constant 0 : index
    %swap3A_74 = vector.load %arg7[%swap3A, %swap3A_73] : memref<1x64xf32, #tpu.memory_space<vmem>>, vector<1x64xf32>
    tpu.vector_store %arg7[%swap3A, %swap3A_73], %broadcast_in_dim3A_72 {strides = array<i32>} : memref<1x64xf32, #tpu.memory_space<vmem>>, vector<1x64xf32>,
    return
  }
}

</mosaic_0001>

<sc_bundles>
// kernel: kernel.10.cloned.1.call-start
scs
__scs_entry_jumppad:
0x0: {  	(pc) =	sbr.rel $0x88, $3  }
0x1: {  	(tag) =	ssettag $0x0;
	lr =	simm.s32 $0x1  }
0x2: {  	[smem:$0x3F8F] =	sst lr;
	_ =	strace $0xD0000000  }
0x3: {  	_ = 	snop  }
0x4: {  	_ = 	snop  }
0x5: {  	_ = 	snop  }
0x6: {  	_ = 	snop  }
0x7: {  	_ = 	snop  }
__scs_overlays_trampoline_lowered:
0x8: {  	[smem:$0x3F9E] =	sst s0  }
0x9: {  	[smem:$0x3F9F] =	sst s1  }
0xa: {  	[smem:$0x3FA0] =	sst s2  }
0xb: {  	[smem:$0x3FA1] =	sst s3  }
0xc: {  	[smem:$0x3FA2] =	sst s4  }
0xd: {  	[smem:$0x3FA3] =	sst s5  }
0xe: {  	[smem:$0x3FA4] =	sst s6  }
0xf: {  	[smem:$0x3FA5] =	sst s7  }
0x10: {  	[smem:$0x3FA6] =	sst s8  }
0x11: {  	[smem:$0x3FA7] =	sst s9;
	s0 =	simm.s32 @!p0 $0x0  }
0x12: {  	s1 =	sld [smem:$0x3F8D];
	s0 =	simm.s32 @p0 $0x1  }
0x13: {  	[smem:$0x3FA8] =	sst s0;
	s0 =	simm.s32 @!p1 $0x0  }
0x14: {  	s2 =	sld [smem:$0x3F8C];
	s0 =	simm.s32 @p1 $0x1  }
0x15: {  	[smem:$0x3FA9] =	sst s0;
	s0 =	simm.s32 @!p2 $0x0  }
0x16: {  	s3 =	sld [smem:$0x3FDB];
	s0 =	simm.s32 @p2 $0x1  }
0x17: {  	s4 =	simm.s32 $0x1BF5;
	[smem:$0x3FAB] =	sst s0  }
0x18: {  	s0 =	sld [smem:$0x3F8E];
	_ =	swait.ge [sflag:s4], $0x0  }
0x19: {  	s7 =	sld [smem:$0x3F8F]  }
0x1a: {  	s8 =	sadd.s32 $0xFFFFE003, lr  }
0x1b: {  	s9 =	sadd.s32 $0xFFFFFEF7, lr;
	s5 =	simm.s32 $0xFFFFFFFF;
	p2 =	slt.u32 s8, $0xFFFFF086  }
0x1c: {  	p1 =	slt.u32 s9, $0xF7A;
	s5 =	simm.s32 @!p2 $0x0  }
0x1d: {  	s5 =	simm.s32 @p1 $0x1;
	p0 =	seq.s32 s7, s2  }
0x1e: {  	s7 =	smul.u32 @!p0 $0xF7A, s2;
	p2 =	seq.s32 @!p0 s5, $0x0  }
0x1f: {  	s9 =	smul.u32 $0xF7A, s1;
	s8 =	simm.s32 @!p0 $0x1BF5;
	p2 =	por !p2, p0  }
0x20: {  	[sflag:s8] =	ssyncset.s32 @!p0 $0xFFFFF086;
	s6 =	sadd.s32 @!p0 s3, s7;
	s7 =	simm.s32 @!p0 $0x108  }
0x21: {  	s3 =	sadd.s32 s3, s9;
	s6 =	sadd.s32 @!p0 $0x88, s6;
	s7 =	simm.s32 @p2 $0x1082  }
0x22: {  	[simem:s7], [sflag:s8] =	dma.local @!p0 [hbm:s6], $0xF7A  }
0x23: {  	s9 =	sor.u32 $0xD0000000, s2;
	s6 =	simm.s32 $0x108;
	_ =	swait.ge @!p0 [sflag:s8], $0x0  }
0x24: {  	s3 =	sadd.s32 $0x88, s3;
	s6 =	simm.s32 @!p1 $0x1082;
	[sflag:s4] =	ssyncset.s32 $0xFFFFF086  }
0x25: {  	[simem:s6], [sflag:s4] =	dma.local [hbm:s3], $0xF7A  }
0x26: {  	[smem:$0x3F8F] =	sst s1;
	(tag) =	ssettag s2;
	_ =	strace s9  }
0x27: {  	s1 =	sld [smem:$0x3F9F]  }
0x28: {  	s2 =	sld [smem:$0x3FA0]  }
0x29: {  	s4 =	sld [smem:$0x3FA2]  }
0x2a: {  	p0 =	seq.s32 s5, $0x0;
	s5 =	sld [smem:$0x3FA3]  }
0x2b: {  	s6 =	sld [smem:$0x3FA4]  }
0x2c: {  	s7 =	sld [smem:$0x3FA5]  }
0x2d: {  	s3 =	simm.s32 $0x108;
	s8 =	sld [smem:$0x3FA6]  }
0x2e: {  	s3 =	simm.s32 @!p0 $0x1082;
	s9 =	sld [smem:$0x3FA7]  }
0x2f: {  	lr =	sadd.s32 s0, s3;
	s0 =	sld [smem:$0x3F9E]  }
0x30: {  	s3 =	sld [smem:$0x3FA1]  }
0x31: {  	[smem:$0x3FAA] =	sst s10  }
0x32: {  	s10 =	sld [smem:$0x3FA8];
	_ =	sdelay $0x3  }
0x33: {  	p0 =	seq.s32 s10, $0x1;
	s10 =	sld [smem:$0x3FAA];
	_ =	sdelay $0x3  }
0x34: {  	[smem:$0x3FAA] =	sst s10  }
0x35: {  	s10 =	sld [smem:$0x3FA9];
	_ =	sdelay $0x3  }
0x36: {  	p1 =	seq.s32 s10, $0x1;
	s10 =	sld [smem:$0x3FAA];
	_ =	sdelay $0x3  }
0x37: {  	[smem:$0x3FAA] =	sst s10  }
0x38: {  	s10 =	sld [smem:$0x3FAB]  }
0x39: {  	_ = 	snop;
	(pc) =	sbr.ind lr, $3  }
0x3a: {  	_ = 	snop  }
0x3b: {  	_ = 	snop  }
0x3c: {  	p2 =	seq.s32 s10, $0x1;
	s10 =	sld [smem:$0x3FAA]  }
0x3d: {  	_ =	shalt  }
0x3e: {  	_ =	shalt  }
0x3f: {  	_ =	shalt  }
0x40: {  	_ =	shalt  }
0x41: {  	_ =	shalt  }
0x42: {  	_ =	shalt  }
0x43: {  	_ =	shalt  }
0x44: {  	_ =	shalt  }
0x45: {  	_ =	shalt  }
0x46: {  	_ =	shalt  }
0x47: {  	_ =	shalt  }
0x48: {  	_ =	shalt  }
0x49: {  	_ =	shalt  }
0x4a: {  	_ =	shalt  }
0x4b: {  	_ =	shalt  }
0x4c: {  	_ =	shalt  }
0x4d: {  	_ =	shalt  }
0x4e: {  	_ =	shalt  }
0x4f: {  	_ =	shalt  }
0x50: {  	_ =	shalt  }
0x51: {  	_ =	shalt  }
0x52: {  	_ =	shalt  }
0x53: {  	_ =	shalt  }
0x54: {  	_ =	shalt  }
0x55: {  	_ =	shalt  }
0x56: {  	_ =	shalt  }
0x57: {  	_ =	shalt  }
0x58: {  	_ =	shalt  }
0x59: {  	_ =	shalt  }
0x5a: {  	_ =	shalt  }
0x5b: {  	_ =	shalt  }
0x5c: {  	_ =	shalt  }
0x5d: {  	_ =	shalt  }
0x5e: {  	_ =	shalt  }
0x5f: {  	_ =	shalt  }
0x60: {  	_ =	shalt  }
0x61: {  	_ =	shalt  }
0x62: {  	_ =	shalt  }
0x63: {  	_ =	shalt  }
0x64: {  	_ =	shalt  }
0x65: {  	_ =	shalt  }
0x66: {  	_ =	shalt  }
0x67: {  	_ =	shalt  }
0x68: {  	_ =	shalt  }
0x69: {  	_ =	shalt  }
0x6a: {  	_ =	shalt  }
0x6b: {  	_ =	shalt  }
0x6c: {  	_ =	shalt  }
0x6d: {  	_ =	shalt  }
0x6e: {  	_ =	shalt  }
0x6f: {  	_ =	shalt  }
0x70: {  	_ =	shalt  }
0x71: {  	_ =	shalt  }
0x72: {  	_ =	shalt  }
0x73: {  	_ =	shalt  }
0x74: {  	_ =	shalt  }
0x75: {  	_ =	shalt  }
0x76: {  	_ =	shalt  }
0x77: {  	_ =	shalt  }
0x78: {  	_ =	shalt  }
0x79: {  	_ =	shalt  }
0x7a: {  	_ =	shalt  }
0x7b: {  	_ =	shalt  }
0x7c: {  	_ =	shalt  }
0x7d: {  	_ =	shalt  }
0x7e: {  	_ =	shalt  }
0x7f: {  	_ =	shalt  }
0x80: {  	_ =	shalt  }
0x81: {  	_ =	shalt  }
0x82: {  	_ =	shalt  }
0x83: {  	_ =	shalt  }
0x84: {  	_ =	shalt  }
0x85: {  	_ =	shalt  }
0x86: {  	_ =	shalt  }
0x87: {  	_ =	shalt  }
.Lfunc_end0:
.L_simem_size_0:
called_computation.1_lowered:
.L_overlay_start_0:
0x88: {  	s2 =	sld [smem:$0x3FD9]  }
0x89: {  	s3 =	sld [smem:$0x3FFE];
	_ =	sdelay $0x1  }
0x8a: {  	s1 =	srdreg.scid  }
0x8b: {  	s0 =	sand.u32 $0x1, s1  }
0x8c: {  	s16 =	sshll.u32 s0, $0xA;
	s2 =	sadd.s32 s3, s2  }
0x8d: {  	s2 =	sadd.s32 s2, s16  }
0x8e: {  	[smem:$0x3FB6] =	sst s2  }
0x8f: {  	_ = 	snop  }
0x90: {  	(tm) =	ssettm $0x1  }
0x91: {  	s17 =	sld [smem:$0x3FFB];
	_ =	sdelay $0x3  }
0x92: {  	_ =	strace s17  }
0x93: {  	s2 =	sld [smem:$0x3FFC];
	_ =	sdelay $0x3  }
0x94: {  	_ =	strace s2  }
0x95: {  	s2 =	sld [smem:$0x3FFD];
	_ =	sdelay $0x3  }
0x96: {  	_ =	strace s2  }
0x97: {  	_ =	strace $0x8FFFFFFF  }
0x98: {  	s18 =	sld [smem:$0x3FDB];
	_ =	sdelay $0x1  }
0x99: {  	s19 =	simm.s32 $_scs_section_size  }
0x9a: {  	s4 =	simm.s32 $_size__tile_overlayer_lowered;
	s5 =	simm.s32 $_tile_overlayer_lowered  }
0x9b: {  	s22 =	simm.s32 $0x1BFF;
	s21 =	sshll.u32 s5, $0x1;
	s2 =	sadd.s32 s19, s18  }
0x9c: {  	s6 =	simm.s32 $0x0;
	s20 =	sshll.u32 s4, $0x1;
	s4 =	sadd.s32 s21, s2  }
0x9d: {  	[timem:s6], [sflag:s22] =	dma.local [hbm:s4], s20  }
0x9e: {  	_ =	swait.ge [sflag:s22], s20  }
0x9f: {  	s3 =	ssub.s32 $0x0, s20;
	[sflag:s22] =	ssyncset.done $0x0  }
0xa0: {  	[sflag:s22] =	ssyncadd.s32 s3;
	_ =	sdelay $0x1  }
0xa1: {  	s23 =	simm.s32 $0x1B8B  }
0xa2: {  	_ =	swait.ge [sflag:s23], $0x1  }
0xa3: {  	[sflag:s23] =	ssyncset.done $0x0  }
0xa4: {  	s25 =	simm.s32 $0x1B8E;
	s24 =	sld [smem:$0x3FFE];
	[sflag:s23] =	ssyncadd.s32 $0xFFFFFFFF  }
0xa5: {  	s26 =	simm.s32 $execute0_lowered;
	[smem:$0x3FD2] =	sst s25  }
0xa6: {  	s4 =	sshll.u32 s26, $0x1;
	_ =	strace $0x80000049;
	[dreg:$0x1] =	wrdreg $0xFFFFFFFF  }
0xa7: {  	s28 =	simm.s32 $_size_execute0_lowered;
	s2 =	sadd.s32 s2, s4;
	[dreg:$0x0] =	wrdreg $0x0  }
0xa8: {  	s4 =	sshll.u32 s28, $0x1;
	[dreg:$0x2] =	wrdreg s2  }
0xa9: {  	[dreg:$0x3] =	wrdreg s4  }
0xaa: {  	[dreg:$0x4] =	wrdreg $0xC0  }
0xab: {  	_ =	task [dreg:s6], $0x5FFFF  }
0xac: {  	[dreg:$0x1] =	wrdreg $0xFFFFFFFF  }
0xad: {  	[dreg:$0x0] =	wrdreg $0x60  }
0xae: {  	[dreg:$0x2] =	wrdreg s24  }
0xaf: {  	[dreg:$0x3] =	wrdreg $0xA0000  }
0xb0: {  	[dreg:$0x4] =	wrdreg $0x9  }
0xb1: {  	_ =	task.clear_ibuf [dreg:s6], $0x5FFFF;
	_ =	strace $0x90000049  }
0xb2: {  	s29 =	simm.s32 $0x9;
	_ =	strace $0x8000004B  }
0xb3: {  	_ =	swait.ge [sflag:s29], $0x1  }
0xb4: {  	[sflag:s29] =	ssyncadd.s32 $0xFFFFFFFF  }
0xb5: {  	_ =	strace $0x9000004B  }
0xb6: {  	_ =	sfence  }
0xb7: {  	s30 =	sld [smem:$0x0];
	_ =	sdelay $0x2  }
0xb8: {  	s31 =	sshll.u32 s1, $0xD;
	s1 =	sshrl.u32 s1, $0x2  }
0xb9: {  	s3 =	sand.u32 $0x4000, s31;
	s1 =	sadd.s32 s1, s30  }
0xba: {  	s0 =	sor.u32 s3, s0;
	s1 =	sshll.u32 s1, $0x11  }
0xbb: {  	s0 =	sor.u32 s1, s0  }
0xbc: {  	s0 =	sadd.s32 $0x8F2B, s0  }
0xbd: {  	[sflag:s0] =	ssyncadd.remote.s32 $0x1  }
0xbe: {  	_ =	sfence.sel $0xFFFF  }
0xbf: {  	[dreg:$0x0] =	wrdreg $0xFFFFFFFF;
	(pc) =	sbr.abs _section_cstart, $3  }
0xc0: {  	[dreg:$0x1] =	wrdreg $0xFFFFFFFF  }
0xc1: {  	_ =	task.clear_ibuf [dreg:s6], $0x2FFFF;
	_ =	strace $0x9FFFFFFF  }
0xc2: {  	(tm) =	ssettm $0x7FFFFFFF  }
0xc3: {  	_ =	shalt  }
tec
execute0_lowered:
.L_overlay_start_1:
0x0: {  	(tag) =	ssettag $0x1  }
0x1: {  	s7 =	rddreg [dreg:$0x0]  }
0x2: {  	s1 =	rddreg [dreg:$0x1];
	s2 =	simm.s32 $0x0  }
0x3: {  	s3 =	srdreg.scid;
	s0 =	stileid.u32;
	s16 =	simm.s32 $0x3  }
0x4: {  	s17 =	simm.s32 $0x4000;
	s20 =	simm.s32 $0x8000;
	s21 =	simm.s32 $0x9000  }
0x5: {  	s22 =	simm.s32 $0x1;
	s23 =	simm.s32 $0x2;
	s24 =	simm.s32 $0x0  }
0x6: {  	[smem:$0x7FF] =	sst s2;
	s6 =	sand.u32 $0x1, s3;
	s12 =	smul.u32 $0xFA00, s0  }
0x7: {  	s4 =	sadd.s32 $0x18C00, s7;
	s5 =	sshll.u32 s0, $0x9;
	s13 =	smul.u32 $0x1F400, s0  }
0x8: {  	s9 =	sshll.u32 s0, $0xB;
	_ =	strace $0x8000004A;
	s8 =	smul.u32 $0x9C400, s6  }
0x9: {  	p0 =	seq.s32 s6, $0x0;
	s10 =	sor.u32 $0x8000, s5;
	s5 =	sadd.s32 $0x22A00, s7  }
0xa: {  	s29 =	ssub.s32 $0x2, s6;
	s6 =	sadd.s32 $0x3400, s7;
	s10 =	smov.u32 @p0 s9  }
0xb: {  	s30 =	sshrl.u32 s29, $0x1;
	s9 =	simm.s32 $0x40;
	s13 =	sshrl.u32 s13, $0x2  }
0xc: {  	s31 =	sshrl.u32 s12, $0x1;
	s8 =	sadd.s32 s12, s8;
	s11 =	sadd.s32 s10, s7  }
0xd: {  	s15 =	ssub.s32 s29, s30;
	s9 =	simm.s32 @!p0 $0x10;
	s19 =	sadd.s32 s13, s1  }
0xe: {  	s13 =	sadd.s32 s31, s1;
	s8 =	sshrl.u32 s8, $0x4;
	s10 =	sadd.s32 $0xE800, s11  }
0xf: {  	s11 =	sadd.s32 $0x4400, s11;
	s14 =	sadd.s32 s8, s7;
	s7 =	simm.s32 $0x80  }
0x10: {  	s15 =	smax.u32 s15, $0x1;
	s7 =	simm.s32 @!p0 $0x20;
	p0 =	sgt.u32 s0, $0x9  }
0x11: {  	s8 =	simm.s32 $0x80;
	s12 =	sadd.s32 $0x2C800, s14;
	s18 =	sshll.u32 @!p0 s0, $0x6  }
0x12: {  	s14 =	sadd.s32 $0x40200, s14;
	s19 =	sshrl.u32 @!p0 s19, $0x3;
	s18 =	sor.u32 @!p0 $0x1C03, s18  }
.LBB2_1:
0x13: {  	[tilespmem:s2], [sflag:$0x3] =	stream.linear.gather [hbm4b:s10+s2], $0x4000, $0x38;
	[tilespmem:$0xEE40] =	vst v63  }
0x14: {  	_ =	swait.ge [sflag:s16], $0x4000  }
0x15: {  	[sflag:s16] =	ssyncset.done $0x0  }
0x16: {  	[sflag:s16] =	ssyncadd.s32 $0xFFFFC000  }
0x17: {  	[tilespmem:s17], [sflag:$0x3] =	stream.linear.gather [hbm4b:s11+s2], $0x4000, $0x38;
	[tilespmem:$0xEE40] =	vst v63  }
0x18: {  	_ =	swait.ge [sflag:s16], $0x4000  }
0x19: {  	[sflag:s16] =	ssyncset.done $0x0  }
0x1a: {  	s25 =	simm.s32 @!p0 $0x3;
	[sflag:s16] =	ssyncadd.s32 $0xFFFFC000  }
0x1b: {  	[spmem:s19], [sflag:s18] =	dma.local @!p0 [hbm:s6], $0xFA0  }
0x1c: {  	_ =	swait.ge @!p0 [sflag:s25], $0xFA0  }
0x1d: {  	[sflag:s25] =	ssyncset.done @!p0 $0x0  }
0x1e: {  	[sflag:s25] =	ssyncadd.s32 @!p0 $0xFFFFF060  }
0x1f: {  	[bflag:$0x0] =	sbarrier.arrive $0xFFFF  }
0x20: {  	[tilespmem:s20], [sflag:$0x1] =	stream.indirect.gather [hbm4b:s4+s8], $0x20, s2, s8, $0xb8;
	[tilespmem:$0xEE40] =	vst v63  }
0x21: {  	_ = 	snop  }
0x22: {  	[tilespmem:s21], [sflag:$0x2] =	stream.indirect.gather [hbm4b:s4+s8], $0x20, s8, s8, $0xb8;
	[tilespmem:$0xEE40] =	vst v63  }
0x23: {  	_ =	swait.ge [sflag:s22], $0x1000  }
0x24: {  	[sflag:s22] =	ssyncset.done $0x0  }
0x25: {  	[sflag:s22] =	ssyncadd.s32 $0xFFFFF000  }
0x26: {  	[spmem:s1] =	stream.indirect.scatter.add.bf16 [tilespmem:s20], [sflag:$0x3], $0x20, s17, s8, $0xb8;
	[tilespmem:$0xEE40] =	vst v63  }
0x27: {  	p1 =	sle.u32 s7, $0x2;
	_ =	swait.ge [sflag:s16], $0x1000  }
0x28: {  	s26 =	simm.s32 @!p1 $0x100;
	[sflag:s16] =	ssyncset.done $0x0  }
0x29: {  	s28 =	simm.s32 @!p1 $0x80;
	s29 =	simm.s32 @!p1 $0x8000;
	[sflag:s16] =	ssyncadd.s32 $0xFFFFF000  }
0x2a: {  	[tilespmem:s29], [sflag:$0x1] =	stream.indirect.gather @!p1 [hbm4b:s4+s28], $0x20, s26, s28, $0xb8;
	[tilespmem:$0xEE40] =	vst v63  }
0x2b: {  	s26 =	sadd.s32 $0xFFFFFFFF, s9  }
0x2c: {  	p1 =	sne.s32 s26, $0x0  }
.Ltmp0:
0x2d: {  	_ =	swait.ge [sflag:s23], $0x1000;
	(pc) =	sbr.rel @!p1 .LBB2_3-.Ltmp0, $4  }
0x2e: {  	[sflag:s23] =	ssyncset.done $0x0  }
0x2f: {  	s30 =	simm.s32 $0x4000;
	s28 =	simm.s32 $0x4080;
	[sflag:s23] =	ssyncadd.s32 $0xFFFFF000  }
0x30: {  	[spmem:s1] =	stream.indirect.scatter.add.bf16 [tilespmem:s21], [sflag:$0x3], $0x20, s28, s8, $0xb8;
	[tilespmem:$0xEE40] =	vst v63  }
0x31: {  	s29 =	simm.s32 $0x4;
	s28 =	simm.s32 $0x180;
	_ =	swait.ge [sflag:s16], $0x1000  }
.LBB2_2:
0x32: {  	s26 =	sadd.s32 $0xFFFFFFFF, s26;
	[sflag:s16] =	ssyncset.done $0x0;
	s30 =	sadd.s32 $0x100, s30  }
0x33: {  	p1 =	sne.s32 s26, $0x0;
	[sflag:s16] =	ssyncadd.s32 $0xFFFFF000  }
0x34: {  	[tilespmem:s21], [sflag:$0x2] =	stream.indirect.gather [hbm4b:s4+s8], $0x20, s28, s8, $0xb8;
	[tilespmem:$0xEE40] =	vst v63  }
0x35: {  	_ =	swait.ge [sflag:s22], $0x1000  }
0x36: {  	[sflag:s22] =	ssyncset.done $0x0  }
0x37: {  	[sflag:s22] =	ssyncadd.s32 $0xFFFFF000  }
0x38: {  	[spmem:s1] =	stream.indirect.scatter.add.bf16 [tilespmem:s20], [sflag:$0x3], $0x20, s30, s8, $0xb8;
	[tilespmem:$0xEE40] =	vst v63  }
0x39: {  	p2 =	sge.u32 s29, s7;
	_ =	swait.ge [sflag:s16], $0x1000  }
0x3a: {  	s31 =	sadd.s32 @!p2 $0x80, s28;
	s0 =	simm.s32 @!p2 $0x80;
	[sflag:s16] =	ssyncset.done $0x0  }
0x3b: {  	s3 =	simm.s32 @!p2 $0x8000;
	[sflag:s16] =	ssyncadd.s32 $0xFFFFF000  }
0x3c: {  	[tilespmem:s3], [sflag:$0x1] =	stream.indirect.gather @!p2 [hbm4b:s4+s0], $0x20, s31, s0, $0xb8;
	[tilespmem:$0xEE40] =	vst v63  }
.Ltmp1:
0x3d: {  	_ =	swait.ge [sflag:s23], $0x1000;
	(pc) =	sbr.rel @p1 .LBB2_2-.Ltmp1, $4  }
0x3e: {  	s0 =	sadd.s32 $0x80, s30;
	[sflag:s23] =	ssyncset.done $0x0  }
0x3f: {  	[sflag:s23] =	ssyncadd.s32 $0xFFFFF000  }
0x40: {  	[spmem:s1] =	stream.indirect.scatter.add.bf16 [tilespmem:s21], [sflag:$0x3], $0x20, s0, s8, $0xb8;
	[tilespmem:$0xEE40] =	vst v63  }
0x41: {  	s29 =	sadd.s32 $0x2, s29;
	s28 =	sadd.s32 $0x100, s28;
	_ =	swait.ge [sflag:s16], $0x1000  }
.LBB2_3:
0x42: {  	[sflag:s16] =	ssyncset.done $0x0  }
0x43: {  	[sflag:s16] =	ssyncadd.s32 $0xFFFFF000  }
0x44: {  	s26 =	sshrl.u32 @!p0 s13, $0x3;
	[bflag:$0x0] =	sbarrier.arrive $0xFFFF  }
0x45: {  	[hbm:s12], [sflag:s18] =	dma.local @!p0 [spmem:s26], $0xFA0  }
0x46: {  	_ =	swait.ge @!p0 [sflag:s25], $0xFA0  }
0x47: {  	[sflag:s25] =	ssyncset.done @!p0 $0x0  }
0x48: {  	[sflag:s25] =	ssyncadd.s32 @!p0 $0xFFFFF060  }
0x49: {  	[spmem:s26], [sflag:s18] =	dma.local @!p0 [hbm:s6], $0xFA0  }
0x4a: {  	_ =	swait.ge @!p0 [sflag:s25], $0xFA0  }
0x4b: {  	[sflag:s25] =	ssyncset.done @!p0 $0x0  }
0x4c: {  	[sflag:s25] =	ssyncadd.s32 @!p0 $0xFFFFF060  }
0x4d: {  	[bflag:$0x0] =	sbarrier.arrive $0xFFFF  }
0x4e: {  	[tilespmem:s20], [sflag:$0x1] =	stream.indirect.gather [hbm4b:s5+s8], $0x20, s17, s8, $0xb8;
	[tilespmem:$0xEE40] =	vst v63  }
0x4f: {  	s0 =	simm.s32 $0x4080  }
0x50: {  	[tilespmem:s21], [sflag:$0x2] =	stream.indirect.gather [hbm4b:s5+s8], $0x20, s0, s8, $0xb8;
	[tilespmem:$0xEE40] =	vst v63  }
0x51: {  	_ =	swait.ge [sflag:s22], $0x1000  }
0x52: {  	[sflag:s22] =	ssyncset.done $0x0  }
0x53: {  	s25 =	simm.s32 $0x0;
	[sflag:s22] =	ssyncadd.s32 $0xFFFFF000  }
0x54: {  	[spmem:s1] =	stream.indirect.scatter.add.bf16 [tilespmem:s20], [sflag:$0x3], $0x20, s25, s8, $0xb8;
	[tilespmem:$0xEE40] =	vst v63  }
0x55: {  	p1 =	sle.u32 s7, $0x2;
	_ =	swait.ge [sflag:s16], $0x1000  }
0x56: {  	s3 =	simm.s32 @!p1 $0x80;
	[sflag:s16] =	ssyncset.done $0x0  }
0x57: {  	s28 =	simm.s32 @!p1 $0x8000;
	s0 =	simm.s32 @!p1 $0x4100;
	[sflag:s16] =	ssyncadd.s32 $0xFFFFF000  }
0x58: {  	[tilespmem:s28], [sflag:$0x1] =	stream.indirect.gather @!p1 [hbm4b:s5+s3], $0x20, s0, s3, $0xb8;
	[tilespmem:$0xEE40] =	vst v63  }
0x59: {  	s28 =	sadd.s32 $0xFFFFFFFF, s9  }
0x5a: {  	p1 =	sne.s32 s28, $0x0  }
.Ltmp2:
0x5b: {  	_ =	swait.ge [sflag:s23], $0x1000;
	(pc) =	sbr.rel @!p1 .LBB2_5-.Ltmp2, $4  }
0x5c: {  	[sflag:s23] =	ssyncset.done $0x0  }
0x5d: {  	s31 =	simm.s32 $0x80;
	[sflag:s23] =	ssyncadd.s32 $0xFFFFF000  }
0x5e: {  	[spmem:s1] =	stream.indirect.scatter.add.bf16 [tilespmem:s21], [sflag:$0x3], $0x20, s31, s8, $0xb8;
	[tilespmem:$0xEE40] =	vst v63  }
0x5f: {  	s29 =	simm.s32 $0x4180;
	s30 =	simm.s32 $0x4;
	_ =	swait.ge [sflag:s16], $0x1000  }
.LBB2_4:
0x60: {  	s28 =	sadd.s32 $0xFFFFFFFF, s28;
	[sflag:s16] =	ssyncset.done $0x0;
	s25 =	sadd.s32 $0x100, s25  }
0x61: {  	p1 =	sne.s32 s28, $0x0;
	[sflag:s16] =	ssyncadd.s32 $0xFFFFF000  }
0x62: {  	[tilespmem:s21], [sflag:$0x2] =	stream.indirect.gather [hbm4b:s5+s8], $0x20, s29, s8, $0xb8;
	[tilespmem:$0xEE40] =	vst v63  }
0x63: {  	_ =	swait.ge [sflag:s22], $0x1000  }
0x64: {  	[sflag:s22] =	ssyncset.done $0x0  }
0x65: {  	[sflag:s22] =	ssyncadd.s32 $0xFFFFF000  }
0x66: {  	[spmem:s1] =	stream.indirect.scatter.add.bf16 [tilespmem:s20], [sflag:$0x3], $0x20, s25, s8, $0xb8;
	[tilespmem:$0xEE40] =	vst v63  }
0x67: {  	p2 =	sge.u32 s30, s7;
	_ =	swait.ge [sflag:s16], $0x1000  }
0x68: {  	s0 =	sadd.s32 @!p2 $0x80, s29;
	s3 =	simm.s32 @!p2 $0x80;
	[sflag:s16] =	ssyncset.done $0x0  }
0x69: {  	s31 =	simm.s32 @!p2 $0x8000;
	[sflag:s16] =	ssyncadd.s32 $0xFFFFF000  }
0x6a: {  	[tilespmem:s31], [sflag:$0x1] =	stream.indirect.gather @!p2 [hbm4b:s5+s3], $0x20, s0, s3, $0xb8;
	[tilespmem:$0xEE40] =	vst v63  }
.Ltmp3:
0x6b: {  	_ =	swait.ge [sflag:s23], $0x1000;
	(pc) =	sbr.rel @p1 .LBB2_4-.Ltmp3, $4  }
0x6c: {  	s0 =	sadd.s32 $0x80, s25;
	[sflag:s23] =	ssyncset.done $0x0  }
0x6d: {  	[sflag:s23] =	ssyncadd.s32 $0xFFFFF000  }
0x6e: {  	[spmem:s1] =	stream.indirect.scatter.add.bf16 [tilespmem:s21], [sflag:$0x3], $0x20, s0, s8, $0xb8;
	[tilespmem:$0xEE40] =	vst v63  }
0x6f: {  	s30 =	sadd.s32 $0x2, s30;
	s29 =	sadd.s32 $0x100, s29;
	_ =	swait.ge [sflag:s16], $0x1000  }
.LBB2_5:
0x70: {  	[sflag:s16] =	ssyncset.done $0x0;
	s24 =	sadd.s32 $0x1, s24  }
0x71: {  	[sflag:s16] =	ssyncadd.s32 $0xFFFFF000;
	p1 =	sne.s32 s24, s15  }
.Ltmp4:
0x72: {  	s0 =	simm.s32 @!p0 $0x3;
	[bflag:$0x0] =	sbarrier.arrive $0xFFFF;
	(pc) =	sbr.rel @p1 .LBB2_1-.Ltmp4, $4  }
0x73: {  	[hbm:s14], [sflag:s18] =	dma.local @!p0 [spmem:s26], $0xFA0  }
0x74: {  	_ =	swait.ge @!p0 [sflag:s0], $0xFA0  }
0x75: {  	[sflag:s0] =	ssyncset.done @!p0 $0x0  }
0x76: {  	[sflag:s0] =	ssyncadd.s32 @!p0 $0xFFFFF060  }
0x77: {  	_ =	sfence.sel $0x180000  }
0x78: {  	[bflag:$0x0] =	sbarrier.arrive $0xFFFF  }
0x79: {  	_ =	strace $0x9000004A  }
0x7a: {  	s0 =	stileid.u32;
	[bflag:$0x2] =	sbarrier.arrive $0xFFFF  }
0x7b: {  	p0 =	sne.s32 s0, $0x0;
	s0 =	rddreg [dreg:$0x2]  }
0x7c: {  	s0 =	sadd.s32 @!p0 $0x100000, s0  }
0x7d: {  	[sflag:s0] =	ssyncadd.tile.s32 @!p0 $0x1;
	_ =	shalt  }
.Lfunc_end2:
_tile_overlayer_lowered:
.L_overlay_start_2:
0x7e: {  	(tag) =	ssettag $0x2  }
0x7f: {  	s0 =	rddreg [dreg:$0x0];
	s2 =	stileid.u32  }
0x80: {  	s1 =	rddreg [dreg:$0x1];
	p0 =	sne.s32 s2, $0x0  }
0x81: {  	s3 =	rddreg [dreg:$0x2];
	[bflag:$0x3] =	sbarrier.arrive $0xFFFF;
	s2 =	simm.s32 @!p0 $0x1C03  }
0x82: {  	[timem:s3], [sflag:s2] =	dma.local @!p0 [hbm:s0], s1  }
0x83: {  	s0 =	simm.s32 @!p0 $0x3  }
0x84: {  	_ =	swait.ge @!p0 [sflag:s0], s1  }
0x85: {  	s1 =	ssub.s32 @!p0 $0x0, s1;
	[sflag:s0] =	ssyncset.done @!p0 $0x0  }
0x86: {  	[sflag:s0] =	ssyncadd.s32 @!p0 s1  }
0x87: {  	[bflag:$0x3] =	sbarrier.arrive $0xFFFF  }
0x88: {  	_ =	shalt  }

// kernel: kernel.7.cloned.1.call-start
scs
__scs_entry_jumppad:
0x0: {  	(pc) =	sbr.rel $0x88, $3  }
0x1: {  	(tag) =	ssettag $0x0;
	lr =	simm.s32 $0x1  }
0x2: {  	[smem:$0x3F8F] =	sst lr;
	_ =	strace $0xD0000000  }
0x3: {  	_ = 	snop  }
0x4: {  	_ = 	snop  }
0x5: {  	_ = 	snop  }
0x6: {  	_ = 	snop  }
0x7: {  	_ = 	snop  }
__scs_overlays_trampoline_lowered:
0x8: {  	[smem:$0x3F9E] =	sst s0  }
0x9: {  	[smem:$0x3F9F] =	sst s1  }
0xa: {  	[smem:$0x3FA0] =	sst s2  }
0xb: {  	[smem:$0x3FA1] =	sst s3  }
0xc: {  	[smem:$0x3FA2] =	sst s4  }
0xd: {  	[smem:$0x3FA3] =	sst s5  }
0xe: {  	[smem:$0x3FA4] =	sst s6  }
0xf: {  	[smem:$0x3FA5] =	sst s7  }
0x10: {  	[smem:$0x3FA6] =	sst s8  }
0x11: {  	[smem:$0x3FA7] =	sst s9;
	s0 =	simm.s32 @!p0 $0x0  }
0x12: {  	s1 =	sld [smem:$0x3F8D];
	s0 =	simm.s32 @p0 $0x1  }
0x13: {  	[smem:$0x3FA8] =	sst s0;
	s0 =	simm.s32 @!p1 $0x0  }
0x14: {  	s2 =	sld [smem:$0x3F8C];
	s0 =	simm.s32 @p1 $0x1  }
0x15: {  	[smem:$0x3FA9] =	sst s0;
	s0 =	simm.s32 @!p2 $0x0  }
0x16: {  	s3 =	sld [smem:$0x3FDB];
	s0 =	simm.s32 @p2 $0x1  }
0x17: {  	s4 =	simm.s32 $0x1BF5;
	[smem:$0x3FAB] =	sst s0  }
0x18: {  	s0 =	sld [smem:$0x3F8E];
	_ =	swait.ge [sflag:s4], $0x0  }
0x19: {  	s7 =	sld [smem:$0x3F8F]  }
0x1a: {  	s8 =	sadd.s32 $0xFFFFE003, lr  }
0x1b: {  	s9 =	sadd.s32 $0xFFFFFEF7, lr;
	s5 =	simm.s32 $0xFFFFFFFF;
	p2 =	slt.u32 s8, $0xFFFFF086  }
0x1c: {  	p1 =	slt.u32 s9, $0xF7A;
	s5 =	simm.s32 @!p2 $0x0  }
0x1d: {  	s5 =	simm.s32 @p1 $0x1;
	p0 =	seq.s32 s7, s2  }
0x1e: {  	s7 =	smul.u32 @!p0 $0xF7A, s2;
	p2 =	seq.s32 @!p0 s5, $0x0  }
0x1f: {  	s9 =	smul.u32 $0xF7A, s1;
	s8 =	simm.s32 @!p0 $0x1BF5;
	p2 =	por !p2, p0  }
0x20: {  	[sflag:s8] =	ssyncset.s32 @!p0 $0xFFFFF086;
	s6 =	sadd.s32 @!p0 s3, s7;
	s7 =	simm.s32 @!p0 $0x108  }
0x21: {  	s3 =	sadd.s32 s3, s9;
	s6 =	sadd.s32 @!p0 $0x88, s6;
	s7 =	simm.s32 @p2 $0x1082  }
0x22: {  	[simem:s7], [sflag:s8] =	dma.local @!p0 [hbm:s6], $0xF7A  }
0x23: {  	s9 =	sor.u32 $0xD0000000, s2;
	s6 =	simm.s32 $0x108;
	_ =	swait.ge @!p0 [sflag:s8], $0x0  }
0x24: {  	s3 =	sadd.s32 $0x88, s3;
	s6 =	simm.s32 @!p1 $0x1082;
	[sflag:s4] =	ssyncset.s32 $0xFFFFF086  }
0x25: {  	[simem:s6], [sflag:s4] =	dma.local [hbm:s3], $0xF7A  }
0x26: {  	[smem:$0x3F8F] =	sst s1;
	(tag) =	ssettag s2;
	_ =	strace s9  }
0x27: {  	s1 =	sld [smem:$0x3F9F]  }
0x28: {  	s2 =	sld [smem:$0x3FA0]  }
0x29: {  	s4 =	sld [smem:$0x3FA2]  }
0x2a: {  	p0 =	seq.s32 s5, $0x0;
	s5 =	sld [smem:$0x3FA3]  }
0x2b: {  	s6 =	sld [smem:$0x3FA4]  }
0x2c: {  	s7 =	sld [smem:$0x3FA5]  }
0x2d: {  	s3 =	simm.s32 $0x108;
	s8 =	sld [smem:$0x3FA6]  }
0x2e: {  	s3 =	simm.s32 @!p0 $0x1082;
	s9 =	sld [smem:$0x3FA7]  }
0x2f: {  	lr =	sadd.s32 s0, s3;
	s0 =	sld [smem:$0x3F9E]  }
0x30: {  	s3 =	sld [smem:$0x3FA1]  }
0x31: {  	[smem:$0x3FAA] =	sst s10  }
0x32: {  	s10 =	sld [smem:$0x3FA8];
	_ =	sdelay $0x3  }
0x33: {  	p0 =	seq.s32 s10, $0x1;
	s10 =	sld [smem:$0x3FAA];
	_ =	sdelay $0x3  }
0x34: {  	[smem:$0x3FAA] =	sst s10  }
0x35: {  	s10 =	sld [smem:$0x3FA9];
	_ =	sdelay $0x3  }
0x36: {  	p1 =	seq.s32 s10, $0x1;
	s10 =	sld [smem:$0x3FAA];
	_ =	sdelay $0x3  }
0x37: {  	[smem:$0x3FAA] =	sst s10  }
0x38: {  	s10 =	sld [smem:$0x3FAB]  }
0x39: {  	_ = 	snop;
	(pc) =	sbr.ind lr, $3  }
0x3a: {  	_ = 	snop  }
0x3b: {  	_ = 	snop  }
0x3c: {  	p2 =	seq.s32 s10, $0x1;
	s10 =	sld [smem:$0x3FAA]  }
0x3d: {  	_ =	shalt  }
0x3e: {  	_ =	shalt  }
0x3f: {  	_ =	shalt  }
0x40: {  	_ =	shalt  }
0x41: {  	_ =	shalt  }
0x42: {  	_ =	shalt  }
0x43: {  	_ =	shalt  }
0x44: {  	_ =	shalt  }
0x45: {  	_ =	shalt  }
0x46: {  	_ =	shalt  }
0x47: {  	_ =	shalt  }
0x48: {  	_ =	shalt  }
0x49: {  	_ =	shalt  }
0x4a: {  	_ =	shalt  }
0x4b: {  	_ =	shalt  }
0x4c: {  	_ =	shalt  }
0x4d: {  	_ =	shalt  }
0x4e: {  	_ =	shalt  }
0x4f: {  	_ =	shalt  }
0x50: {  	_ =	shalt  }
0x51: {  	_ =	shalt  }
0x52: {  	_ =	shalt  }
0x53: {  	_ =	shalt  }
0x54: {  	_ =	shalt  }
0x55: {  	_ =	shalt  }
0x56: {  	_ =	shalt  }
0x57: {  	_ =	shalt  }
0x58: {  	_ =	shalt  }
0x59: {  	_ =	shalt  }
0x5a: {  	_ =	shalt  }
0x5b: {  	_ =	shalt  }
0x5c: {  	_ =	shalt  }
0x5d: {  	_ =	shalt  }
0x5e: {  	_ =	shalt  }
0x5f: {  	_ =	shalt  }
0x60: {  	_ =	shalt  }
0x61: {  	_ =	shalt  }
0x62: {  	_ =	shalt  }
0x63: {  	_ =	shalt  }
0x64: {  	_ =	shalt  }
0x65: {  	_ =	shalt  }
0x66: {  	_ =	shalt  }
0x67: {  	_ =	shalt  }
0x68: {  	_ =	shalt  }
0x69: {  	_ =	shalt  }
0x6a: {  	_ =	shalt  }
0x6b: {  	_ =	shalt  }
0x6c: {  	_ =	shalt  }
0x6d: {  	_ =	shalt  }
0x6e: {  	_ =	shalt  }
0x6f: {  	_ =	shalt  }
0x70: {  	_ =	shalt  }
0x71: {  	_ =	shalt  }
0x72: {  	_ =	shalt  }
0x73: {  	_ =	shalt  }
0x74: {  	_ =	shalt  }
0x75: {  	_ =	shalt  }
0x76: {  	_ =	shalt  }
0x77: {  	_ =	shalt  }
0x78: {  	_ =	shalt  }
0x79: {  	_ =	shalt  }
0x7a: {  	_ =	shalt  }
0x7b: {  	_ =	shalt  }
0x7c: {  	_ =	shalt  }
0x7d: {  	_ =	shalt  }
0x7e: {  	_ =	shalt  }
0x7f: {  	_ =	shalt  }
0x80: {  	_ =	shalt  }
0x81: {  	_ =	shalt  }
0x82: {  	_ =	shalt  }
0x83: {  	_ =	shalt  }
0x84: {  	_ =	shalt  }
0x85: {  	_ =	shalt  }
0x86: {  	_ =	shalt  }
0x87: {  	_ =	shalt  }
.Lfunc_end0:
.L_simem_size_0:
called_computation_lowered:
.L_overlay_start_0:
0x88: {  	s2 =	sld [smem:$0x3FD9]  }
0x89: {  	s3 =	sld [smem:$0x3FFE];
	_ =	sdelay $0x1  }
0x8a: {  	s1 =	srdreg.scid  }
0x8b: {  	s0 =	sand.u32 $0x1, s1  }
0x8c: {  	s16 =	sshll.u32 s0, $0xA;
	s2 =	sadd.s32 s3, s2  }
0x8d: {  	s2 =	sadd.s32 s2, s16  }
0x8e: {  	[smem:$0x3FB6] =	sst s2  }
0x8f: {  	_ = 	snop  }
0x90: {  	(tm) =	ssettm $0x1  }
0x91: {  	s17 =	sld [smem:$0x3FFB];
	_ =	sdelay $0x3  }
0x92: {  	_ =	strace s17  }
0x93: {  	s2 =	sld [smem:$0x3FFC];
	_ =	sdelay $0x3  }
0x94: {  	_ =	strace s2  }
0x95: {  	s2 =	sld [smem:$0x3FFD];
	_ =	sdelay $0x3  }
0x96: {  	_ =	strace s2  }
0x97: {  	_ =	strace $0x8FFFFFFF  }
0x98: {  	s18 =	sld [smem:$0x3FDB];
	_ =	sdelay $0x1  }
0x99: {  	s19 =	simm.s32 $_scs_section_size  }
0x9a: {  	s4 =	simm.s32 $_size__tile_overlayer_lowered;
	s5 =	simm.s32 $_tile_overlayer_lowered  }
0x9b: {  	s22 =	simm.s32 $0x1BFF;
	s21 =	sshll.u32 s5, $0x1;
	s2 =	sadd.s32 s19, s18  }
0x9c: {  	s6 =	simm.s32 $0x0;
	s20 =	sshll.u32 s4, $0x1;
	s4 =	sadd.s32 s21, s2  }
0x9d: {  	[timem:s6], [sflag:s22] =	dma.local [hbm:s4], s20  }
0x9e: {  	_ =	swait.ge [sflag:s22], s20  }
0x9f: {  	s3 =	ssub.s32 $0x0, s20;
	[sflag:s22] =	ssyncset.done $0x0  }
0xa0: {  	[sflag:s22] =	ssyncadd.s32 s3;
	_ =	sdelay $0x1  }
0xa1: {  	s23 =	simm.s32 $0x1B8B  }
0xa2: {  	_ =	swait.ge [sflag:s23], $0x1  }
0xa3: {  	[sflag:s23] =	ssyncset.done $0x0  }
0xa4: {  	s25 =	simm.s32 $0x1B8E;
	s24 =	sld [smem:$0x3FFE];
	[sflag:s23] =	ssyncadd.s32 $0xFFFFFFFF  }
0xa5: {  	s26 =	simm.s32 $execute0_lowered;
	[smem:$0x3FD2] =	sst s25  }
0xa6: {  	s4 =	sshll.u32 s26, $0x1;
	_ =	strace $0x80000046;
	[dreg:$0x1] =	wrdreg $0xFFFFFFFF  }
0xa7: {  	s28 =	simm.s32 $_size_execute0_lowered;
	s2 =	sadd.s32 s2, s4;
	[dreg:$0x0] =	wrdreg $0x0  }
0xa8: {  	s4 =	sshll.u32 s28, $0x1;
	[dreg:$0x2] =	wrdreg s2  }
0xa9: {  	[dreg:$0x3] =	wrdreg s4  }
0xaa: {  	[dreg:$0x4] =	wrdreg $0xC0  }
0xab: {  	_ =	task [dreg:s6], $0x5FFFF  }
0xac: {  	[dreg:$0x1] =	wrdreg $0xFFFFFFFF  }
0xad: {  	[dreg:$0x0] =	wrdreg $0x60  }
0xae: {  	[dreg:$0x2] =	wrdreg s24  }
0xaf: {  	[dreg:$0x3] =	wrdreg $0xA0800  }
0xb0: {  	[dreg:$0x4] =	wrdreg $0xEEC00  }
0xb1: {  	[dreg:$0x5] =	wrdreg $0x9  }
0xb2: {  	_ =	task.clear_ibuf [dreg:s6], $0x6FFFF;
	_ =	strace $0x90000046  }
0xb3: {  	s29 =	simm.s32 $0x9;
	_ =	strace $0x80000048  }
0xb4: {  	_ =	swait.ge [sflag:s29], $0x1  }
0xb5: {  	[sflag:s29] =	ssyncadd.s32 $0xFFFFFFFF  }
0xb6: {  	_ =	strace $0x90000048  }
0xb7: {  	_ =	sfence  }
0xb8: {  	s30 =	sld [smem:$0x0];
	_ =	sdelay $0x2  }
0xb9: {  	s31 =	sshll.u32 s1, $0xD;
	s1 =	sshrl.u32 s1, $0x2  }
0xba: {  	s3 =	sand.u32 $0x4000, s31;
	s1 =	sadd.s32 s1, s30  }
0xbb: {  	s0 =	sor.u32 s3, s0;
	s1 =	sshll.u32 s1, $0x11  }
0xbc: {  	s0 =	sor.u32 s1, s0  }
0xbd: {  	s0 =	sadd.s32 $0x8F2B, s0  }
0xbe: {  	[sflag:s0] =	ssyncadd.remote.s32 $0x1  }
0xbf: {  	_ =	sfence.sel $0xFFFF  }
0xc0: {  	[dreg:$0x0] =	wrdreg $0xFFFFFFFF;
	(pc) =	sbr.abs _section_cstart, $3  }
0xc1: {  	[dreg:$0x1] =	wrdreg $0xFFFFFFFF  }
0xc2: {  	_ =	task.clear_ibuf [dreg:s6], $0x2FFFF;
	_ =	strace $0x9FFFFFFF  }
0xc3: {  	(tm) =	ssettm $0x7FFFFFFF  }
tec
execute0_lowered:
.L_overlay_start_1:
0x0: {  	(tag) =	ssettag $0x1  }
0x1: {  	s0 =	rddreg [dreg:$0x0]  }
0x2: {  	s1 =	rddreg [dreg:$0x1]  }
0x3: {  	s2 =	rddreg [dreg:$0x2]  }
0x4: {  	s3 =	simm.s32 $0x0;
	s4 =	srdreg.scid;
	s18 =	stileid.u32  }
0x5: {  	s11 =	simm.s32 $0x40;
	s28 =	simm.s32 $0x1;
	s29 =	simm.s32 $0xA000  }
0x6: {  	s30 =	simm.s32 $0x2;
	s31 =	simm.s32 $0x0;
	s12 =	smul.u32 $0xFA00, s18  }
0x7: {  	[smem:$0x7FF] =	sst s3;
	s4 =	sand.u32 $0x1, s4;
	s13 =	smul.u32 $0x3E8, s18  }
0x8: {  	s5 =	sshll.u32 s18, $0x9;
	s6 =	sshll.u32 s18, $0xB;
	s16 =	smul.u32 $0x1F400, s18  }
0x9: {  	s8 =	sadd.s32 $0x53A00, s0;
	s17 =	smul.u32 $0xFA0, s18;
	_ =	strace $0x80000047  }
0xa: {  	s9 =	smul.u32 $0x9C400, s4;
	p0 =	seq.s32 s4, $0x0;
	s7 =	sor.u32 $0x8000, s5  }
0xb: {  	s5 =	sadd.s32 $0x3FE00, s0;
	s10 =	smul.u32 $0x4E20, s4;
	s4 =	ssub.s32 $0x2, s4  }
0xc: {  	s7 =	smov.u32 @p0 s6;
	s6 =	sadd.s32 $0x49C00, s0;
	s20 =	sshrl.u32 s4, $0x1  }
0xd: {  	s11 =	simm.s32 @!p0 $0x10;
	s21 =	sshrl.u32 s16, $0x2;
	s22 =	sshrl.u32 s17, $0x2  }
0xe: {  	s25 =	sadd.s32 s13, s2;
	s14 =	sadd.s32 s7, s0;
	s7 =	sadd.s32 $0x3400, s0  }
0xf: {  	s9 =	sadd.s32 s12, s9;
	s10 =	sadd.s32 s13, s10;
	s4 =	ssub.s32 s4, s20  }
0x10: {  	s16 =	sadd.s32 s22, s2;
	s12 =	sshrl.u32 s12, $0x1;
	[dreg:$0x9] =	wrdreg s25  }
0x11: {  	s22 =	simm.s32 $0x4000;
	s25 =	simm.s32 $0x8000;
	s9 =	sshrl.u32 s9, $0x4  }
0x12: {  	s10 =	sshrl.u32 s10, $0x3;
	s19 =	sadd.s32 $0xE800, s14;
	s14 =	sadd.s32 $0x4400, s14  }
0x13: {  	s12 =	sadd.s32 s12, s1;
	s20 =	smax.u32 s4, $0x1;
	[dreg:$0x4] =	wrdreg s19  }
0x14: {  	s15 =	sadd.s32 s9, s0;
	s0 =	sadd.s32 s10, s0;
	[dreg:$0x5] =	wrdreg s14  }
0x15: {  	s9 =	simm.s32 $0x80;
	[dreg:$0x7] =	wrdreg s12;
	s23 =	sadd.s32 $0x53C00, s15  }
0x16: {  	s10 =	simm.s32 $0x80;
	s24 =	sadd.s32 $0x7B000, s0;
	[dreg:$0x6] =	wrdreg s23  }
0x17: {  	s14 =	sadd.s32 s21, s1;
	s26 =	sadd.s32 $0x67600, s15;
	[dreg:$0x8] =	wrdreg s24  }
0x18: {  	s21 =	simm.s32 $0x3;
	s0 =	sadd.s32 $0x7B4E2, s0;
	[dreg:$0xa] =	wrdreg s26  }
0x19: {  	s10 =	simm.s32 @!p0 $0x20;
	p0 =	sgt.u32 s18, $0x9;
	[dreg:$0xb] =	wrdreg s0  }
0x1a: {  	v0 =	vimm.f32 $1.000000000e+00;
	s23 =	sshrl.u32 @!p0 s14, $0x3;
	s24 =	sshrl.u32 @!p0 s16, $0x3;
	s26 =	simm.s32 $0x9000  }
.LBB2_1:
0x1b: {  	[tilespmem:$0xA000] =	vst v0  }
0x1c: {  	[tilespmem:$0xA010] =	vst v0  }
0x1d: {  	[tilespmem:$0xA020] =	vst v0  }
0x1e: {  	[tilespmem:$0xA030] =	vst v0  }
0x1f: {  	[tilespmem:$0xA040] =	vst v0  }
0x20: {  	[tilespmem:$0xA050] =	vst v0  }
0x21: {  	[tilespmem:$0xA060] =	vst v0  }
0x22: {  	[tilespmem:$0xA070] =	vst v0;
	s0 =	rddreg [dreg:$0x4]  }
0x23: {  	[tilespmem:s3], [sflag:$0x3] =	stream.linear.gather [hbm4b:s0+s3], $0x4000, $0x38;
	[tilespmem:$0xF138] =	vst v63  }
0x24: {  	_ =	swait.ge [sflag:s21], $0x4000  }
0x25: {  	[sflag:s21] =	ssyncset.done $0x0  }
0x26: {  	s18 =	rddreg [dreg:$0x5];
	[sflag:s21] =	ssyncadd.s32 $0xFFFFC000  }
0x27: {  	[tilespmem:s22], [sflag:$0x3] =	stream.linear.gather [hbm4b:s18+s3], $0x4000, $0x38;
	[tilespmem:$0xF138] =	vst v63  }
0x28: {  	s0 =	stileid.u32;
	_ =	swait.ge [sflag:s21], $0x4000  }
0x29: {  	s0 =	sshll.u32 @!p0 s0, $0x6;
	[sflag:s21] =	ssyncset.done $0x0  }
0x2a: {  	s4 =	simm.s32 @!p0 $0x3;
	s0 =	sor.u32 @!p0 $0x1C03, s0;
	[sflag:s21] =	ssyncadd.s32 $0xFFFFC000  }
0x2b: {  	[spmem:s23], [sflag:s0] =	dma.local @!p0 [hbm:s7], $0xFA0  }
0x2c: {  	_ =	swait.ge @!p0 [sflag:s4], $0xFA0  }
0x2d: {  	[sflag:s4] =	ssyncset.done @!p0 $0x0  }
0x2e: {  	[sflag:s4] =	ssyncadd.s32 @!p0 $0xFFFFF060  }
0x2f: {  	[spmem:s24], [sflag:s0] =	dma.local @!p0 [hbm:s8], $0x7D  }
0x30: {  	_ =	swait.ge @!p0 [sflag:s4], $0x7D  }
0x31: {  	[sflag:s4] =	ssyncset.done @!p0 $0x0  }
0x32: {  	[sflag:s4] =	ssyncadd.s32 @!p0 $0xFFFFFF83  }
0x33: {  	[bflag:$0x0] =	sbarrier.arrive $0xFFFF  }
0x34: {  	[tilespmem:s25], [sflag:$0x1] =	stream.indirect.gather [hbm4b:s5+s9], $0x20, s3, s9, $0xb8;
	[tilespmem:$0xF138] =	vst v63  }
0x35: {  	_ = 	snop  }
0x36: {  	[tilespmem:s26], [sflag:$0x2] =	stream.indirect.gather [hbm4b:s5+s9], $0x20, s9, s9, $0xb8;
	[tilespmem:$0xF138] =	vst v63  }
0x37: {  	_ =	swait.ge [sflag:s28], $0x1000  }
0x38: {  	[sflag:s28] =	ssyncset.done $0x0  }
0x39: {  	[sflag:s28] =	ssyncadd.s32 $0xFFFFF000  }
0x3a: {  	[spmem:s1] =	stream.indirect.scatter.add.bf16 [tilespmem:s25], [sflag:$0x3], $0x20, s22, s9, $0xb8;
	[tilespmem:$0xF138] =	vst v63  }
0x3b: {  	_ =	swait.ge [sflag:s21], $0x1000  }
0x3c: {  	[sflag:s21] =	ssyncset.done $0x0  }
0x3d: {  	[sflag:s21] =	ssyncadd.s32 $0xFFFFF000  }
0x3e: {  	[spmem:s2] =	stream.indirect.scatter.add.f32 [tilespmem:s29], [sflag:$0x3], $0x1, s22, s9, $0xb8;
	[tilespmem:$0xF138] =	vst v63  }
0x3f: {  	p1 =	sle.u32 s10, $0x2;
	_ =	swait.ge [sflag:s21], $0x80  }
0x40: {  	s12 =	simm.s32 @!p1 $0x100;
	[sflag:s21] =	ssyncset.done $0x0  }
0x41: {  	s13 =	simm.s32 @!p1 $0x80;
	s14 =	simm.s32 @!p1 $0x8000;
	[sflag:s21] =	ssyncadd.s32 $0xFFFFFF80  }
0x42: {  	[tilespmem:s14], [sflag:$0x1] =	stream.indirect.gather @!p1 [hbm4b:s5+s13], $0x20, s12, s13, $0xb8;
	[tilespmem:$0xF138] =	vst v63  }
0x43: {  	_ =	swait.ge [sflag:s30], $0x1000  }
0x44: {  	s12 =	sadd.s32 $0xFFFFFFFF, s11;
	[sflag:s30] =	ssyncset.done $0x0  }
0x45: {  	s19 =	simm.s32 $0x4080;
	p1 =	sne.s32 s12, $0x0;
	[sflag:s30] =	ssyncadd.s32 $0xFFFFF000  }
0x46: {  	[spmem:s1] =	stream.indirect.scatter.add.bf16 [tilespmem:s26], [sflag:$0x3], $0x20, s19, s9, $0xb8;
	[tilespmem:$0xF138] =	vst v63  }
.Ltmp0:
0x47: {  	_ =	swait.ge [sflag:s21], $0x1000;
	(pc) =	sbr.rel @!p1 .LBB2_3-.Ltmp0, $4  }
0x48: {  	[sflag:s21] =	ssyncset.done $0x0  }
0x49: {  	s15 =	simm.s32 $0x4000;
	[sflag:s21] =	ssyncadd.s32 $0xFFFFF000  }
0x4a: {  	[spmem:s2] =	stream.indirect.scatter.add.f32 [tilespmem:s29], [sflag:$0x3], $0x1, s19, s9, $0xb8;
	[tilespmem:$0xF138] =	vst v63  }
0x4b: {  	s13 =	simm.s32 $0x180;
	s14 =	simm.s32 $0x4;
	_ =	swait.ge [sflag:s21], $0x80  }
.LBB2_2:
0x4c: {  	s12 =	sadd.s32 $0xFFFFFFFF, s12;
	[sflag:s21] =	ssyncset.done $0x0;
	s15 =	sadd.s32 $0x100, s15  }
0x4d: {  	p1 =	sne.s32 s12, $0x0;
	[sflag:s21] =	ssyncadd.s32 $0xFFFFFF80  }
0x4e: {  	[tilespmem:s26], [sflag:$0x2] =	stream.indirect.gather [hbm4b:s5+s9], $0x20, s13, s9, $0xb8;
	[tilespmem:$0xF138] =	vst v63  }
0x4f: {  	_ =	swait.ge [sflag:s28], $0x1000  }
0x50: {  	[sflag:s28] =	ssyncset.done $0x0  }
0x51: {  	[sflag:s28] =	ssyncadd.s32 $0xFFFFF000  }
0x52: {  	[spmem:s1] =	stream.indirect.scatter.add.bf16 [tilespmem:s25], [sflag:$0x3], $0x20, s15, s9, $0xb8;
	[tilespmem:$0xF138] =	vst v63  }
0x53: {  	_ =	swait.ge [sflag:s21], $0x1000  }
0x54: {  	[sflag:s21] =	ssyncset.done $0x0  }
0x55: {  	[sflag:s21] =	ssyncadd.s32 $0xFFFFF000  }
0x56: {  	[spmem:s2] =	stream.indirect.scatter.add.f32 [tilespmem:s29], [sflag:$0x3], $0x1, s15, s9, $0xb8;
	[tilespmem:$0xF138] =	vst v63  }
0x57: {  	p2 =	sge.u32 s14, s10;
	_ =	swait.ge [sflag:s21], $0x80  }
0x58: {  	s16 =	sadd.s32 @!p2 $0x80, s13;
	s17 =	simm.s32 @!p2 $0x80;
	[sflag:s21] =	ssyncset.done $0x0  }
0x59: {  	s18 =	simm.s32 @!p2 $0x8000;
	[sflag:s21] =	ssyncadd.s32 $0xFFFFFF80  }
0x5a: {  	[tilespmem:s18], [sflag:$0x1] =	stream.indirect.gather @!p2 [hbm4b:s5+s17], $0x20, s16, s17, $0xb8;
	[tilespmem:$0xF138] =	vst v63  }
0x5b: {  	_ =	swait.ge [sflag:s30], $0x1000  }
0x5c: {  	s16 =	sadd.s32 $0x80, s15;
	[sflag:s30] =	ssyncset.done $0x0  }
0x5d: {  	[sflag:s30] =	ssyncadd.s32 $0xFFFFF000  }
0x5e: {  	[spmem:s1] =	stream.indirect.scatter.add.bf16 [tilespmem:s26], [sflag:$0x3], $0x20, s16, s9, $0xb8;
	[tilespmem:$0xF138] =	vst v63  }
.Ltmp1:
0x5f: {  	_ =	swait.ge [sflag:s21], $0x1000;
	(pc) =	sbr.rel @p1 .LBB2_2-.Ltmp1, $4  }
0x60: {  	[sflag:s21] =	ssyncset.done $0x0  }
0x61: {  	[sflag:s21] =	ssyncadd.s32 $0xFFFFF000  }
0x62: {  	[spmem:s2] =	stream.indirect.scatter.add.f32 [tilespmem:s29], [sflag:$0x3], $0x1, s16, s9, $0xb8;
	[tilespmem:$0xF138] =	vst v63  }
0x63: {  	s14 =	sadd.s32 $0x2, s14;
	s13 =	sadd.s32 $0x100, s13;
	_ =	swait.ge [sflag:s21], $0x80  }
.LBB2_3:
0x64: {  	[sflag:s21] =	ssyncset.done $0x0  }
0x65: {  	[sflag:s21] =	ssyncadd.s32 $0xFFFFFF80  }
0x66: {  	[bflag:$0x0] =	sbarrier.arrive $0xFFFF  }
0x67: {  	s12 =	rddreg [dreg:$0x7]  }
0x68: {  	s13 =	rddreg [dreg:$0x6];
	s12 =	sshrl.u32 @!p0 s12, $0x3  }
0x69: {  	[hbm:s13], [sflag:s0] =	dma.local @!p0 [spmem:s12], $0xFA0  }
0x6a: {  	_ =	swait.ge @!p0 [sflag:s4], $0xFA0  }
0x6b: {  	[sflag:s4] =	ssyncset.done @!p0 $0x0;
	s13 =	rddreg [dreg:$0x9]  }
0x6c: {  	s14 =	rddreg [dreg:$0x8];
	[sflag:s4] =	ssyncadd.s32 @!p0 $0xFFFFF060;
	s13 =	sshrl.u32 @!p0 s13, $0x3  }
0x6d: {  	[hbm:s14], [sflag:s0] =	dma.local @!p0 [spmem:s13], $0x7D  }
0x6e: {  	_ =	swait.ge @!p0 [sflag:s4], $0x7D  }
0x6f: {  	[sflag:s4] =	ssyncset.done @!p0 $0x0  }
0x70: {  	[sflag:s4] =	ssyncadd.s32 @!p0 $0xFFFFFF83  }
0x71: {  	[spmem:s12], [sflag:s0] =	dma.local @!p0 [hbm:s7], $0xFA0  }
0x72: {  	_ =	swait.ge @!p0 [sflag:s4], $0xFA0  }
0x73: {  	[sflag:s4] =	ssyncset.done @!p0 $0x0  }
0x74: {  	[sflag:s4] =	ssyncadd.s32 @!p0 $0xFFFFF060  }
0x75: {  	[spmem:s13], [sflag:s0] =	dma.local @!p0 [hbm:s8], $0x7D  }
0x76: {  	_ =	swait.ge @!p0 [sflag:s4], $0x7D  }
0x77: {  	[sflag:s4] =	ssyncset.done @!p0 $0x0  }
0x78: {  	[sflag:s4] =	ssyncadd.s32 @!p0 $0xFFFFFF83  }
0x79: {  	[bflag:$0x0] =	sbarrier.arrive $0xFFFF  }
0x7a: {  	[tilespmem:s25], [sflag:$0x1] =	stream.indirect.gather [hbm4b:s6+s9], $0x20, s22, s9, $0xb8;
	[tilespmem:$0xF138] =	vst v63  }
0x7b: {  	s18 =	simm.s32 $0x4080  }
0x7c: {  	[tilespmem:s26], [sflag:$0x2] =	stream.indirect.gather [hbm4b:s6+s9], $0x20, s18, s9, $0xb8;
	[tilespmem:$0xF138] =	vst v63  }
0x7d: {  	_ =	swait.ge [sflag:s28], $0x1000  }
0x7e: {  	[sflag:s28] =	ssyncset.done $0x0  }
0x7f: {  	s4 =	simm.s32 $0x0;
	[sflag:s28] =	ssyncadd.s32 $0xFFFFF000  }
0x80: {  	[spmem:s1] =	stream.indirect.scatter.add.bf16 [tilespmem:s25], [sflag:$0x3], $0x20, s4, s9, $0xb8;
	[tilespmem:$0xF138] =	vst v63  }
0x81: {  	_ =	swait.ge [sflag:s21], $0x1000  }
0x82: {  	[sflag:s21] =	ssyncset.done $0x0  }
0x83: {  	[sflag:s21] =	ssyncadd.s32 $0xFFFFF000  }
0x84: {  	[spmem:s2] =	stream.indirect.scatter.add.f32 [tilespmem:s29], [sflag:$0x3], $0x1, s4, s9, $0xb8;
	[tilespmem:$0xF138] =	vst v63  }
0x85: {  	p1 =	sle.u32 s10, $0x2;
	_ =	swait.ge [sflag:s21], $0x80  }
0x86: {  	s15 =	simm.s32 @!p1 $0x80;
	[sflag:s21] =	ssyncset.done $0x0  }
0x87: {  	s16 =	simm.s32 @!p1 $0x8000;
	s14 =	simm.s32 @!p1 $0x4100;
	[sflag:s21] =	ssyncadd.s32 $0xFFFFFF80  }
0x88: {  	[tilespmem:s16], [sflag:$0x1] =	stream.indirect.gather @!p1 [hbm4b:s6+s15], $0x20, s14, s15, $0xb8;
	[tilespmem:$0xF138] =	vst v63  }
0x89: {  	_ =	swait.ge [sflag:s30], $0x1000  }
0x8a: {  	s14 =	sadd.s32 $0xFFFFFFFF, s11;
	[sflag:s30] =	ssyncset.done $0x0  }
0x8b: {  	s19 =	simm.s32 $0x80;
	p1 =	sne.s32 s14, $0x0;
	[sflag:s30] =	ssyncadd.s32 $0xFFFFF000  }
0x8c: {  	[spmem:s1] =	stream.indirect.scatter.add.bf16 [tilespmem:s26], [sflag:$0x3], $0x20, s19, s9, $0xb8;
	[tilespmem:$0xF138] =	vst v63  }
.Ltmp2:
0x8d: {  	_ =	swait.ge [sflag:s21], $0x1000;
	(pc) =	sbr.rel @!p1 .LBB2_5-.Ltmp2, $4  }
0x8e: {  	[sflag:s21] =	ssyncset.done $0x0  }
0x8f: {  	[sflag:s21] =	ssyncadd.s32 $0xFFFFF000  }
0x90: {  	[spmem:s2] =	stream.indirect.scatter.add.f32 [tilespmem:s29], [sflag:$0x3], $0x1, s19, s9, $0xb8;
	[tilespmem:$0xF138] =	vst v63  }
0x91: {  	s15 =	simm.s32 $0x4180;
	s16 =	simm.s32 $0x4;
	_ =	swait.ge [sflag:s21], $0x80  }
.LBB2_4:
0x92: {  	s14 =	sadd.s32 $0xFFFFFFFF, s14;
	[sflag:s21] =	ssyncset.done $0x0;
	s4 =	sadd.s32 $0x100, s4  }
0x93: {  	p1 =	sne.s32 s14, $0x0;
	[sflag:s21] =	ssyncadd.s32 $0xFFFFFF80  }
0x94: {  	[tilespmem:s26], [sflag:$0x2] =	stream.indirect.gather [hbm4b:s6+s9], $0x20, s15, s9, $0xb8;
	[tilespmem:$0xF138] =	vst v63  }
0x95: {  	_ =	swait.ge [sflag:s28], $0x1000  }
0x96: {  	[sflag:s28] =	ssyncset.done $0x0  }
0x97: {  	[sflag:s28] =	ssyncadd.s32 $0xFFFFF000  }
0x98: {  	[spmem:s1] =	stream.indirect.scatter.add.bf16 [tilespmem:s25], [sflag:$0x3], $0x20, s4, s9, $0xb8;
	[tilespmem:$0xF138] =	vst v63  }
0x99: {  	_ =	swait.ge [sflag:s21], $0x1000  }
0x9a: {  	[sflag:s21] =	ssyncset.done $0x0  }
0x9b: {  	[sflag:s21] =	ssyncadd.s32 $0xFFFFF000  }
0x9c: {  	[spmem:s2] =	stream.indirect.scatter.add.f32 [tilespmem:s29], [sflag:$0x3], $0x1, s4, s9, $0xb8;
	[tilespmem:$0xF138] =	vst v63  }
0x9d: {  	p2 =	sge.u32 s16, s10;
	_ =	swait.ge [sflag:s21], $0x80  }
0x9e: {  	s17 =	sadd.s32 @!p2 $0x80, s15;
	s18 =	simm.s32 @!p2 $0x80;
	[sflag:s21] =	ssyncset.done $0x0  }
0x9f: {  	s19 =	simm.s32 @!p2 $0x8000;
	[sflag:s21] =	ssyncadd.s32 $0xFFFFFF80  }
0xa0: {  	[tilespmem:s19], [sflag:$0x1] =	stream.indirect.gather @!p2 [hbm4b:s6+s18], $0x20, s17, s18, $0xb8;
	[tilespmem:$0xF138] =	vst v63  }
0xa1: {  	_ =	swait.ge [sflag:s30], $0x1000  }
0xa2: {  	s17 =	sadd.s32 $0x80, s4;
	[sflag:s30] =	ssyncset.done $0x0  }
0xa3: {  	[sflag:s30] =	ssyncadd.s32 $0xFFFFF000  }
0xa4: {  	[spmem:s1] =	stream.indirect.scatter.add.bf16 [tilespmem:s26], [sflag:$0x3], $0x20, s17, s9, $0xb8;
	[tilespmem:$0xF138] =	vst v63  }
.Ltmp3:
0xa5: {  	_ =	swait.ge [sflag:s21], $0x1000;
	(pc) =	sbr.rel @p1 .LBB2_4-.Ltmp3, $4  }
0xa6: {  	[sflag:s21] =	ssyncset.done $0x0  }
0xa7: {  	[sflag:s21] =	ssyncadd.s32 $0xFFFFF000  }
0xa8: {  	[spmem:s2] =	stream.indirect.scatter.add.f32 [tilespmem:s29], [sflag:$0x3], $0x1, s17, s9, $0xb8;
	[tilespmem:$0xF138] =	vst v63  }
0xa9: {  	s16 =	sadd.s32 $0x2, s16;
	s15 =	sadd.s32 $0x100, s15;
	_ =	swait.ge [sflag:s21], $0x80  }
.LBB2_5:
0xaa: {  	[sflag:s21] =	ssyncset.done $0x0  }
0xab: {  	[sflag:s21] =	ssyncadd.s32 $0xFFFFFF80  }
0xac: {  	[bflag:$0x0] =	sbarrier.arrive $0xFFFF  }
0xad: {  	s4 =	rddreg [dreg:$0xa]  }
0xae: {  	[hbm:s4], [sflag:s0] =	dma.local @!p0 [spmem:s12], $0xFA0  }
0xaf: {  	s4 =	simm.s32 @!p0 $0x3  }
0xb0: {  	s31 =	sadd.s32 $0x1, s31;
	_ =	swait.ge @!p0 [sflag:s4], $0xFA0  }
0xb1: {  	p1 =	sne.s32 s31, s20;
	[sflag:s4] =	ssyncset.done @!p0 $0x0  }
.Ltmp4:
0xb2: {  	s12 =	rddreg [dreg:$0xb];
	[sflag:s4] =	ssyncadd.s32 @!p0 $0xFFFFF060;
	(pc) =	sbr.rel @p1 .LBB2_1-.Ltmp4, $4  }
0xb3: {  	[hbm:s12], [sflag:s0] =	dma.local @!p0 [spmem:s13], $0x7D  }
0xb4: {  	_ =	swait.ge @!p0 [sflag:s4], $0x7D  }
0xb5: {  	[sflag:s4] =	ssyncset.done @!p0 $0x0  }
0xb6: {  	[sflag:s4] =	ssyncadd.s32 @!p0 $0xFFFFFF83  }
0xb7: {  	_ =	sfence.sel $0x180000  }
0xb8: {  	[bflag:$0x0] =	sbarrier.arrive $0xFFFF  }
0xb9: {  	_ =	strace $0x90000047  }
0xba: {  	s0 =	stileid.u32;
	[bflag:$0x2] =	sbarrier.arrive $0xFFFF  }
0xbb: {  	p0 =	sne.s32 s0, $0x0;
	s0 =	rddreg [dreg:$0x3]  }
0xbc: {  	s0 =	sadd.s32 @!p0 $0x100000, s0  }
0xbd: {  	[sflag:s0] =	ssyncadd.tile.s32 @!p0 $0x1;
	_ =	shalt  }
.Lfunc_end2:
_tile_overlayer_lowered:
.L_overlay_start_2:
0xbe: {  	(tag) =	ssettag $0x2  }
0xbf: {  	s0 =	rddreg [dreg:$0x0];
	s2 =	stileid.u32  }
0xc0: {  	s1 =	rddreg [dreg:$0x1];
	p0 =	sne.s32 s2, $0x0  }
0xc1: {  	s3 =	rddreg [dreg:$0x2];
	[bflag:$0x3] =	sbarrier.arrive $0xFFFF;
	s2 =	simm.s32 @!p0 $0x1C03  }
0xc2: {  	[timem:s3], [sflag:s2] =	dma.local @!p0 [hbm:s0], s1  }
0xc3: {  	s0 =	simm.s32 @!p0 $0x3  }
0xc4: {  	_ =	swait.ge @!p0 [sflag:s0], s1  }
0xc5: {  	s1 =	ssub.s32 @!p0 $0x0, s1;
	[sflag:s0] =	ssyncset.done @!p0 $0x0  }
0xc6: {  	[sflag:s0] =	ssyncadd.s32 @!p0 s1  }
0xc7: {  	[bflag:$0x3] =	sbarrier.arrive $0xFFFF  }
0xc8: {  	_ =	shalt  }

</sc_bundles>
